<compile_context>
chip_gen: v7x
topology: tpu7x:2x2x1
jax: 0.10.2.dev20260603
libtpu: 0.0.44.dev20260713+nightly
codegen_flags: <defaults>
</compile_context>

<pallas_src>
import functools

import jax
import jax.numpy as jnp
from jax import lax
from jax.experimental import pallas as pl
from jax.experimental.pallas import tpu as pltpu
from jax.experimental.pallas import tpu_sc as plsc

_NUM_CORES = 2
_NUM_SUBCORES = 16
_LANES = 16
_NW = _NUM_CORES * _NUM_SUBCORES


def _build_sc_kernel(B, V, D):
    assert B % _NW == 0
    b_per_w = B // _NW
    CH = 64
    NSLOT = 7
    assert b_per_w % CH == 0
    n_chunks = b_per_w // CH
    assert D % 8 == 0

    mesh = plsc.VectorSubcoreMesh(core_axis_name="c", subcore_axis_name="s")

    @functools.partial(
        pl.kernel,
        out_type=jax.ShapeDtypeStruct((B,), jnp.float32),
        mesh=mesh,
        compiler_params=pltpu.CompilerParams(needs_layout_passes=False),
        scratch_types=[
            pltpu.VMEM((n_chunks, CH), jnp.int32),
            pltpu.VMEM((n_chunks, CH), jnp.int32),
            pltpu.VMEM((NSLOT * CH, D), jnp.float32),
            pltpu.VMEM((NSLOT * CH, D), jnp.float32),
            pltpu.VMEM((b_per_w,), jnp.float32),
            pltpu.SemaphoreType.DMA,
            pltpu.SemaphoreType.DMA,
            pltpu.SemaphoreType.DMA,
            pltpu.SemaphoreType.DMA,
            pltpu.SemaphoreType.DMA,
            pltpu.SemaphoreType.DMA,
            pltpu.SemaphoreType.DMA,
            pltpu.SemaphoreType.DMA,
        ],
    )
    def sc_kernel(cw_hbm, xw_hbm, win_hbm, wout_hbm, out_hbm,
                  idx_c, idx_x, cbuf, xbuf, out_v,
                  sem0, sem1, sem2, sem3, sem4, sem5, sem6, semi):
        wid = lax.axis_index("s") * _NUM_CORES + lax.axis_index("c")
        base = wid * b_per_w

        idx_waits = []
        for ch in range(n_chunks):
            idx_waits.append((
                pltpu.async_copy(
                    cw_hbm.at[pl.ds(base + ch * CH, CH)], idx_c.at[ch], semi),
                pltpu.async_copy(
                    xw_hbm.at[pl.ds(base + ch * CH, CH)], idx_x.at[ch], semi)))

        sems = (sem0, sem1, sem2, sem3, sem4, sem5, sem6)

        def start(ch):
            slot = ch % NSLOT
            idx_waits[ch][0].wait()
            idx_waits[ch][1].wait()
            d1 = pltpu.async_copy(win_hbm.at[idx_c.at[ch]],
                                  cbuf.at[pl.ds(slot * CH, CH)], sems[slot],
                                  priority=1)
            d2 = pltpu.async_copy(wout_hbm.at[idx_x.at[ch]],
                                  xbuf.at[pl.ds(slot * CH, CH)], sems[slot],
                                  priority=1)
            return d1, d2

        lane = lax.broadcasted_iota(jnp.int32, (_LANES,), 0)
        lastmask = lane == (_LANES - 1)
        inflight = [start(ch) for ch in range(NSLOT - 1)]
        for ch in range(n_chunks):
            if ch + NSLOT - 1 < n_chunks:
                inflight.append(start(ch + NSLOT - 1))
            pending = inflight.pop(0)
            pending[0].wait()
            pending[1].wait()
            slot = ch % NSLOT

            @plsc.parallel_loop(0, CH, step=1, unroll=2)
            def elem_loop(e, ch=ch, slot=slot):
                crow = slot * CH + e
                a = cbuf[crow, pl.ds(0, _LANES)] * xbuf[crow, pl.ds(0, _LANES)]
                b = (cbuf[crow, pl.ds(_LANES, _LANES)]
                     * xbuf[crow, pl.ds(_LANES, _LANES)])
                for k in range(2, D // _LANES, 2):
                    a = a + (cbuf[crow, pl.ds(k * _LANES, _LANES)]
                             * xbuf[crow, pl.ds(k * _LANES, _LANES)])
                    b = b + (cbuf[crow, pl.ds((k + 1) * _LANES, _LANES)]
                             * xbuf[crow, pl.ds((k + 1) * _LANES, _LANES)])
                s = plsc.cumsum(a + b)
                pos = jnp.full((_LANES,), ch * CH + e, jnp.int32)
                plsc.store_scatter(out_v, [pos], s, mask=lastmask)

        pltpu.sync_copy(out_v, out_hbm.at[pl.ds(base, b_per_w)])

    return sc_kernel


def kernel(center_word, context_words, W_in, W_out):
    B = center_word.shape[0]
    V, D = W_in.shape
    cw = center_word.astype(jnp.int32)
    xw = context_words.astype(jnp.int32)
    sc = _build_sc_kernel(B, V, D)
    return sc(cw, xw, W_in, W_out)

# --- scband reference (transcript-rebuilt; emitter-appended) ---
"""Pipeline reference for scband-word2-vec-model-67061619360438 (READ-ONLY COPY).

The authoritative reference and input builder live on the scoring server;
editing this copy changes nothing except your own understanding.
"""

import jax, jax.numpy as jnp
import numpy as np

VOCAB = 1000000
DIM = 128
BATCH = 16384

def setup_inputs(seed: int = 0) -> dict:
    key = jax.random.key(seed)
    k1, k2, k3, k4 = jax.random.split(key, 4)
    center_word = jax.random.randint(k1, (BATCH,), 0, VOCAB, dtype=jnp.int64 if jax.config.jax_enable_x64 else jnp.int32)
    context_words = jax.random.randint(k2, (BATCH,), 0, VOCAB, dtype=jnp.int64 if jax.config.jax_enable_x64 else jnp.int32)
    bound = 0.5 / DIM
    W_in = jax.random.uniform(k3, (VOCAB, DIM), dtype=jnp.float32, minval=-bound, maxval=bound)
    W_out = jax.random.uniform(k4, (VOCAB, DIM), dtype=jnp.float32, minval=-bound, maxval=bound)
    return {"center_word": center_word, "context_words": context_words, "W_in": W_in, "W_out": W_out}

def reference(center_word, context_words, W_in, W_out):
    # nn.Embedding lookups -> gathers
    center_embed = jnp.take(W_in, center_word, axis=0)      # [B, D]
    context_embed = jnp.take(W_out, context_words, axis=0)  # [B, D]
    score = jnp.sum(center_embed * context_embed, axis=1)   # [B]
    return score

if __name__ == "__main__":
    import jax
    _d = setup_inputs()
    print(jax.jit(kernel)(*tuple(_d.values())))

</pallas_src>

<mosaic_0001>
#map = affine_map<(d0, d1) -> (0)>
#map1 = affine_map<(d0, d1) -> (0, 0)>
module attributes {stable_mosaic.version = 14 : i64} {
  func.func @sc_kernel(%arg0: i32, %arg1: i32, %arg2: memref<16384xi32, #tpu.memory_space<hbm>>, %arg3: memref<16384xi32, #tpu.memory_space<hbm>>, %arg4: memref<1000000x128xf32, #tpu.memory_space<hbm>>, %arg5: memref<1000000x128xf32, #tpu.memory_space<hbm>>, %arg6: memref<16384xf32, #tpu.memory_space<hbm>>, %arg7: memref<8x64xi32, #tpu.memory_space<vmem>>, %arg8: memref<8x64xi32, #tpu.memory_space<vmem>>, %arg9: memref<448x128xf32, #tpu.memory_space<vmem>>, %arg10: memref<448x128xf32, #tpu.memory_space<vmem>>, %arg11: memref<512xf32, #tpu.memory_space<vmem>>, %arg12: memref<!tpu.dma_semaphore, #tpu.memory_space<semaphore_mem>>, %arg13: memref<!tpu.dma_semaphore, #tpu.memory_space<semaphore_mem>>, %arg14: memref<!tpu.dma_semaphore, #tpu.memory_space<semaphore_mem>>, %arg15: memref<!tpu.dma_semaphore, #tpu.memory_space<semaphore_mem>>, %arg16: memref<!tpu.dma_semaphore, #tpu.memory_space<semaphore_mem>>, %arg17: memref<!tpu.dma_semaphore, #tpu.memory_space<semaphore_mem>>, %arg18: memref<!tpu.dma_semaphore, #tpu.memory_space<semaphore_mem>>, %arg19: memref<!tpu.dma_semaphore, #tpu.memory_space<semaphore_mem>>) attributes {dimension_semantics = [#tpu.dimension_semantics<core_parallel>, #tpu.dimension_semantics<subcore_parallel>], iteration_bounds = array<i64: 2, 16>, scalar_prefetch = 0 : i64, scratch_operands = 13 : i64, tpu.core_type = #tpu.core_type<sc_vector_subcore>, window_params = [{transform_indices = #map}, {transform_indices = #map}, {transform_indices = #map1}, {transform_indices = #map1}, {transform_indices = #map}]} {
    %mul3A = arith.constant 2 : i32
    %mul3A_0 = arith.muli %arg1, %mul3A : i32
    %add3A = arith.addi %mul3A_0, %arg0 : i32
    %mul3A_1 = arith.constant 512 : i32
    %mul3A_2 = arith.muli %add3A, %mul3A_1 : i32
    %add3A_3 = arith.constant 0 : i32
    %add3A_4 = arith.addi %mul3A_2, %add3A_3 : i32
    %dma_start3A = arith.constant 0 : i32
    %dma_start3A_5 = arith.constant 0 : i32
    %dma_start3A_6 = tpu.memref_slice %arg7[%dma_start3A, %dma_start3A_5] : memref<8x64xi32, #tpu.memory_space<vmem>> -> memref<1x64xi32, #tpu.memory_space<vmem>>
    %dma_start3A_7 = tpu.memref_squeeze %dma_start3A_6 : memref<1x64xi32, #tpu.memory_space<vmem>> -> memref<64xi32, #tpu.memory_space<vmem>>
    %dma_start3A_8 = tpu.memref_slice %arg2[%add3A_4] : memref<16384xi32, #tpu.memory_space<hbm>> -> memref<64xi32, #tpu.memory_space<hbm>>
    %dma_start3A_9 = arith.constant 0 : i32
    %dma_start3A_10 = tpu.memref_slice %arg7[%dma_start3A, %dma_start3A_9] : memref<8x64xi32, #tpu.memory_space<vmem>> -> memref<1x64xi32, #tpu.memory_space<vmem>>
    %dma_start3A_11 = tpu.memref_squeeze %dma_start3A_10 : memref<1x64xi32, #tpu.memory_space<vmem>> -> memref<64xi32, #tpu.memory_space<vmem>>
    %dma_start3A_12 = tpu.memref_slice %arg2[%add3A_4] : memref<16384xi32, #tpu.memory_space<hbm>> -> memref<64xi32, #tpu.memory_space<hbm>>
    tpu.enqueue_dma source(%dma_start3A_12 : memref<64xi32, #tpu.memory_space<hbm>>) target(%dma_start3A_11 : memref<64xi32, #tpu.memory_space<vmem>>) target_semaphore(%arg19 : memref<!tpu.dma_semaphore, #tpu.memory_space<semaphore_mem>>)
    %add3A_13 = arith.constant 0 : i32
    %add3A_14 = arith.addi %mul3A_2, %add3A_13 : i32
    %dma_start3A_15 = arith.constant 0 : i32
    %dma_start3A_16 = arith.constant 0 : i32
    %dma_start3A_17 = tpu.memref_slice %arg8[%dma_start3A_15, %dma_start3A_16] : memref<8x64xi32, #tpu.memory_space<vmem>> -> memref<1x64xi32, #tpu.memory_space<vmem>>
    %dma_start3A_18 = tpu.memref_squeeze %dma_start3A_17 : memref<1x64xi32, #tpu.memory_space<vmem>> -> memref<64xi32, #tpu.memory_space<vmem>>
    %dma_start3A_19 = tpu.memref_slice %arg3[%add3A_14] : memref<16384xi32, #tpu.memory_space<hbm>> -> memref<64xi32, #tpu.memory_space<hbm>>
    %dma_start3A_20 = arith.constant 0 : i32
    %dma_start3A_21 = tpu.memref_slice %arg8[%dma_start3A_15, %dma_start3A_20] : memref<8x64xi32, #tpu.memory_space<vmem>> -> memref<1x64xi32, #tpu.memory_space<vmem>>
    %dma_start3A_22 = tpu.memref_squeeze %dma_start3A_21 : memref<1x64xi32, #tpu.memory_space<vmem>> -> memref<64xi32, #tpu.memory_space<vmem>>
    %dma_start3A_23 = tpu.memref_slice %arg3[%add3A_14] : memref<16384xi32, #tpu.memory_space<hbm>> -> memref<64xi32, #tpu.memory_space<hbm>>
    tpu.enqueue_dma source(%dma_start3A_23 : memref<64xi32, #tpu.memory_space<hbm>>) target(%dma_start3A_22 : memref<64xi32, #tpu.memory_space<vmem>>) target_semaphore(%arg19 : memref<!tpu.dma_semaphore, #tpu.memory_space<semaphore_mem>>)
    %add3A_24 = arith.constant 64 : i32
    %add3A_25 = arith.addi %mul3A_2, %add3A_24 : i32
    %dma_start3A_26 = arith.constant 1 : i32
    %dma_start3A_27 = arith.constant 0 : i32
    %dma_start3A_28 = tpu.memref_slice %arg7[%dma_start3A_26, %dma_start3A_27] : memref<8x64xi32, #tpu.memory_space<vmem>> -> memref<1x64xi32, #tpu.memory_space<vmem>>
    %dma_start3A_29 = tpu.memref_squeeze %dma_start3A_28 : memref<1x64xi32, #tpu.memory_space<vmem>> -> memref<64xi32, #tpu.memory_space<vmem>>
    %dma_start3A_30 = tpu.memref_slice %arg2[%add3A_25] : memref<16384xi32, #tpu.memory_space<hbm>> -> memref<64xi32, #tpu.memory_space<hbm>>
    %dma_start3A_31 = arith.constant 0 : i32
    %dma_start3A_32 = tpu.memref_slice %arg7[%dma_start3A_26, %dma_start3A_31] : memref<8x64xi32, #tpu.memory_space<vmem>> -> memref<1x64xi32, #tpu.memory_space<vmem>>
    %dma_start3A_33 = tpu.memref_squeeze %dma_start3A_32 : memref<1x64xi32, #tpu.memory_space<vmem>> -> memref<64xi32, #tpu.memory_space<vmem>>
    %dma_start3A_34 = tpu.memref_slice %arg2[%add3A_25] : memref<16384xi32, #tpu.memory_space<hbm>> -> memref<64xi32, #tpu.memory_space<hbm>>
    tpu.enqueue_dma source(%dma_start3A_34 : memref<64xi32, #tpu.memory_space<hbm>>) target(%dma_start3A_33 : memref<64xi32, #tpu.memory_space<vmem>>) target_semaphore(%arg19 : memref<!tpu.dma_semaphore, #tpu.memory_space<semaphore_mem>>)
    %add3A_35 = arith.constant 64 : i32
    %add3A_36 = arith.addi %mul3A_2, %add3A_35 : i32
    %dma_start3A_37 = arith.constant 1 : i32
    %dma_start3A_38 = arith.constant 0 : i32
    %dma_start3A_39 = tpu.memref_slice %arg8[%dma_start3A_37, %dma_start3A_38] : memref<8x64xi32, #tpu.memory_space<vmem>> -> memref<1x64xi32, #tpu.memory_space<vmem>>
    %dma_start3A_40 = tpu.memref_squeeze %dma_start3A_39 : memref<1x64xi32, #tpu.memory_space<vmem>> -> memref<64xi32, #tpu.memory_space<vmem>>
    %dma_start3A_41 = tpu.memref_slice %arg3[%add3A_36] : memref<16384xi32, #tpu.memory_space<hbm>> -> memref<64xi32, #tpu.memory_space<hbm>>
    %dma_start3A_42 = arith.constant 0 : i32
    %dma_start3A_43 = tpu.memref_slice %arg8[%dma_start3A_37, %dma_start3A_42] : memref<8x64xi32, #tpu.memory_space<vmem>> -> memref<1x64xi32, #tpu.memory_space<vmem>>
    %dma_start3A_44 = tpu.memref_squeeze %dma_start3A_43 : memref<1x64xi32, #tpu.memory_space<vmem>> -> memref<64xi32, #tpu.memory_space<vmem>>
    %dma_start3A_45 = tpu.memref_slice %arg3[%add3A_36] : memref<16384xi32, #tpu.memory_space<hbm>> -> memref<64xi32, #tpu.memory_space<hbm>>
    tpu.enqueue_dma source(%dma_start3A_45 : memref<64xi32, #tpu.memory_space<hbm>>) target(%dma_start3A_44 : memref<64xi32, #tpu.memory_space<vmem>>) target_semaphore(%arg19 : memref<!tpu.dma_semaphore, #tpu.memory_space<semaphore_mem>>)
    %add3A_46 = arith.constant 128 : i32
    %add3A_47 = arith.addi %mul3A_2, %add3A_46 : i32
    %dma_start3A_48 = arith.constant 2 : i32
    %dma_start3A_49 = arith.constant 0 : i32
    %dma_start3A_50 = tpu.memref_slice %arg7[%dma_start3A_48, %dma_start3A_49] : memref<8x64xi32, #tpu.memory_space<vmem>> -> memref<1x64xi32, #tpu.memory_space<vmem>>
    %dma_start3A_51 = tpu.memref_squeeze %dma_start3A_50 : memref<1x64xi32, #tpu.memory_space<vmem>> -> memref<64xi32, #tpu.memory_space<vmem>>
    %dma_start3A_52 = tpu.memref_slice %arg2[%add3A_47] : memref<16384xi32, #tpu.memory_space<hbm>> -> memref<64xi32, #tpu.memory_space<hbm>>
    %dma_start3A_53 = arith.constant 0 : i32
    %dma_start3A_54 = tpu.memref_slice %arg7[%dma_start3A_48, %dma_start3A_53] : memref<8x64xi32, #tpu.memory_space<vmem>> -> memref<1x64xi32, #tpu.memory_space<vmem>>
    %dma_start3A_55 = tpu.memref_squeeze %dma_start3A_54 : memref<1x64xi32, #tpu.memory_space<vmem>> -> memref<64xi32, #tpu.memory_space<vmem>>
    %dma_start3A_56 = tpu.memref_slice %arg2[%add3A_47] : memref<16384xi32, #tpu.memory_space<hbm>> -> memref<64xi32, #tpu.memory_space<hbm>>
    tpu.enqueue_dma source(%dma_start3A_56 : memref<64xi32, #tpu.memory_space<hbm>>) target(%dma_start3A_55 : memref<64xi32, #tpu.memory_space<vmem>>) target_semaphore(%arg19 : memref<!tpu.dma_semaphore, #tpu.memory_space<semaphore_mem>>)
    %add3A_57 = arith.constant 128 : i32
    %add3A_58 = arith.addi %mul3A_2, %add3A_57 : i32
    %dma_start3A_59 = arith.constant 2 : i32
    %dma_start3A_60 = arith.constant 0 : i32
    %dma_start3A_61 = tpu.memref_slice %arg8[%dma_start3A_59, %dma_start3A_60] : memref<8x64xi32, #tpu.memory_space<vmem>> -> memref<1x64xi32, #tpu.memory_space<vmem>>
    %dma_start3A_62 = tpu.memref_squeeze %dma_start3A_61 : memref<1x64xi32, #tpu.memory_space<vmem>> -> memref<64xi32, #tpu.memory_space<vmem>>
    %dma_start3A_63 = tpu.memref_slice %arg3[%add3A_58] : memref<16384xi32, #tpu.memory_space<hbm>> -> memref<64xi32, #tpu.memory_space<hbm>>
    %dma_start3A_64 = arith.constant 0 : i32
    %dma_start3A_65 = tpu.memref_slice %arg8[%dma_start3A_59, %dma_start3A_64] : memref<8x64xi32, #tpu.memory_space<vmem>> -> memref<1x64xi32, #tpu.memory_space<vmem>>
    %dma_start3A_66 = tpu.memref_squeeze %dma_start3A_65 : memref<1x64xi32, #tpu.memory_space<vmem>> -> memref<64xi32, #tpu.memory_space<vmem>>
    %dma_start3A_67 = tpu.memref_slice %arg3[%add3A_58] : memref<16384xi32, #tpu.memory_space<hbm>> -> memref<64xi32, #tpu.memory_space<hbm>>
    tpu.enqueue_dma source(%dma_start3A_67 : memref<64xi32, #tpu.memory_space<hbm>>) target(%dma_start3A_66 : memref<64xi32, #tpu.memory_space<vmem>>) target_semaphore(%arg19 : memref<!tpu.dma_semaphore, #tpu.memory_space<semaphore_mem>>)
    %add3A_68 = arith.constant 192 : i32
    %add3A_69 = arith.addi %mul3A_2, %add3A_68 : i32
    %dma_start3A_70 = arith.constant 3 : i32
    %dma_start3A_71 = arith.constant 0 : i32
    %dma_start3A_72 = tpu.memref_slice %arg7[%dma_start3A_70, %dma_start3A_71] : memref<8x64xi32, #tpu.memory_space<vmem>> -> memref<1x64xi32, #tpu.memory_space<vmem>>
    %dma_start3A_73 = tpu.memref_squeeze %dma_start3A_72 : memref<1x64xi32, #tpu.memory_space<vmem>> -> memref<64xi32, #tpu.memory_space<vmem>>
    %dma_start3A_74 = tpu.memref_slice %arg2[%add3A_69] : memref<16384xi32, #tpu.memory_space<hbm>> -> memref<64xi32, #tpu.memory_space<hbm>>
    %dma_start3A_75 = arith.constant 0 : i32
    %dma_start3A_76 = tpu.memref_slice %arg7[%dma_start3A_70, %dma_start3A_75] : memref<8x64xi32, #tpu.memory_space<vmem>> -> memref<1x64xi32, #tpu.memory_space<vmem>>
    %dma_start3A_77 = tpu.memref_squeeze %dma_start3A_76 : memref<1x64xi32, #tpu.memory_space<vmem>> -> memref<64xi32, #tpu.memory_space<vmem>>
    %dma_start3A_78 = tpu.memref_slice %arg2[%add3A_69] : memref<16384xi32, #tpu.memory_space<hbm>> -> memref<64xi32, #tpu.memory_space<hbm>>
    tpu.enqueue_dma source(%dma_start3A_78 : memref<64xi32, #tpu.memory_space<hbm>>) target(%dma_start3A_77 : memref<64xi32, #tpu.memory_space<vmem>>) target_semaphore(%arg19 : memref<!tpu.dma_semaphore, #tpu.memory_space<semaphore_mem>>)
    %add3A_79 = arith.constant 192 : i32
    %add3A_80 = arith.addi %mul3A_2, %add3A_79 : i32
    %dma_start3A_81 = arith.constant 3 : i32
    %dma_start3A_82 = arith.constant 0 : i32
    %dma_start3A_83 = tpu.memref_slice %arg8[%dma_start3A_81, %dma_start3A_82] : memref<8x64xi32, #tpu.memory_space<vmem>> -> memref<1x64xi32, #tpu.memory_space<vmem>>
    %dma_start3A_84 = tpu.memref_squeeze %dma_start3A_83 : memref<1x64xi32, #tpu.memory_space<vmem>> -> memref<64xi32, #tpu.memory_space<vmem>>
    %dma_start3A_85 = tpu.memref_slice %arg3[%add3A_80] : memref<16384xi32, #tpu.memory_space<hbm>> -> memref<64xi32, #tpu.memory_space<hbm>>
    %dma_start3A_86 = arith.constant 0 : i32
    %dma_start3A_87 = tpu.memref_slice %arg8[%dma_start3A_81, %dma_start3A_86] : memref<8x64xi32, #tpu.memory_space<vmem>> -> memref<1x64xi32, #tpu.memory_space<vmem>>
    %dma_start3A_88 = tpu.memref_squeeze %dma_start3A_87 : memref<1x64xi32, #tpu.memory_space<vmem>> -> memref<64xi32, #tpu.memory_space<vmem>>
    %dma_start3A_89 = tpu.memref_slice %arg3[%add3A_80] : memref<16384xi32, #tpu.memory_space<hbm>> -> memref<64xi32, #tpu.memory_space<hbm>>
    tpu.enqueue_dma source(%dma_start3A_89 : memref<64xi32, #tpu.memory_space<hbm>>) target(%dma_start3A_88 : memref<64xi32, #tpu.memory_space<vmem>>) target_semaphore(%arg19 : memref<!tpu.dma_semaphore, #tpu.memory_space<semaphore_mem>>)
    %add3A_90 = arith.constant 256 : i32
    %add3A_91 = arith.addi %mul3A_2, %add3A_90 : i32
    %dma_start3A_92 = arith.constant 4 : i32
    %dma_start3A_93 = arith.constant 0 : i32
    %dma_start3A_94 = tpu.memref_slice %arg7[%dma_start3A_92, %dma_start3A_93] : memref<8x64xi32, #tpu.memory_space<vmem>> -> memref<1x64xi32, #tpu.memory_space<vmem>>
    %dma_start3A_95 = tpu.memref_squeeze %dma_start3A_94 : memref<1x64xi32, #tpu.memory_space<vmem>> -> memref<64xi32, #tpu.memory_space<vmem>>
    %dma_start3A_96 = tpu.memref_slice %arg2[%add3A_91] : memref<16384xi32, #tpu.memory_space<hbm>> -> memref<64xi32, #tpu.memory_space<hbm>>
    %dma_start3A_97 = arith.constant 0 : i32
    %dma_start3A_98 = tpu.memref_slice %arg7[%dma_start3A_92, %dma_start3A_97] : memref<8x64xi32, #tpu.memory_space<vmem>> -> memref<1x64xi32, #tpu.memory_space<vmem>>
    %dma_start3A_99 = tpu.memref_squeeze %dma_start3A_98 : memref<1x64xi32, #tpu.memory_space<vmem>> -> memref<64xi32, #tpu.memory_space<vmem>>
    %dma_start3A_100 = tpu.memref_slice %arg2[%add3A_91] : memref<16384xi32, #tpu.memory_space<hbm>> -> memref<64xi32, #tpu.memory_space<hbm>>
    tpu.enqueue_dma source(%dma_start3A_100 : memref<64xi32, #tpu.memory_space<hbm>>) target(%dma_start3A_99 : memref<64xi32, #tpu.memory_space<vmem>>) target_semaphore(%arg19 : memref<!tpu.dma_semaphore, #tpu.memory_space<semaphore_mem>>)
    %add3A_101 = arith.constant 256 : i32
    %add3A_102 = arith.addi %mul3A_2, %add3A_101 : i32
    %dma_start3A_103 = arith.constant 4 : i32
    %dma_start3A_104 = arith.constant 0 : i32
    %dma_start3A_105 = tpu.memref_slice %arg8[%dma_start3A_103, %dma_start3A_104] : memref<8x64xi32, #tpu.memory_space<vmem>> -> memref<1x64xi32, #tpu.memory_space<vmem>>
    %dma_start3A_106 = tpu.memref_squeeze %dma_start3A_105 : memref<1x64xi32, #tpu.memory_space<vmem>> -> memref<64xi32, #tpu.memory_space<vmem>>
    %dma_start3A_107 = tpu.memref_slice %arg3[%add3A_102] : memref<16384xi32, #tpu.memory_space<hbm>> -> memref<64xi32, #tpu.memory_space<hbm>>
    %dma_start3A_108 = arith.constant 0 : i32
    %dma_start3A_109 = tpu.memref_slice %arg8[%dma_start3A_103, %dma_start3A_108] : memref<8x64xi32, #tpu.memory_space<vmem>> -> memref<1x64xi32, #tpu.memory_space<vmem>>
    %dma_start3A_110 = tpu.memref_squeeze %dma_start3A_109 : memref<1x64xi32, #tpu.memory_space<vmem>> -> memref<64xi32, #tpu.memory_space<vmem>>
    %dma_start3A_111 = tpu.memref_slice %arg3[%add3A_102] : memref<16384xi32, #tpu.memory_space<hbm>> -> memref<64xi32, #tpu.memory_space<hbm>>
    tpu.enqueue_dma source(%dma_start3A_111 : memref<64xi32, #tpu.memory_space<hbm>>) target(%dma_start3A_110 : memref<64xi32, #tpu.memory_space<vmem>>) target_semaphore(%arg19 : memref<!tpu.dma_semaphore, #tpu.memory_space<semaphore_mem>>)
    %add3A_112 = arith.constant 320 : i32
    %add3A_113 = arith.addi %mul3A_2, %add3A_112 : i32
    %dma_start3A_114 = arith.constant 5 : i32
    %dma_start3A_115 = arith.constant 0 : i32
    %dma_start3A_116 = tpu.memref_slice %arg7[%dma_start3A_114, %dma_start3A_115] : memref<8x64xi32, #tpu.memory_space<vmem>> -> memref<1x64xi32, #tpu.memory_space<vmem>>
    %dma_start3A_117 = tpu.memref_squeeze %dma_start3A_116 : memref<1x64xi32, #tpu.memory_space<vmem>> -> memref<64xi32, #tpu.memory_space<vmem>>
    %dma_start3A_118 = tpu.memref_slice %arg2[%add3A_113] : memref<16384xi32, #tpu.memory_space<hbm>> -> memref<64xi32, #tpu.memory_space<hbm>>
    %dma_start3A_119 = arith.constant 0 : i32
    %dma_start3A_120 = tpu.memref_slice %arg7[%dma_start3A_114, %dma_start3A_119] : memref<8x64xi32, #tpu.memory_space<vmem>> -> memref<1x64xi32, #tpu.memory_space<vmem>>
    %dma_start3A_121 = tpu.memref_squeeze %dma_start3A_120 : memref<1x64xi32, #tpu.memory_space<vmem>> -> memref<64xi32, #tpu.memory_space<vmem>>
    %dma_start3A_122 = tpu.memref_slice %arg2[%add3A_113] : memref<16384xi32, #tpu.memory_space<hbm>> -> memref<64xi32, #tpu.memory_space<hbm>>
    tpu.enqueue_dma source(%dma_start3A_122 : memref<64xi32, #tpu.memory_space<hbm>>) target(%dma_start3A_121 : memref<64xi32, #tpu.memory_space<vmem>>) target_semaphore(%arg19 : memref<!tpu.dma_semaphore, #tpu.memory_space<semaphore_mem>>)
    %add3A_123 = arith.constant 320 : i32
    %add3A_124 = arith.addi %mul3A_2, %add3A_123 : i32
    %dma_start3A_125 = arith.constant 5 : i32
    %dma_start3A_126 = arith.constant 0 : i32
    %dma_start3A_127 = tpu.memref_slice %arg8[%dma_start3A_125, %dma_start3A_126] : memref<8x64xi32, #tpu.memory_space<vmem>> -> memref<1x64xi32, #tpu.memory_space<vmem>>
    %dma_start3A_128 = tpu.memref_squeeze %dma_start3A_127 : memref<1x64xi32, #tpu.memory_space<vmem>> -> memref<64xi32, #tpu.memory_space<vmem>>
    %dma_start3A_129 = tpu.memref_slice %arg3[%add3A_124] : memref<16384xi32, #tpu.memory_space<hbm>> -> memref<64xi32, #tpu.memory_space<hbm>>
    %dma_start3A_130 = arith.constant 0 : i32
    %dma_start3A_131 = tpu.memref_slice %arg8[%dma_start3A_125, %dma_start3A_130] : memref<8x64xi32, #tpu.memory_space<vmem>> -> memref<1x64xi32, #tpu.memory_space<vmem>>
    %dma_start3A_132 = tpu.memref_squeeze %dma_start3A_131 : memref<1x64xi32, #tpu.memory_space<vmem>> -> memref<64xi32, #tpu.memory_space<vmem>>
    %dma_start3A_133 = tpu.memref_slice %arg3[%add3A_124] : memref<16384xi32, #tpu.memory_space<hbm>> -> memref<64xi32, #tpu.memory_space<hbm>>
    tpu.enqueue_dma source(%dma_start3A_133 : memref<64xi32, #tpu.memory_space<hbm>>) target(%dma_start3A_132 : memref<64xi32, #tpu.memory_space<vmem>>) target_semaphore(%arg19 : memref<!tpu.dma_semaphore, #tpu.memory_space<semaphore_mem>>)
    %add3A_134 = arith.constant 384 : i32
    %add3A_135 = arith.addi %mul3A_2, %add3A_134 : i32
    %dma_start3A_136 = arith.constant 6 : i32
    %dma_start3A_137 = arith.constant 0 : i32
    %dma_start3A_138 = tpu.memref_slice %arg7[%dma_start3A_136, %dma_start3A_137] : memref<8x64xi32, #tpu.memory_space<vmem>> -> memref<1x64xi32, #tpu.memory_space<vmem>>
    %dma_start3A_139 = tpu.memref_squeeze %dma_start3A_138 : memref<1x64xi32, #tpu.memory_space<vmem>> -> memref<64xi32, #tpu.memory_space<vmem>>
    %dma_start3A_140 = tpu.memref_slice %arg2[%add3A_135] : memref<16384xi32, #tpu.memory_space<hbm>> -> memref<64xi32, #tpu.memory_space<hbm>>
    %dma_start3A_141 = arith.constant 0 : i32
    %dma_start3A_142 = tpu.memref_slice %arg7[%dma_start3A_136, %dma_start3A_141] : memref<8x64xi32, #tpu.memory_space<vmem>> -> memref<1x64xi32, #tpu.memory_space<vmem>>
    %dma_start3A_143 = tpu.memref_squeeze %dma_start3A_142 : memref<1x64xi32, #tpu.memory_space<vmem>> -> memref<64xi32, #tpu.memory_space<vmem>>
    %dma_start3A_144 = tpu.memref_slice %arg2[%add3A_135] : memref<16384xi32, #tpu.memory_space<hbm>> -> memref<64xi32, #tpu.memory_space<hbm>>
    tpu.enqueue_dma source(%dma_start3A_144 : memref<64xi32, #tpu.memory_space<hbm>>) target(%dma_start3A_143 : memref<64xi32, #tpu.memory_space<vmem>>) target_semaphore(%arg19 : memref<!tpu.dma_semaphore, #tpu.memory_space<semaphore_mem>>)
    %add3A_145 = arith.constant 384 : i32
    %add3A_146 = arith.addi %mul3A_2, %add3A_145 : i32
    %dma_start3A_147 = arith.constant 6 : i32
    %dma_start3A_148 = arith.constant 0 : i32
    %dma_start3A_149 = tpu.memref_slice %arg8[%dma_start3A_147, %dma_start3A_148] : memref<8x64xi32, #tpu.memory_space<vmem>> -> memref<1x64xi32, #tpu.memory_space<vmem>>
    %dma_start3A_150 = tpu.memref_squeeze %dma_start3A_149 : memref<1x64xi32, #tpu.memory_space<vmem>> -> memref<64xi32, #tpu.memory_space<vmem>>
    %dma_start3A_151 = tpu.memref_slice %arg3[%add3A_146] : memref<16384xi32, #tpu.memory_space<hbm>> -> memref<64xi32, #tpu.memory_space<hbm>>
    %dma_start3A_152 = arith.constant 0 : i32
    %dma_start3A_153 = tpu.memref_slice %arg8[%dma_start3A_147, %dma_start3A_152] : memref<8x64xi32, #tpu.memory_space<vmem>> -> memref<1x64xi32, #tpu.memory_space<vmem>>
    %dma_start3A_154 = tpu.memref_squeeze %dma_start3A_153 : memref<1x64xi32, #tpu.memory_space<vmem>> -> memref<64xi32, #tpu.memory_space<vmem>>
    %dma_start3A_155 = tpu.memref_slice %arg3[%add3A_146] : memref<16384xi32, #tpu.memory_space<hbm>> -> memref<64xi32, #tpu.memory_space<hbm>>
    tpu.enqueue_dma source(%dma_start3A_155 : memref<64xi32, #tpu.memory_space<hbm>>) target(%dma_start3A_154 : memref<64xi32, #tpu.memory_space<vmem>>) target_semaphore(%arg19 : memref<!tpu.dma_semaphore, #tpu.memory_space<semaphore_mem>>)
    %add3A_156 = arith.constant 448 : i32
    %add3A_157 = arith.addi %mul3A_2, %add3A_156 : i32
    %dma_start3A_158 = arith.constant 7 : i32
    %dma_start3A_159 = arith.constant 0 : i32
    %dma_start3A_160 = tpu.memref_slice %arg7[%dma_start3A_158, %dma_start3A_159] : memref<8x64xi32, #tpu.memory_space<vmem>> -> memref<1x64xi32, #tpu.memory_space<vmem>>
    %dma_start3A_161 = tpu.memref_squeeze %dma_start3A_160 : memref<1x64xi32, #tpu.memory_space<vmem>> -> memref<64xi32, #tpu.memory_space<vmem>>
    %dma_start3A_162 = tpu.memref_slice %arg2[%add3A_157] : memref<16384xi32, #tpu.memory_space<hbm>> -> memref<64xi32, #tpu.memory_space<hbm>>
    %dma_start3A_163 = arith.constant 0 : i32
    %dma_start3A_164 = tpu.memref_slice %arg7[%dma_start3A_158, %dma_start3A_163] : memref<8x64xi32, #tpu.memory_space<vmem>> -> memref<1x64xi32, #tpu.memory_space<vmem>>
    %dma_start3A_165 = tpu.memref_squeeze %dma_start3A_164 : memref<1x64xi32, #tpu.memory_space<vmem>> -> memref<64xi32, #tpu.memory_space<vmem>>
    %dma_start3A_166 = tpu.memref_slice %arg2[%add3A_157] : memref<16384xi32, #tpu.memory_space<hbm>> -> memref<64xi32, #tpu.memory_space<hbm>>
    tpu.enqueue_dma source(%dma_start3A_166 : memref<64xi32, #tpu.memory_space<hbm>>) target(%dma_start3A_165 : memref<64xi32, #tpu.memory_space<vmem>>) target_semaphore(%arg19 : memref<!tpu.dma_semaphore, #tpu.memory_space<semaphore_mem>>)
    %add3A_167 = arith.constant 448 : i32
    %add3A_168 = arith.addi %mul3A_2, %add3A_167 : i32
    %dma_start3A_169 = arith.constant 7 : i32
    %dma_start3A_170 = arith.constant 0 : i32
    %dma_start3A_171 = tpu.memref_slice %arg8[%dma_start3A_169, %dma_start3A_170] : memref<8x64xi32, #tpu.memory_space<vmem>> -> memref<1x64xi32, #tpu.memory_space<vmem>>
    %dma_start3A_172 = tpu.memref_squeeze %dma_start3A_171 : memref<1x64xi32, #tpu.memory_space<vmem>> -> memref<64xi32, #tpu.memory_space<vmem>>
    %dma_start3A_173 = tpu.memref_slice %arg3[%add3A_168] : memref<16384xi32, #tpu.memory_space<hbm>> -> memref<64xi32, #tpu.memory_space<hbm>>
    %dma_start3A_174 = arith.constant 0 : i32
    %dma_start3A_175 = tpu.memref_slice %arg8[%dma_start3A_169, %dma_start3A_174] : memref<8x64xi32, #tpu.memory_space<vmem>> -> memref<1x64xi32, #tpu.memory_space<vmem>>
    %dma_start3A_176 = tpu.memref_squeeze %dma_start3A_175 : memref<1x64xi32, #tpu.memory_space<vmem>> -> memref<64xi32, #tpu.memory_space<vmem>>
    %dma_start3A_177 = tpu.memref_slice %arg3[%add3A_168] : memref<16384xi32, #tpu.memory_space<hbm>> -> memref<64xi32, #tpu.memory_space<hbm>>
    tpu.enqueue_dma source(%dma_start3A_177 : memref<64xi32, #tpu.memory_space<hbm>>) target(%dma_start3A_176 : memref<64xi32, #tpu.memory_space<vmem>>) target_semaphore(%arg19 : memref<!tpu.dma_semaphore, #tpu.memory_space<semaphore_mem>>)
    %iota3A = tpu.iota {dimensions = array<i32: 0>} : vector<16xi32>
    %eq3A = arith.constant 15 : i32
    %eq3A_178 = vector.broadcast %eq3A : i32 to vector<16xi32>
    %eq3A_179 = arith.cmpi eq, %iota3A, %eq3A_178 : vector<16xi32>
    %dma_wait3A = arith.constant 0 : i32
    %dma_wait3A_180 = arith.constant 0 : i32
    %dma_wait3A_181 = tpu.memref_slice %arg7[%dma_wait3A, %dma_wait3A_180] : memref<8x64xi32, #tpu.memory_space<vmem>> -> memref<1x64xi32, #tpu.memory_space<vmem>>
    %dma_wait3A_182 = tpu.memref_squeeze %dma_wait3A_181 : memref<1x64xi32, #tpu.memory_space<vmem>> -> memref<64xi32, #tpu.memory_space<vmem>>
    %dma_wait3A_183 = tpu.memref_slice %arg2[%add3A_4] : memref<16384xi32, #tpu.memory_space<hbm>> -> memref<64xi32, #tpu.memory_space<hbm>>
    %dma_wait3A_184 = arith.constant 0 : i32
    %dma_wait3A_185 = tpu.memref_slice %arg7[%dma_wait3A, %dma_wait3A_184] : memref<8x64xi32, #tpu.memory_space<vmem>> -> memref<1x64xi32, #tpu.memory_space<vmem>>
    %dma_wait3A_186 = tpu.memref_squeeze %dma_wait3A_185 : memref<1x64xi32, #tpu.memory_space<vmem>> -> memref<64xi32, #tpu.memory_space<vmem>>
    %dma_wait3A_187 = tpu.memref_slice %arg2[%add3A_4] : memref<16384xi32, #tpu.memory_space<hbm>> -> memref<64xi32, #tpu.memory_space<hbm>>
    tpu.wait_dma2 semaphore(%arg19 : memref<!tpu.dma_semaphore, #tpu.memory_space<semaphore_mem>>) src(%dma_wait3A_187 : memref<64xi32, #tpu.memory_space<hbm>>) dst(%dma_wait3A_186 : memref<64xi32, #tpu.memory_space<vmem>>)
    %dma_wait3A_188 = arith.constant 0 : i32
    %dma_wait3A_189 = arith.constant 0 : i32
    %dma_wait3A_190 = tpu.memref_slice %arg8[%dma_wait3A_188, %dma_wait3A_189] : memref<8x64xi32, #tpu.memory_space<vmem>> -> memref<1x64xi32, #tpu.memory_space<vmem>>
    %dma_wait3A_191 = tpu.memref_squeeze %dma_wait3A_190 : memref<1x64xi32, #tpu.memory_space<vmem>> -> memref<64xi32, #tpu.memory_space<vmem>>
    %dma_wait3A_192 = tpu.memref_slice %arg3[%add3A_14] : memref<16384xi32, #tpu.memory_space<hbm>> -> memref<64xi32, #tpu.memory_space<hbm>>
    %dma_wait3A_193 = arith.constant 0 : i32
    %dma_wait3A_194 = tpu.memref_slice %arg8[%dma_wait3A_188, %dma_wait3A_193] : memref<8x64xi32, #tpu.memory_space<vmem>> -> memref<1x64xi32, #tpu.memory_space<vmem>>
    %dma_wait3A_195 = tpu.memref_squeeze %dma_wait3A_194 : memref<1x64xi32, #tpu.memory_space<vmem>> -> memref<64xi32, #tpu.memory_space<vmem>>
    %dma_wait3A_196 = tpu.memref_slice %arg3[%add3A_14] : memref<16384xi32, #tpu.memory_space<hbm>> -> memref<64xi32, #tpu.memory_space<hbm>>
    tpu.wait_dma2 semaphore(%arg19 : memref<!tpu.dma_semaphore, #tpu.memory_space<semaphore_mem>>) src(%dma_wait3A_196 : memref<64xi32, #tpu.memory_space<hbm>>) dst(%dma_wait3A_195 : memref<64xi32, #tpu.memory_space<vmem>>)
    %dma_start3A_197 = arith.constant 0 : i32
    %dma_start3A_198 = arith.constant 0 : i32
    %dma_start3A_199 = arith.constant 0 : i32
    %dma_start3A_200 = tpu.memref_slice %arg9[%dma_start3A_198, %dma_start3A_199] : memref<448x128xf32, #tpu.memory_space<vmem>> -> memref<64x128xf32, #tpu.memory_space<vmem>>
    %dma_start3A_201 = arith.constant 0 : i32
    %dma_start3A_202 = tpu.memref_slice %arg7[%dma_start3A_197, %dma_start3A_201] : memref<8x64xi32, #tpu.memory_space<vmem>> -> memref<1x64xi32, #tpu.memory_space<vmem>>
    %dma_start3A_203 = tpu.memref_squeeze %dma_start3A_202 : memref<1x64xi32, #tpu.memory_space<vmem>> -> memref<64xi32, #tpu.memory_space<vmem>>
    %dma_start3A_204 = arith.constant 0 : i32
    %dma_start3A_205 = arith.constant 0 : i32
    %dma_start3A_206 = tpu.memref_slice %arg4[%dma_start3A_204, %dma_start3A_205] : memref<1000000x128xf32, #tpu.memory_space<hbm>> -> memref<1000000x128xf32, #tpu.memory_space<hbm>>
    tpu.enqueue_indirect_dma source(%dma_start3A_206 : memref<1000000x128xf32, #tpu.memory_space<hbm>>) target(%dma_start3A_200 : memref<64x128xf32, #tpu.memory_space<vmem>>) offsets(%dma_start3A_203 : memref<64xi32, #tpu.memory_space<vmem>>) semaphore(%arg12 : memref<!tpu.dma_semaphore, #tpu.memory_space<semaphore_mem>>)
    %dma_start3A_207 = arith.constant 0 : i32
    %dma_start3A_208 = arith.constant 0 : i32
    %dma_start3A_209 = arith.constant 0 : i32
    %dma_start3A_210 = tpu.memref_slice %arg10[%dma_start3A_208, %dma_start3A_209] : memref<448x128xf32, #tpu.memory_space<vmem>> -> memref<64x128xf32, #tpu.memory_space<vmem>>
    %dma_start3A_211 = arith.constant 0 : i32
    %dma_start3A_212 = tpu.memref_slice %arg8[%dma_start3A_207, %dma_start3A_211] : memref<8x64xi32, #tpu.memory_space<vmem>> -> memref<1x64xi32, #tpu.memory_space<vmem>>
    %dma_start3A_213 = tpu.memref_squeeze %dma_start3A_212 : memref<1x64xi32, #tpu.memory_space<vmem>> -> memref<64xi32, #tpu.memory_space<vmem>>
    %dma_start3A_214 = arith.constant 0 : i32
    %dma_start3A_215 = arith.constant 0 : i32
    %dma_start3A_216 = tpu.memref_slice %arg5[%dma_start3A_214, %dma_start3A_215] : memref<1000000x128xf32, #tpu.memory_space<hbm>> -> memref<1000000x128xf32, #tpu.memory_space<hbm>>
    tpu.enqueue_indirect_dma source(%dma_start3A_216 : memref<1000000x128xf32, #tpu.memory_space<hbm>>) target(%dma_start3A_210 : memref<64x128xf32, #tpu.memory_space<vmem>>) offsets(%dma_start3A_213 : memref<64xi32, #tpu.memory_space<vmem>>) semaphore(%arg12 : memref<!tpu.dma_semaphore, #tpu.memory_space<semaphore_mem>>)
    %dma_wait3A_217 = arith.constant 1 : i32
    %dma_wait3A_218 = arith.constant 0 : i32
    %dma_wait3A_219 = tpu.memref_slice %arg7[%dma_wait3A_217, %dma_wait3A_218] : memref<8x64xi32, #tpu.memory_space<vmem>> -> memref<1x64xi32, #tpu.memory_space<vmem>>
    %dma_wait3A_220 = tpu.memref_squeeze %dma_wait3A_219 : memref<1x64xi32, #tpu.memory_space<vmem>> -> memref<64xi32, #tpu.memory_space<vmem>>
    %dma_wait3A_221 = tpu.memref_slice %arg2[%add3A_25] : memref<16384xi32, #tpu.memory_space<hbm>> -> memref<64xi32, #tpu.memory_space<hbm>>
    %dma_wait3A_222 = arith.constant 0 : i32
    %dma_wait3A_223 = tpu.memref_slice %arg7[%dma_wait3A_217, %dma_wait3A_222] : memref<8x64xi32, #tpu.memory_space<vmem>> -> memref<1x64xi32, #tpu.memory_space<vmem>>
    %dma_wait3A_224 = tpu.memref_squeeze %dma_wait3A_223 : memref<1x64xi32, #tpu.memory_space<vmem>> -> memref<64xi32, #tpu.memory_space<vmem>>
    %dma_wait3A_225 = tpu.memref_slice %arg2[%add3A_25] : memref<16384xi32, #tpu.memory_space<hbm>> -> memref<64xi32, #tpu.memory_space<hbm>>
    tpu.wait_dma2 semaphore(%arg19 : memref<!tpu.dma_semaphore, #tpu.memory_space<semaphore_mem>>) src(%dma_wait3A_225 : memref<64xi32, #tpu.memory_space<hbm>>) dst(%dma_wait3A_224 : memref<64xi32, #tpu.memory_space<vmem>>)
    %dma_wait3A_226 = arith.constant 1 : i32
    %dma_wait3A_227 = arith.constant 0 : i32
    %dma_wait3A_228 = tpu.memref_slice %arg8[%dma_wait3A_226, %dma_wait3A_227] : memref<8x64xi32, #tpu.memory_space<vmem>> -> memref<1x64xi32, #tpu.memory_space<vmem>>
    %dma_wait3A_229 = tpu.memref_squeeze %dma_wait3A_228 : memref<1x64xi32, #tpu.memory_space<vmem>> -> memref<64xi32, #tpu.memory_space<vmem>>
    %dma_wait3A_230 = tpu.memref_slice %arg3[%add3A_36] : memref<16384xi32, #tpu.memory_space<hbm>> -> memref<64xi32, #tpu.memory_space<hbm>>
    %dma_wait3A_231 = arith.constant 0 : i32
    %dma_wait3A_232 = tpu.memref_slice %arg8[%dma_wait3A_226, %dma_wait3A_231] : memref<8x64xi32, #tpu.memory_space<vmem>> -> memref<1x64xi32, #tpu.memory_space<vmem>>
    %dma_wait3A_233 = tpu.memref_squeeze %dma_wait3A_232 : memref<1x64xi32, #tpu.memory_space<vmem>> -> memref<64xi32, #tpu.memory_space<vmem>>
    %dma_wait3A_234 = tpu.memref_slice %arg3[%add3A_36] : memref<16384xi32, #tpu.memory_space<hbm>> -> memref<64xi32, #tpu.memory_space<hbm>>
    tpu.wait_dma2 semaphore(%arg19 : memref<!tpu.dma_semaphore, #tpu.memory_space<semaphore_mem>>) src(%dma_wait3A_234 : memref<64xi32, #tpu.memory_space<hbm>>) dst(%dma_wait3A_233 : memref<64xi32, #tpu.memory_space<vmem>>)
    %dma_start3A_235 = arith.constant 1 : i32
    %dma_start3A_236 = arith.constant 64 : i32
    %dma_start3A_237 = arith.constant 0 : i32
    %dma_start3A_238 = tpu.memref_slice %arg9[%dma_start3A_236, %dma_start3A_237] : memref<448x128xf32, #tpu.memory_space<vmem>> -> memref<64x128xf32, #tpu.memory_space<vmem>>
    %dma_start3A_239 = arith.constant 0 : i32
    %dma_start3A_240 = tpu.memref_slice %arg7[%dma_start3A_235, %dma_start3A_239] : memref<8x64xi32, #tpu.memory_space<vmem>> -> memref<1x64xi32, #tpu.memory_space<vmem>>
    %dma_start3A_241 = tpu.memref_squeeze %dma_start3A_240 : memref<1x64xi32, #tpu.memory_space<vmem>> -> memref<64xi32, #tpu.memory_space<vmem>>
    %dma_start3A_242 = arith.constant 0 : i32
    %dma_start3A_243 = arith.constant 0 : i32
    %dma_start3A_244 = tpu.memref_slice %arg4[%dma_start3A_242, %dma_start3A_243] : memref<1000000x128xf32, #tpu.memory_space<hbm>> -> memref<1000000x128xf32, #tpu.memory_space<hbm>>
    tpu.enqueue_indirect_dma source(%dma_start3A_244 : memref<1000000x128xf32, #tpu.memory_space<hbm>>) target(%dma_start3A_238 : memref<64x128xf32, #tpu.memory_space<vmem>>) offsets(%dma_start3A_241 : memref<64xi32, #tpu.memory_space<vmem>>) semaphore(%arg13 : memref<!tpu.dma_semaphore, #tpu.memory_space<semaphore_mem>>)
    %dma_start3A_245 = arith.constant 1 : i32
    %dma_start3A_246 = arith.constant 64 : i32
    %dma_start3A_247 = arith.constant 0 : i32
    %dma_start3A_248 = tpu.memref_slice %arg10[%dma_start3A_246, %dma_start3A_247] : memref<448x128xf32, #tpu.memory_space<vmem>> -> memref<64x128xf32, #tpu.memory_space<vmem>>
    %dma_start3A_249 = arith.constant 0 : i32
    %dma_start3A_250 = tpu.memref_slice %arg8[%dma_start3A_245, %dma_start3A_249] : memref<8x64xi32, #tpu.memory_space<vmem>> -> memref<1x64xi32, #tpu.memory_space<vmem>>
    %dma_start3A_251 = tpu.memref_squeeze %dma_start3A_250 : memref<1x64xi32, #tpu.memory_space<vmem>> -> memref<64xi32, #tpu.memory_space<vmem>>
    %dma_start3A_252 = arith.constant 0 : i32
    %dma_start3A_253 = arith.constant 0 : i32
    %dma_start3A_254 = tpu.memref_slice %arg5[%dma_start3A_252, %dma_start3A_253] : memref<1000000x128xf32, #tpu.memory_space<hbm>> -> memref<1000000x128xf32, #tpu.memory_space<hbm>>
    tpu.enqueue_indirect_dma source(%dma_start3A_254 : memref<1000000x128xf32, #tpu.memory_space<hbm>>) target(%dma_start3A_248 : memref<64x128xf32, #tpu.memory_space<vmem>>) offsets(%dma_start3A_251 : memref<64xi32, #tpu.memory_space<vmem>>) semaphore(%arg13 : memref<!tpu.dma_semaphore, #tpu.memory_space<semaphore_mem>>)
    %dma_wait3A_255 = arith.constant 2 : i32
    %dma_wait3A_256 = arith.constant 0 : i32
    %dma_wait3A_257 = tpu.memref_slice %arg7[%dma_wait3A_255, %dma_wait3A_256] : memref<8x64xi32, #tpu.memory_space<vmem>> -> memref<1x64xi32, #tpu.memory_space<vmem>>
    %dma_wait3A_258 = tpu.memref_squeeze %dma_wait3A_257 : memref<1x64xi32, #tpu.memory_space<vmem>> -> memref<64xi32, #tpu.memory_space<vmem>>
    %dma_wait3A_259 = tpu.memref_slice %arg2[%add3A_47] : memref<16384xi32, #tpu.memory_space<hbm>> -> memref<64xi32, #tpu.memory_space<hbm>>
    %dma_wait3A_260 = arith.constant 0 : i32
    %dma_wait3A_261 = tpu.memref_slice %arg7[%dma_wait3A_255, %dma_wait3A_260] : memref<8x64xi32, #tpu.memory_space<vmem>> -> memref<1x64xi32, #tpu.memory_space<vmem>>
    %dma_wait3A_262 = tpu.memref_squeeze %dma_wait3A_261 : memref<1x64xi32, #tpu.memory_space<vmem>> -> memref<64xi32, #tpu.memory_space<vmem>>
    %dma_wait3A_263 = tpu.memref_slice %arg2[%add3A_47] : memref<16384xi32, #tpu.memory_space<hbm>> -> memref<64xi32, #tpu.memory_space<hbm>>
    tpu.wait_dma2 semaphore(%arg19 : memref<!tpu.dma_semaphore, #tpu.memory_space<semaphore_mem>>) src(%dma_wait3A_263 : memref<64xi32, #tpu.memory_space<hbm>>) dst(%dma_wait3A_262 : memref<64xi32, #tpu.memory_space<vmem>>)
    %dma_wait3A_264 = arith.constant 2 : i32
    %dma_wait3A_265 = arith.constant 0 : i32
    %dma_wait3A_266 = tpu.memref_slice %arg8[%dma_wait3A_264, %dma_wait3A_265] : memref<8x64xi32, #tpu.memory_space<vmem>> -> memref<1x64xi32, #tpu.memory_space<vmem>>
    %dma_wait3A_267 = tpu.memref_squeeze %dma_wait3A_266 : memref<1x64xi32, #tpu.memory_space<vmem>> -> memref<64xi32, #tpu.memory_space<vmem>>
    %dma_wait3A_268 = tpu.memref_slice %arg3[%add3A_58] : memref<16384xi32, #tpu.memory_space<hbm>> -> memref<64xi32, #tpu.memory_space<hbm>>
    %dma_wait3A_269 = arith.constant 0 : i32
    %dma_wait3A_270 = tpu.memref_slice %arg8[%dma_wait3A_264, %dma_wait3A_269] : memref<8x64xi32, #tpu.memory_space<vmem>> -> memref<1x64xi32, #tpu.memory_space<vmem>>
    %dma_wait3A_271 = tpu.memref_squeeze %dma_wait3A_270 : memref<1x64xi32, #tpu.memory_space<vmem>> -> memref<64xi32, #tpu.memory_space<vmem>>
    %dma_wait3A_272 = tpu.memref_slice %arg3[%add3A_58] : memref<16384xi32, #tpu.memory_space<hbm>> -> memref<64xi32, #tpu.memory_space<hbm>>
    tpu.wait_dma2 semaphore(%arg19 : memref<!tpu.dma_semaphore, #tpu.memory_space<semaphore_mem>>) src(%dma_wait3A_272 : memref<64xi32, #tpu.memory_space<hbm>>) dst(%dma_wait3A_271 : memref<64xi32, #tpu.memory_space<vmem>>)
    %dma_start3A_273 = arith.constant 2 : i32
    %dma_start3A_274 = arith.constant 128 : i32
    %dma_start3A_275 = arith.constant 0 : i32
    %dma_start3A_276 = tpu.memref_slice %arg9[%dma_start3A_274, %dma_start3A_275] : memref<448x128xf32, #tpu.memory_space<vmem>> -> memref<64x128xf32, #tpu.memory_space<vmem>>
    %dma_start3A_277 = arith.constant 0 : i32
    %dma_start3A_278 = tpu.memref_slice %arg7[%dma_start3A_273, %dma_start3A_277] : memref<8x64xi32, #tpu.memory_space<vmem>> -> memref<1x64xi32, #tpu.memory_space<vmem>>
    %dma_start3A_279 = tpu.memref_squeeze %dma_start3A_278 : memref<1x64xi32, #tpu.memory_space<vmem>> -> memref<64xi32, #tpu.memory_space<vmem>>
    %dma_start3A_280 = arith.constant 0 : i32
    %dma_start3A_281 = arith.constant 0 : i32
    %dma_start3A_282 = tpu.memref_slice %arg4[%dma_start3A_280, %dma_start3A_281] : memref<1000000x128xf32, #tpu.memory_space<hbm>> -> memref<1000000x128xf32, #tpu.memory_space<hbm>>
    tpu.enqueue_indirect_dma source(%dma_start3A_282 : memref<1000000x128xf32, #tpu.memory_space<hbm>>) target(%dma_start3A_276 : memref<64x128xf32, #tpu.memory_space<vmem>>) offsets(%dma_start3A_279 : memref<64xi32, #tpu.memory_space<vmem>>) semaphore(%arg14 : memref<!tpu.dma_semaphore, #tpu.memory_space<semaphore_mem>>)
    %dma_start3A_283 = arith.constant 2 : i32
    %dma_start3A_284 = arith.constant 128 : i32
    %dma_start3A_285 = arith.constant 0 : i32
    %dma_start3A_286 = tpu.memref_slice %arg10[%dma_start3A_284, %dma_start3A_285] : memref<448x128xf32, #tpu.memory_space<vmem>> -> memref<64x128xf32, #tpu.memory_space<vmem>>
    %dma_start3A_287 = arith.constant 0 : i32
    %dma_start3A_288 = tpu.memref_slice %arg8[%dma_start3A_283, %dma_start3A_287] : memref<8x64xi32, #tpu.memory_space<vmem>> -> memref<1x64xi32, #tpu.memory_space<vmem>>
    %dma_start3A_289 = tpu.memref_squeeze %dma_start3A_288 : memref<1x64xi32, #tpu.memory_space<vmem>> -> memref<64xi32, #tpu.memory_space<vmem>>
    %dma_start3A_290 = arith.constant 0 : i32
    %dma_start3A_291 = arith.constant 0 : i32
    %dma_start3A_292 = tpu.memref_slice %arg5[%dma_start3A_290, %dma_start3A_291] : memref<1000000x128xf32, #tpu.memory_space<hbm>> -> memref<1000000x128xf32, #tpu.memory_space<hbm>>
    tpu.enqueue_indirect_dma source(%dma_start3A_292 : memref<1000000x128xf32, #tpu.memory_space<hbm>>) target(%dma_start3A_286 : memref<64x128xf32, #tpu.memory_space<vmem>>) offsets(%dma_start3A_289 : memref<64xi32, #tpu.memory_space<vmem>>) semaphore(%arg14 : memref<!tpu.dma_semaphore, #tpu.memory_space<semaphore_mem>>)
    %dma_wait3A_293 = arith.constant 3 : i32
    %dma_wait3A_294 = arith.constant 0 : i32
    %dma_wait3A_295 = tpu.memref_slice %arg7[%dma_wait3A_293, %dma_wait3A_294] : memref<8x64xi32, #tpu.memory_space<vmem>> -> memref<1x64xi32, #tpu.memory_space<vmem>>
    %dma_wait3A_296 = tpu.memref_squeeze %dma_wait3A_295 : memref<1x64xi32, #tpu.memory_space<vmem>> -> memref<64xi32, #tpu.memory_space<vmem>>
    %dma_wait3A_297 = tpu.memref_slice %arg2[%add3A_69] : memref<16384xi32, #tpu.memory_space<hbm>> -> memref<64xi32, #tpu.memory_space<hbm>>
    %dma_wait3A_298 = arith.constant 0 : i32
    %dma_wait3A_299 = tpu.memref_slice %arg7[%dma_wait3A_293, %dma_wait3A_298] : memref<8x64xi32, #tpu.memory_space<vmem>> -> memref<1x64xi32, #tpu.memory_space<vmem>>
    %dma_wait3A_300 = tpu.memref_squeeze %dma_wait3A_299 : memref<1x64xi32, #tpu.memory_space<vmem>> -> memref<64xi32, #tpu.memory_space<vmem>>
    %dma_wait3A_301 = tpu.memref_slice %arg2[%add3A_69] : memref<16384xi32, #tpu.memory_space<hbm>> -> memref<64xi32, #tpu.memory_space<hbm>>
    tpu.wait_dma2 semaphore(%arg19 : memref<!tpu.dma_semaphore, #tpu.memory_space<semaphore_mem>>) src(%dma_wait3A_301 : memref<64xi32, #tpu.memory_space<hbm>>) dst(%dma_wait3A_300 : memref<64xi32, #tpu.memory_space<vmem>>)
    %dma_wait3A_302 = arith.constant 3 : i32
    %dma_wait3A_303 = arith.constant 0 : i32
    %dma_wait3A_304 = tpu.memref_slice %arg8[%dma_wait3A_302, %dma_wait3A_303] : memref<8x64xi32, #tpu.memory_space<vmem>> -> memref<1x64xi32, #tpu.memory_space<vmem>>
    %dma_wait3A_305 = tpu.memref_squeeze %dma_wait3A_304 : memref<1x64xi32, #tpu.memory_space<vmem>> -> memref<64xi32, #tpu.memory_space<vmem>>
    %dma_wait3A_306 = tpu.memref_slice %arg3[%add3A_80] : memref<16384xi32, #tpu.memory_space<hbm>> -> memref<64xi32, #tpu.memory_space<hbm>>
    %dma_wait3A_307 = arith.constant 0 : i32
    %dma_wait3A_308 = tpu.memref_slice %arg8[%dma_wait3A_302, %dma_wait3A_307] : memref<8x64xi32, #tpu.memory_space<vmem>> -> memref<1x64xi32, #tpu.memory_space<vmem>>
    %dma_wait3A_309 = tpu.memref_squeeze %dma_wait3A_308 : memref<1x64xi32, #tpu.memory_space<vmem>> -> memref<64xi32, #tpu.memory_space<vmem>>
    %dma_wait3A_310 = tpu.memref_slice %arg3[%add3A_80] : memref<16384xi32, #tpu.memory_space<hbm>> -> memref<64xi32, #tpu.memory_space<hbm>>
    tpu.wait_dma2 semaphore(%arg19 : memref<!tpu.dma_semaphore, #tpu.memory_space<semaphore_mem>>) src(%dma_wait3A_310 : memref<64xi32, #tpu.memory_space<hbm>>) dst(%dma_wait3A_309 : memref<64xi32, #tpu.memory_space<vmem>>)
    %dma_start3A_311 = arith.constant 3 : i32
    %dma_start3A_312 = arith.constant 192 : i32
    %dma_start3A_313 = arith.constant 0 : i32
    %dma_start3A_314 = tpu.memref_slice %arg9[%dma_start3A_312, %dma_start3A_313] : memref<448x128xf32, #tpu.memory_space<vmem>> -> memref<64x128xf32, #tpu.memory_space<vmem>>
    %dma_start3A_315 = arith.constant 0 : i32
    %dma_start3A_316 = tpu.memref_slice %arg7[%dma_start3A_311, %dma_start3A_315] : memref<8x64xi32, #tpu.memory_space<vmem>> -> memref<1x64xi32, #tpu.memory_space<vmem>>
    %dma_start3A_317 = tpu.memref_squeeze %dma_start3A_316 : memref<1x64xi32, #tpu.memory_space<vmem>> -> memref<64xi32, #tpu.memory_space<vmem>>
    %dma_start3A_318 = arith.constant 0 : i32
    %dma_start3A_319 = arith.constant 0 : i32
    %dma_start3A_320 = tpu.memref_slice %arg4[%dma_start3A_318, %dma_start3A_319] : memref<1000000x128xf32, #tpu.memory_space<hbm>> -> memref<1000000x128xf32, #tpu.memory_space<hbm>>
    tpu.enqueue_indirect_dma source(%dma_start3A_320 : memref<1000000x128xf32, #tpu.memory_space<hbm>>) target(%dma_start3A_314 : memref<64x128xf32, #tpu.memory_space<vmem>>) offsets(%dma_start3A_317 : memref<64xi32, #tpu.memory_space<vmem>>) semaphore(%arg15 : memref<!tpu.dma_semaphore, #tpu.memory_space<semaphore_mem>>)
    %dma_start3A_321 = arith.constant 3 : i32
    %dma_start3A_322 = arith.constant 192 : i32
    %dma_start3A_323 = arith.constant 0 : i32
    %dma_start3A_324 = tpu.memref_slice %arg10[%dma_start3A_322, %dma_start3A_323] : memref<448x128xf32, #tpu.memory_space<vmem>> -> memref<64x128xf32, #tpu.memory_space<vmem>>
    %dma_start3A_325 = arith.constant 0 : i32
    %dma_start3A_326 = tpu.memref_slice %arg8[%dma_start3A_321, %dma_start3A_325] : memref<8x64xi32, #tpu.memory_space<vmem>> -> memref<1x64xi32, #tpu.memory_space<vmem>>
    %dma_start3A_327 = tpu.memref_squeeze %dma_start3A_326 : memref<1x64xi32, #tpu.memory_space<vmem>> -> memref<64xi32, #tpu.memory_space<vmem>>
    %dma_start3A_328 = arith.constant 0 : i32
    %dma_start3A_329 = arith.constant 0 : i32
    %dma_start3A_330 = tpu.memref_slice %arg5[%dma_start3A_328, %dma_start3A_329] : memref<1000000x128xf32, #tpu.memory_space<hbm>> -> memref<1000000x128xf32, #tpu.memory_space<hbm>>
    tpu.enqueue_indirect_dma source(%dma_start3A_330 : memref<1000000x128xf32, #tpu.memory_space<hbm>>) target(%dma_start3A_324 : memref<64x128xf32, #tpu.memory_space<vmem>>) offsets(%dma_start3A_327 : memref<64xi32, #tpu.memory_space<vmem>>) semaphore(%arg15 : memref<!tpu.dma_semaphore, #tpu.memory_space<semaphore_mem>>)
    %dma_wait3A_331 = arith.constant 4 : i32
    %dma_wait3A_332 = arith.constant 0 : i32
    %dma_wait3A_333 = tpu.memref_slice %arg7[%dma_wait3A_331, %dma_wait3A_332] : memref<8x64xi32, #tpu.memory_space<vmem>> -> memref<1x64xi32, #tpu.memory_space<vmem>>
    %dma_wait3A_334 = tpu.memref_squeeze %dma_wait3A_333 : memref<1x64xi32, #tpu.memory_space<vmem>> -> memref<64xi32, #tpu.memory_space<vmem>>
    %dma_wait3A_335 = tpu.memref_slice %arg2[%add3A_91] : memref<16384xi32, #tpu.memory_space<hbm>> -> memref<64xi32, #tpu.memory_space<hbm>>
    %dma_wait3A_336 = arith.constant 0 : i32
    %dma_wait3A_337 = tpu.memref_slice %arg7[%dma_wait3A_331, %dma_wait3A_336] : memref<8x64xi32, #tpu.memory_space<vmem>> -> memref<1x64xi32, #tpu.memory_space<vmem>>
    %dma_wait3A_338 = tpu.memref_squeeze %dma_wait3A_337 : memref<1x64xi32, #tpu.memory_space<vmem>> -> memref<64xi32, #tpu.memory_space<vmem>>
    %dma_wait3A_339 = tpu.memref_slice %arg2[%add3A_91] : memref<16384xi32, #tpu.memory_space<hbm>> -> memref<64xi32, #tpu.memory_space<hbm>>
    tpu.wait_dma2 semaphore(%arg19 : memref<!tpu.dma_semaphore, #tpu.memory_space<semaphore_mem>>) src(%dma_wait3A_339 : memref<64xi32, #tpu.memory_space<hbm>>) dst(%dma_wait3A_338 : memref<64xi32, #tpu.memory_space<vmem>>)
    %dma_wait3A_340 = arith.constant 4 : i32
    %dma_wait3A_341 = arith.constant 0 : i32
    %dma_wait3A_342 = tpu.memref_slice %arg8[%dma_wait3A_340, %dma_wait3A_341] : memref<8x64xi32, #tpu.memory_space<vmem>> -> memref<1x64xi32, #tpu.memory_space<vmem>>
    %dma_wait3A_343 = tpu.memref_squeeze %dma_wait3A_342 : memref<1x64xi32, #tpu.memory_space<vmem>> -> memref<64xi32, #tpu.memory_space<vmem>>
    %dma_wait3A_344 = tpu.memref_slice %arg3[%add3A_102] : memref<16384xi32, #tpu.memory_space<hbm>> -> memref<64xi32, #tpu.memory_space<hbm>>
    %dma_wait3A_345 = arith.constant 0 : i32
    %dma_wait3A_346 = tpu.memref_slice %arg8[%dma_wait3A_340, %dma_wait3A_345] : memref<8x64xi32, #tpu.memory_space<vmem>> -> memref<1x64xi32, #tpu.memory_space<vmem>>
    %dma_wait3A_347 = tpu.memref_squeeze %dma_wait3A_346 : memref<1x64xi32, #tpu.memory_space<vmem>> -> memref<64xi32, #tpu.memory_space<vmem>>
    %dma_wait3A_348 = tpu.memref_slice %arg3[%add3A_102] : memref<16384xi32, #tpu.memory_space<hbm>> -> memref<64xi32, #tpu.memory_space<hbm>>
    tpu.wait_dma2 semaphore(%arg19 : memref<!tpu.dma_semaphore, #tpu.memory_space<semaphore_mem>>) src(%dma_wait3A_348 : memref<64xi32, #tpu.memory_space<hbm>>) dst(%dma_wait3A_347 : memref<64xi32, #tpu.memory_space<vmem>>)
    %dma_start3A_349 = arith.constant 4 : i32
    %dma_start3A_350 = arith.constant 256 : i32
    %dma_start3A_351 = arith.constant 0 : i32
    %dma_start3A_352 = tpu.memref_slice %arg9[%dma_start3A_350, %dma_start3A_351] : memref<448x128xf32, #tpu.memory_space<vmem>> -> memref<64x128xf32, #tpu.memory_space<vmem>>
    %dma_start3A_353 = arith.constant 0 : i32
    %dma_start3A_354 = tpu.memref_slice %arg7[%dma_start3A_349, %dma_start3A_353] : memref<8x64xi32, #tpu.memory_space<vmem>> -> memref<1x64xi32, #tpu.memory_space<vmem>>
    %dma_start3A_355 = tpu.memref_squeeze %dma_start3A_354 : memref<1x64xi32, #tpu.memory_space<vmem>> -> memref<64xi32, #tpu.memory_space<vmem>>
    %dma_start3A_356 = arith.constant 0 : i32
    %dma_start3A_357 = arith.constant 0 : i32
    %dma_start3A_358 = tpu.memref_slice %arg4[%dma_start3A_356, %dma_start3A_357] : memref<1000000x128xf32, #tpu.memory_space<hbm>> -> memref<1000000x128xf32, #tpu.memory_space<hbm>>
    tpu.enqueue_indirect_dma source(%dma_start3A_358 : memref<1000000x128xf32, #tpu.memory_space<hbm>>) target(%dma_start3A_352 : memref<64x128xf32, #tpu.memory_space<vmem>>) offsets(%dma_start3A_355 : memref<64xi32, #tpu.memory_space<vmem>>) semaphore(%arg16 : memref<!tpu.dma_semaphore, #tpu.memory_space<semaphore_mem>>)
    %dma_start3A_359 = arith.constant 4 : i32
    %dma_start3A_360 = arith.constant 256 : i32
    %dma_start3A_361 = arith.constant 0 : i32
    %dma_start3A_362 = tpu.memref_slice %arg10[%dma_start3A_360, %dma_start3A_361] : memref<448x128xf32, #tpu.memory_space<vmem>> -> memref<64x128xf32, #tpu.memory_space<vmem>>
    %dma_start3A_363 = arith.constant 0 : i32
    %dma_start3A_364 = tpu.memref_slice %arg8[%dma_start3A_359, %dma_start3A_363] : memref<8x64xi32, #tpu.memory_space<vmem>> -> memref<1x64xi32, #tpu.memory_space<vmem>>
    %dma_start3A_365 = tpu.memref_squeeze %dma_start3A_364 : memref<1x64xi32, #tpu.memory_space<vmem>> -> memref<64xi32, #tpu.memory_space<vmem>>
    %dma_start3A_366 = arith.constant 0 : i32
    %dma_start3A_367 = arith.constant 0 : i32
    %dma_start3A_368 = tpu.memref_slice %arg5[%dma_start3A_366, %dma_start3A_367] : memref<1000000x128xf32, #tpu.memory_space<hbm>> -> memref<1000000x128xf32, #tpu.memory_space<hbm>>
    tpu.enqueue_indirect_dma source(%dma_start3A_368 : memref<1000000x128xf32, #tpu.memory_space<hbm>>) target(%dma_start3A_362 : memref<64x128xf32, #tpu.memory_space<vmem>>) offsets(%dma_start3A_365 : memref<64xi32, #tpu.memory_space<vmem>>) semaphore(%arg16 : memref<!tpu.dma_semaphore, #tpu.memory_space<semaphore_mem>>)
    %dma_wait3A_369 = arith.constant 5 : i32
    %dma_wait3A_370 = arith.constant 0 : i32
    %dma_wait3A_371 = tpu.memref_slice %arg7[%dma_wait3A_369, %dma_wait3A_370] : memref<8x64xi32, #tpu.memory_space<vmem>> -> memref<1x64xi32, #tpu.memory_space<vmem>>
    %dma_wait3A_372 = tpu.memref_squeeze %dma_wait3A_371 : memref<1x64xi32, #tpu.memory_space<vmem>> -> memref<64xi32, #tpu.memory_space<vmem>>
    %dma_wait3A_373 = tpu.memref_slice %arg2[%add3A_113] : memref<16384xi32, #tpu.memory_space<hbm>> -> memref<64xi32, #tpu.memory_space<hbm>>
    %dma_wait3A_374 = arith.constant 0 : i32
    %dma_wait3A_375 = tpu.memref_slice %arg7[%dma_wait3A_369, %dma_wait3A_374] : memref<8x64xi32, #tpu.memory_space<vmem>> -> memref<1x64xi32, #tpu.memory_space<vmem>>
    %dma_wait3A_376 = tpu.memref_squeeze %dma_wait3A_375 : memref<1x64xi32, #tpu.memory_space<vmem>> -> memref<64xi32, #tpu.memory_space<vmem>>
    %dma_wait3A_377 = tpu.memref_slice %arg2[%add3A_113] : memref<16384xi32, #tpu.memory_space<hbm>> -> memref<64xi32, #tpu.memory_space<hbm>>
    tpu.wait_dma2 semaphore(%arg19 : memref<!tpu.dma_semaphore, #tpu.memory_space<semaphore_mem>>) src(%dma_wait3A_377 : memref<64xi32, #tpu.memory_space<hbm>>) dst(%dma_wait3A_376 : memref<64xi32, #tpu.memory_space<vmem>>)
    %dma_wait3A_378 = arith.constant 5 : i32
    %dma_wait3A_379 = arith.constant 0 : i32
    %dma_wait3A_380 = tpu.memref_slice %arg8[%dma_wait3A_378, %dma_wait3A_379] : memref<8x64xi32, #tpu.memory_space<vmem>> -> memref<1x64xi32, #tpu.memory_space<vmem>>
    %dma_wait3A_381 = tpu.memref_squeeze %dma_wait3A_380 : memref<1x64xi32, #tpu.memory_space<vmem>> -> memref<64xi32, #tpu.memory_space<vmem>>
    %dma_wait3A_382 = tpu.memref_slice %arg3[%add3A_124] : memref<16384xi32, #tpu.memory_space<hbm>> -> memref<64xi32, #tpu.memory_space<hbm>>
    %dma_wait3A_383 = arith.constant 0 : i32
    %dma_wait3A_384 = tpu.memref_slice %arg8[%dma_wait3A_378, %dma_wait3A_383] : memref<8x64xi32, #tpu.memory_space<vmem>> -> memref<1x64xi32, #tpu.memory_space<vmem>>
    %dma_wait3A_385 = tpu.memref_squeeze %dma_wait3A_384 : memref<1x64xi32, #tpu.memory_space<vmem>> -> memref<64xi32, #tpu.memory_space<vmem>>
    %dma_wait3A_386 = tpu.memref_slice %arg3[%add3A_124] : memref<16384xi32, #tpu.memory_space<hbm>> -> memref<64xi32, #tpu.memory_space<hbm>>
    tpu.wait_dma2 semaphore(%arg19 : memref<!tpu.dma_semaphore, #tpu.memory_space<semaphore_mem>>) src(%dma_wait3A_386 : memref<64xi32, #tpu.memory_space<hbm>>) dst(%dma_wait3A_385 : memref<64xi32, #tpu.memory_space<vmem>>)
    %dma_start3A_387 = arith.constant 5 : i32
    %dma_start3A_388 = arith.constant 320 : i32
    %dma_start3A_389 = arith.constant 0 : i32
    %dma_start3A_390 = tpu.memref_slice %arg9[%dma_start3A_388, %dma_start3A_389] : memref<448x128xf32, #tpu.memory_space<vmem>> -> memref<64x128xf32, #tpu.memory_space<vmem>>
    %dma_start3A_391 = arith.constant 0 : i32
    %dma_start3A_392 = tpu.memref_slice %arg7[%dma_start3A_387, %dma_start3A_391] : memref<8x64xi32, #tpu.memory_space<vmem>> -> memref<1x64xi32, #tpu.memory_space<vmem>>
    %dma_start3A_393 = tpu.memref_squeeze %dma_start3A_392 : memref<1x64xi32, #tpu.memory_space<vmem>> -> memref<64xi32, #tpu.memory_space<vmem>>
    %dma_start3A_394 = arith.constant 0 : i32
    %dma_start3A_395 = arith.constant 0 : i32
    %dma_start3A_396 = tpu.memref_slice %arg4[%dma_start3A_394, %dma_start3A_395] : memref<1000000x128xf32, #tpu.memory_space<hbm>> -> memref<1000000x128xf32, #tpu.memory_space<hbm>>
    tpu.enqueue_indirect_dma source(%dma_start3A_396 : memref<1000000x128xf32, #tpu.memory_space<hbm>>) target(%dma_start3A_390 : memref<64x128xf32, #tpu.memory_space<vmem>>) offsets(%dma_start3A_393 : memref<64xi32, #tpu.memory_space<vmem>>) semaphore(%arg17 : memref<!tpu.dma_semaphore, #tpu.memory_space<semaphore_mem>>)
    %dma_start3A_397 = arith.constant 5 : i32
    %dma_start3A_398 = arith.constant 320 : i32
    %dma_start3A_399 = arith.constant 0 : i32
    %dma_start3A_400 = tpu.memref_slice %arg10[%dma_start3A_398, %dma_start3A_399] : memref<448x128xf32, #tpu.memory_space<vmem>> -> memref<64x128xf32, #tpu.memory_space<vmem>>
    %dma_start3A_401 = arith.constant 0 : i32
    %dma_start3A_402 = tpu.memref_slice %arg8[%dma_start3A_397, %dma_start3A_401] : memref<8x64xi32, #tpu.memory_space<vmem>> -> memref<1x64xi32, #tpu.memory_space<vmem>>
    %dma_start3A_403 = tpu.memref_squeeze %dma_start3A_402 : memref<1x64xi32, #tpu.memory_space<vmem>> -> memref<64xi32, #tpu.memory_space<vmem>>
    %dma_start3A_404 = arith.constant 0 : i32
    %dma_start3A_405 = arith.constant 0 : i32
    %dma_start3A_406 = tpu.memref_slice %arg5[%dma_start3A_404, %dma_start3A_405] : memref<1000000x128xf32, #tpu.memory_space<hbm>> -> memref<1000000x128xf32, #tpu.memory_space<hbm>>
    tpu.enqueue_indirect_dma source(%dma_start3A_406 : memref<1000000x128xf32, #tpu.memory_space<hbm>>) target(%dma_start3A_400 : memref<64x128xf32, #tpu.memory_space<vmem>>) offsets(%dma_start3A_403 : memref<64xi32, #tpu.memory_space<vmem>>) semaphore(%arg17 : memref<!tpu.dma_semaphore, #tpu.memory_space<semaphore_mem>>)
    %dma_wait3A_407 = arith.constant 6 : i32
    %dma_wait3A_408 = arith.constant 0 : i32
    %dma_wait3A_409 = tpu.memref_slice %arg7[%dma_wait3A_407, %dma_wait3A_408] : memref<8x64xi32, #tpu.memory_space<vmem>> -> memref<1x64xi32, #tpu.memory_space<vmem>>
    %dma_wait3A_410 = tpu.memref_squeeze %dma_wait3A_409 : memref<1x64xi32, #tpu.memory_space<vmem>> -> memref<64xi32, #tpu.memory_space<vmem>>
    %dma_wait3A_411 = tpu.memref_slice %arg2[%add3A_135] : memref<16384xi32, #tpu.memory_space<hbm>> -> memref<64xi32, #tpu.memory_space<hbm>>
    %dma_wait3A_412 = arith.constant 0 : i32
    %dma_wait3A_413 = tpu.memref_slice %arg7[%dma_wait3A_407, %dma_wait3A_412] : memref<8x64xi32, #tpu.memory_space<vmem>> -> memref<1x64xi32, #tpu.memory_space<vmem>>
    %dma_wait3A_414 = tpu.memref_squeeze %dma_wait3A_413 : memref<1x64xi32, #tpu.memory_space<vmem>> -> memref<64xi32, #tpu.memory_space<vmem>>
    %dma_wait3A_415 = tpu.memref_slice %arg2[%add3A_135] : memref<16384xi32, #tpu.memory_space<hbm>> -> memref<64xi32, #tpu.memory_space<hbm>>
    tpu.wait_dma2 semaphore(%arg19 : memref<!tpu.dma_semaphore, #tpu.memory_space<semaphore_mem>>) src(%dma_wait3A_415 : memref<64xi32, #tpu.memory_space<hbm>>) dst(%dma_wait3A_414 : memref<64xi32, #tpu.memory_space<vmem>>)
    %dma_wait3A_416 = arith.constant 6 : i32
    %dma_wait3A_417 = arith.constant 0 : i32
    %dma_wait3A_418 = tpu.memref_slice %arg8[%dma_wait3A_416, %dma_wait3A_417] : memref<8x64xi32, #tpu.memory_space<vmem>> -> memref<1x64xi32, #tpu.memory_space<vmem>>
    %dma_wait3A_419 = tpu.memref_squeeze %dma_wait3A_418 : memref<1x64xi32, #tpu.memory_space<vmem>> -> memref<64xi32, #tpu.memory_space<vmem>>
    %dma_wait3A_420 = tpu.memref_slice %arg3[%add3A_146] : memref<16384xi32, #tpu.memory_space<hbm>> -> memref<64xi32, #tpu.memory_space<hbm>>
    %dma_wait3A_421 = arith.constant 0 : i32
    %dma_wait3A_422 = tpu.memref_slice %arg8[%dma_wait3A_416, %dma_wait3A_421] : memref<8x64xi32, #tpu.memory_space<vmem>> -> memref<1x64xi32, #tpu.memory_space<vmem>>
    %dma_wait3A_423 = tpu.memref_squeeze %dma_wait3A_422 : memref<1x64xi32, #tpu.memory_space<vmem>> -> memref<64xi32, #tpu.memory_space<vmem>>
    %dma_wait3A_424 = tpu.memref_slice %arg3[%add3A_146] : memref<16384xi32, #tpu.memory_space<hbm>> -> memref<64xi32, #tpu.memory_space<hbm>>
    tpu.wait_dma2 semaphore(%arg19 : memref<!tpu.dma_semaphore, #tpu.memory_space<semaphore_mem>>) src(%dma_wait3A_424 : memref<64xi32, #tpu.memory_space<hbm>>) dst(%dma_wait3A_423 : memref<64xi32, #tpu.memory_space<vmem>>)
    %dma_start3A_425 = arith.constant 6 : i32
    %dma_start3A_426 = arith.constant 384 : i32
    %dma_start3A_427 = arith.constant 0 : i32
    %dma_start3A_428 = tpu.memref_slice %arg9[%dma_start3A_426, %dma_start3A_427] : memref<448x128xf32, #tpu.memory_space<vmem>> -> memref<64x128xf32, #tpu.memory_space<vmem>>
    %dma_start3A_429 = arith.constant 0 : i32
    %dma_start3A_430 = tpu.memref_slice %arg7[%dma_start3A_425, %dma_start3A_429] : memref<8x64xi32, #tpu.memory_space<vmem>> -> memref<1x64xi32, #tpu.memory_space<vmem>>
    %dma_start3A_431 = tpu.memref_squeeze %dma_start3A_430 : memref<1x64xi32, #tpu.memory_space<vmem>> -> memref<64xi32, #tpu.memory_space<vmem>>
    %dma_start3A_432 = arith.constant 0 : i32
    %dma_start3A_433 = arith.constant 0 : i32
    %dma_start3A_434 = tpu.memref_slice %arg4[%dma_start3A_432, %dma_start3A_433] : memref<1000000x128xf32, #tpu.memory_space<hbm>> -> memref<1000000x128xf32, #tpu.memory_space<hbm>>
    tpu.enqueue_indirect_dma source(%dma_start3A_434 : memref<1000000x128xf32, #tpu.memory_space<hbm>>) target(%dma_start3A_428 : memref<64x128xf32, #tpu.memory_space<vmem>>) offsets(%dma_start3A_431 : memref<64xi32, #tpu.memory_space<vmem>>) semaphore(%arg18 : memref<!tpu.dma_semaphore, #tpu.memory_space<semaphore_mem>>)
    %dma_start3A_435 = arith.constant 6 : i32
    %dma_start3A_436 = arith.constant 384 : i32
    %dma_start3A_437 = arith.constant 0 : i32
    %dma_start3A_438 = tpu.memref_slice %arg10[%dma_start3A_436, %dma_start3A_437] : memref<448x128xf32, #tpu.memory_space<vmem>> -> memref<64x128xf32, #tpu.memory_space<vmem>>
    %dma_start3A_439 = arith.constant 0 : i32
    %dma_start3A_440 = tpu.memref_slice %arg8[%dma_start3A_435, %dma_start3A_439] : memref<8x64xi32, #tpu.memory_space<vmem>> -> memref<1x64xi32, #tpu.memory_space<vmem>>
    %dma_start3A_441 = tpu.memref_squeeze %dma_start3A_440 : memref<1x64xi32, #tpu.memory_space<vmem>> -> memref<64xi32, #tpu.memory_space<vmem>>
    %dma_start3A_442 = arith.constant 0 : i32
    %dma_start3A_443 = arith.constant 0 : i32
    %dma_start3A_444 = tpu.memref_slice %arg5[%dma_start3A_442, %dma_start3A_443] : memref<1000000x128xf32, #tpu.memory_space<hbm>> -> memref<1000000x128xf32, #tpu.memory_space<hbm>>
    tpu.enqueue_indirect_dma source(%dma_start3A_444 : memref<1000000x128xf32, #tpu.memory_space<hbm>>) target(%dma_start3A_438 : memref<64x128xf32, #tpu.memory_space<vmem>>) offsets(%dma_start3A_441 : memref<64xi32, #tpu.memory_space<vmem>>) semaphore(%arg18 : memref<!tpu.dma_semaphore, #tpu.memory_space<semaphore_mem>>)
    %dma_wait3A_445 = arith.constant 0 : i32
    %dma_wait3A_446 = arith.constant 0 : i32
    %dma_wait3A_447 = arith.constant 0 : i32
    %dma_wait3A_448 = tpu.memref_slice %arg9[%dma_wait3A_446, %dma_wait3A_447] : memref<448x128xf32, #tpu.memory_space<vmem>> -> memref<64x128xf32, #tpu.memory_space<vmem>>
    %dma_wait3A_449 = arith.constant 0 : i32
    %dma_wait3A_450 = tpu.memref_slice %arg7[%dma_wait3A_445, %dma_wait3A_449] : memref<8x64xi32, #tpu.memory_space<vmem>> -> memref<1x64xi32, #tpu.memory_space<vmem>>
    %dma_wait3A_451 = tpu.memref_squeeze %dma_wait3A_450 : memref<1x64xi32, #tpu.memory_space<vmem>> -> memref<64xi32, #tpu.memory_space<vmem>>
    %dma_wait3A_452 = arith.constant 0 : i32
    %dma_wait3A_453 = arith.constant 0 : i32
    %dma_wait3A_454 = tpu.memref_slice %arg4[%dma_wait3A_452, %dma_wait3A_453] : memref<1000000x128xf32, #tpu.memory_space<hbm>> -> memref<1000000x128xf32, #tpu.memory_space<hbm>>
    tpu.wait_indirect_dma semaphore(%arg12 : memref<!tpu.dma_semaphore, #tpu.memory_space<semaphore_mem>>) src(%dma_wait3A_454 : memref<1000000x128xf32, #tpu.memory_space<hbm>>) dst(%dma_wait3A_448 : memref<64x128xf32, #tpu.memory_space<vmem>>)
    %dma_wait3A_455 = arith.constant 0 : i32
    %dma_wait3A_456 = arith.constant 0 : i32
    %dma_wait3A_457 = arith.constant 0 : i32
    %dma_wait3A_458 = tpu.memref_slice %arg10[%dma_wait3A_456, %dma_wait3A_457] : memref<448x128xf32, #tpu.memory_space<vmem>> -> memref<64x128xf32, #tpu.memory_space<vmem>>
    %dma_wait3A_459 = arith.constant 0 : i32
    %dma_wait3A_460 = tpu.memref_slice %arg8[%dma_wait3A_455, %dma_wait3A_459] : memref<8x64xi32, #tpu.memory_space<vmem>> -> memref<1x64xi32, #tpu.memory_space<vmem>>
    %dma_wait3A_461 = tpu.memref_squeeze %dma_wait3A_460 : memref<1x64xi32, #tpu.memory_space<vmem>> -> memref<64xi32, #tpu.memory_space<vmem>>
    %dma_wait3A_462 = arith.constant 0 : i32
    %dma_wait3A_463 = arith.constant 0 : i32
    %dma_wait3A_464 = tpu.memref_slice %arg5[%dma_wait3A_462, %dma_wait3A_463] : memref<1000000x128xf32, #tpu.memory_space<hbm>> -> memref<1000000x128xf32, #tpu.memory_space<hbm>>
    tpu.wait_indirect_dma semaphore(%arg12 : memref<!tpu.dma_semaphore, #tpu.memory_space<semaphore_mem>>) src(%dma_wait3A_464 : memref<1000000x128xf32, #tpu.memory_space<hbm>>) dst(%dma_wait3A_458 : memref<64x128xf32, #tpu.memory_space<vmem>>)
    %parallel_loop3A = arith.constant 0 : i32
    %parallel_loop3A_465 = arith.constant 64 : i32
    %parallel_loop3A_466 = arith.constant 1 : i32
    scf.for %parallel_loop3A_666 = %parallel_loop3A to %parallel_loop3A_465 step %parallel_loop3A_466  : i32 {
      %parallel_loop3A_667 = arith.constant 0 : i32
      %parallel_loop3A_668 = arith.addi %parallel_loop3A_667, %parallel_loop3A_666 : i32
      %parallel_loop3A_669 = arith.index_cast %parallel_loop3A_668 : i32 to index
      %parallel_loop3A_670 = arith.constant 0 : index
      %parallel_loop3A_671 = tpu.vector_load %arg9[%parallel_loop3A_669, %parallel_loop3A_670] {strides = array<i32>} : memref<448x128xf32, #tpu.memory_space<vmem>>, vector<16xf32>,
      %parallel_loop3A_672 = arith.index_cast %parallel_loop3A_668 : i32 to index
      %parallel_loop3A_673 = arith.constant 0 : index
      %parallel_loop3A_674 = tpu.vector_load %arg10[%parallel_loop3A_672, %parallel_loop3A_673] {strides = array<i32>} : memref<448x128xf32, #tpu.memory_space<vmem>>, vector<16xf32>,
      %parallel_loop3A_675 = arith.mulf %parallel_loop3A_671, %parallel_loop3A_674 : vector<16xf32>
      %parallel_loop3A_676 = arith.index_cast %parallel_loop3A_668 : i32 to index
      %parallel_loop3A_677 = arith.constant 16 : index
      %parallel_loop3A_678 = tpu.vector_load %arg9[%parallel_loop3A_676, %parallel_loop3A_677] {strides = array<i32>} : memref<448x128xf32, #tpu.memory_space<vmem>>, vector<16xf32>,
      %parallel_loop3A_679 = arith.index_cast %parallel_loop3A_668 : i32 to index
      %parallel_loop3A_680 = arith.constant 16 : index
      %parallel_loop3A_681 = tpu.vector_load %arg10[%parallel_loop3A_679, %parallel_loop3A_680] {strides = array<i32>} : memref<448x128xf32, #tpu.memory_space<vmem>>, vector<16xf32>,
      %parallel_loop3A_682 = arith.mulf %parallel_loop3A_678, %parallel_loop3A_681 : vector<16xf32>
      %parallel_loop3A_683 = arith.index_cast %parallel_loop3A_668 : i32 to index
      %parallel_loop3A_684 = arith.constant 32 : index
      %parallel_loop3A_685 = tpu.vector_load %arg9[%parallel_loop3A_683, %parallel_loop3A_684] {strides = array<i32>} : memref<448x128xf32, #tpu.memory_space<vmem>>, vector<16xf32>,
      %parallel_loop3A_686 = arith.index_cast %parallel_loop3A_668 : i32 to index
      %parallel_loop3A_687 = arith.constant 32 : index
      %parallel_loop3A_688 = tpu.vector_load %arg10[%parallel_loop3A_686, %parallel_loop3A_687] {strides = array<i32>} : memref<448x128xf32, #tpu.memory_space<vmem>>, vector<16xf32>,
      %parallel_loop3A_689 = arith.mulf %parallel_loop3A_685, %parallel_loop3A_688 : vector<16xf32>
      %parallel_loop3A_690 = arith.addf %parallel_loop3A_675, %parallel_loop3A_689 : vector<16xf32>
      %parallel_loop3A_691 = arith.index_cast %parallel_loop3A_668 : i32 to index
      %parallel_loop3A_692 = arith.constant 48 : index
      %parallel_loop3A_693 = tpu.vector_load %arg9[%parallel_loop3A_691, %parallel_loop3A_692] {strides = array<i32>} : memref<448x128xf32, #tpu.memory_space<vmem>>, vector<16xf32>,
      %parallel_loop3A_694 = arith.index_cast %parallel_loop3A_668 : i32 to index
      %parallel_loop3A_695 = arith.constant 48 : index
      %parallel_loop3A_696 = tpu.vector_load %arg10[%parallel_loop3A_694, %parallel_loop3A_695] {strides = array<i32>} : memref<448x128xf32, #tpu.memory_space<vmem>>, vector<16xf32>,
      %parallel_loop3A_697 = arith.mulf %parallel_loop3A_693, %parallel_loop3A_696 : vector<16xf32>
      %parallel_loop3A_698 = arith.addf %parallel_loop3A_682, %parallel_loop3A_697 : vector<16xf32>
      %parallel_loop3A_699 = arith.index_cast %parallel_loop3A_668 : i32 to index
      %parallel_loop3A_700 = arith.constant 64 : index
      %parallel_loop3A_701 = tpu.vector_load %arg9[%parallel_loop3A_699, %parallel_loop3A_700] {strides = array<i32>} : memref<448x128xf32, #tpu.memory_space<vmem>>, vector<16xf32>,
      %parallel_loop3A_702 = arith.index_cast %parallel_loop3A_668 : i32 to index
      %parallel_loop3A_703 = arith.constant 64 : index
      %parallel_loop3A_704 = tpu.vector_load %arg10[%parallel_loop3A_702, %parallel_loop3A_703] {strides = array<i32>} : memref<448x128xf32, #tpu.memory_space<vmem>>, vector<16xf32>,
      %parallel_loop3A_705 = arith.mulf %parallel_loop3A_701, %parallel_loop3A_704 : vector<16xf32>
      %parallel_loop3A_706 = arith.addf %parallel_loop3A_690, %parallel_loop3A_705 : vector<16xf32>
      %parallel_loop3A_707 = arith.index_cast %parallel_loop3A_668 : i32 to index
      %parallel_loop3A_708 = arith.constant 80 : index
      %parallel_loop3A_709 = tpu.vector_load %arg9[%parallel_loop3A_707, %parallel_loop3A_708] {strides = array<i32>} : memref<448x128xf32, #tpu.memory_space<vmem>>, vector<16xf32>,
      %parallel_loop3A_710 = arith.index_cast %parallel_loop3A_668 : i32 to index
      %parallel_loop3A_711 = arith.constant 80 : index
      %parallel_loop3A_712 = tpu.vector_load %arg10[%parallel_loop3A_710, %parallel_loop3A_711] {strides = array<i32>} : memref<448x128xf32, #tpu.memory_space<vmem>>, vector<16xf32>,
      %parallel_loop3A_713 = arith.mulf %parallel_loop3A_709, %parallel_loop3A_712 : vector<16xf32>
      %parallel_loop3A_714 = arith.addf %parallel_loop3A_698, %parallel_loop3A_713 : vector<16xf32>
      %parallel_loop3A_715 = arith.index_cast %parallel_loop3A_668 : i32 to index
      %parallel_loop3A_716 = arith.constant 96 : index
      %parallel_loop3A_717 = tpu.vector_load %arg9[%parallel_loop3A_715, %parallel_loop3A_716] {strides = array<i32>} : memref<448x128xf32, #tpu.memory_space<vmem>>, vector<16xf32>,
      %parallel_loop3A_718 = arith.index_cast %parallel_loop3A_668 : i32 to index
      %parallel_loop3A_719 = arith.constant 96 : index
      %parallel_loop3A_720 = tpu.vector_load %arg10[%parallel_loop3A_718, %parallel_loop3A_719] {strides = array<i32>} : memref<448x128xf32, #tpu.memory_space<vmem>>, vector<16xf32>,
      %parallel_loop3A_721 = arith.mulf %parallel_loop3A_717, %parallel_loop3A_720 : vector<16xf32>
      %parallel_loop3A_722 = arith.addf %parallel_loop3A_706, %parallel_loop3A_721 : vector<16xf32>
      %parallel_loop3A_723 = arith.index_cast %parallel_loop3A_668 : i32 to index
      %parallel_loop3A_724 = arith.constant 112 : index
      %parallel_loop3A_725 = tpu.vector_load %arg9[%parallel_loop3A_723, %parallel_loop3A_724] {strides = array<i32>} : memref<448x128xf32, #tpu.memory_space<vmem>>, vector<16xf32>,
      %parallel_loop3A_726 = arith.index_cast %parallel_loop3A_668 : i32 to index
      %parallel_loop3A_727 = arith.constant 112 : index
      %parallel_loop3A_728 = tpu.vector_load %arg10[%parallel_loop3A_726, %parallel_loop3A_727] {strides = array<i32>} : memref<448x128xf32, #tpu.memory_space<vmem>>, vector<16xf32>,
      %parallel_loop3A_729 = arith.mulf %parallel_loop3A_725, %parallel_loop3A_728 : vector<16xf32>
      %parallel_loop3A_730 = arith.addf %parallel_loop3A_714, %parallel_loop3A_729 : vector<16xf32>
      %parallel_loop3A_731 = arith.addf %parallel_loop3A_722, %parallel_loop3A_730 : vector<16xf32>
      %parallel_loop3A_732 = arith.constant true
      %parallel_loop3A_733 = vector.broadcast %parallel_loop3A_732 : i1 to vector<16xi1>
      %parallel_loop3A_734 = tpu.scan <sum>, %parallel_loop3A_731 masked %parallel_loop3A_733 : vector<16xf32>, vector<16xi1> -> vector<16xf32>
      %parallel_loop3A_735 = arith.constant 0 : i32
      %parallel_loop3A_736 = arith.addi %parallel_loop3A_735, %parallel_loop3A_666 : i32
      %parallel_loop3A_737 = vector.broadcast %parallel_loop3A_736 : i32 to vector<16xi32>
      tpu.vector_store_idx %arg11[%parallel_loop3A_737], %parallel_loop3A_734 masked %eq3A_179 : memref<512xf32, #tpu.memory_space<vmem>>[vector<16xi32>], vector<16xf32>, vector<16xi1>
    } {sc.loop_unroll_factor = 2 : i64, sc.parallel_access}
    %dma_wait3A_467 = arith.constant 7 : i32
    %dma_wait3A_468 = arith.constant 0 : i32
    %dma_wait3A_469 = tpu.memref_slice %arg7[%dma_wait3A_467, %dma_wait3A_468] : memref<8x64xi32, #tpu.memory_space<vmem>> -> memref<1x64xi32, #tpu.memory_space<vmem>>
    %dma_wait3A_470 = tpu.memref_squeeze %dma_wait3A_469 : memref<1x64xi32, #tpu.memory_space<vmem>> -> memref<64xi32, #tpu.memory_space<vmem>>
    %dma_wait3A_471 = tpu.memref_slice %arg2[%add3A_157] : memref<16384xi32, #tpu.memory_space<hbm>> -> memref<64xi32, #tpu.memory_space<hbm>>
    %dma_wait3A_472 = arith.constant 0 : i32
    %dma_wait3A_473 = tpu.memref_slice %arg7[%dma_wait3A_467, %dma_wait3A_472] : memref<8x64xi32, #tpu.memory_space<vmem>> -> memref<1x64xi32, #tpu.memory_space<vmem>>
    %dma_wait3A_474 = tpu.memref_squeeze %dma_wait3A_473 : memref<1x64xi32, #tpu.memory_space<vmem>> -> memref<64xi32, #tpu.memory_space<vmem>>
    %dma_wait3A_475 = tpu.memref_slice %arg2[%add3A_157] : memref<16384xi32, #tpu.memory_space<hbm>> -> memref<64xi32, #tpu.memory_space<hbm>>
    tpu.wait_dma2 semaphore(%arg19 : memref<!tpu.dma_semaphore, #tpu.memory_space<semaphore_mem>>) src(%dma_wait3A_475 : memref<64xi32, #tpu.memory_space<hbm>>) dst(%dma_wait3A_474 : memref<64xi32, #tpu.memory_space<vmem>>)
    %dma_wait3A_476 = arith.constant 7 : i32
    %dma_wait3A_477 = arith.constant 0 : i32
    %dma_wait3A_478 = tpu.memref_slice %arg8[%dma_wait3A_476, %dma_wait3A_477] : memref<8x64xi32, #tpu.memory_space<vmem>> -> memref<1x64xi32, #tpu.memory_space<vmem>>
    %dma_wait3A_479 = tpu.memref_squeeze %dma_wait3A_478 : memref<1x64xi32, #tpu.memory_space<vmem>> -> memref<64xi32, #tpu.memory_space<vmem>>
    %dma_wait3A_480 = tpu.memref_slice %arg3[%add3A_168] : memref<16384xi32, #tpu.memory_space<hbm>> -> memref<64xi32, #tpu.memory_space<hbm>>
    %dma_wait3A_481 = arith.constant 0 : i32
    %dma_wait3A_482 = tpu.memref_slice %arg8[%dma_wait3A_476, %dma_wait3A_481] : memref<8x64xi32, #tpu.memory_space<vmem>> -> memref<1x64xi32, #tpu.memory_space<vmem>>
    %dma_wait3A_483 = tpu.memref_squeeze %dma_wait3A_482 : memref<1x64xi32, #tpu.memory_space<vmem>> -> memref<64xi32, #tpu.memory_space<vmem>>
    %dma_wait3A_484 = tpu.memref_slice %arg3[%add3A_168] : memref<16384xi32, #tpu.memory_space<hbm>> -> memref<64xi32, #tpu.memory_space<hbm>>
    tpu.wait_dma2 semaphore(%arg19 : memref<!tpu.dma_semaphore, #tpu.memory_space<semaphore_mem>>) src(%dma_wait3A_484 : memref<64xi32, #tpu.memory_space<hbm>>) dst(%dma_wait3A_483 : memref<64xi32, #tpu.memory_space<vmem>>)
    %dma_start3A_485 = arith.constant 7 : i32
    %dma_start3A_486 = arith.constant 0 : i32
    %dma_start3A_487 = arith.constant 0 : i32
    %dma_start3A_488 = tpu.memref_slice %arg9[%dma_start3A_486, %dma_start3A_487] : memref<448x128xf32, #tpu.memory_space<vmem>> -> memref<64x128xf32, #tpu.memory_space<vmem>>
    %dma_start3A_489 = arith.constant 0 : i32
    %dma_start3A_490 = tpu.memref_slice %arg7[%dma_start3A_485, %dma_start3A_489] : memref<8x64xi32, #tpu.memory_space<vmem>> -> memref<1x64xi32, #tpu.memory_space<vmem>>
    %dma_start3A_491 = tpu.memref_squeeze %dma_start3A_490 : memref<1x64xi32, #tpu.memory_space<vmem>> -> memref<64xi32, #tpu.memory_space<vmem>>
    %dma_start3A_492 = arith.constant 0 : i32
    %dma_start3A_493 = arith.constant 0 : i32
    %dma_start3A_494 = tpu.memref_slice %arg4[%dma_start3A_492, %dma_start3A_493] : memref<1000000x128xf32, #tpu.memory_space<hbm>> -> memref<1000000x128xf32, #tpu.memory_space<hbm>>
    tpu.enqueue_indirect_dma source(%dma_start3A_494 : memref<1000000x128xf32, #tpu.memory_space<hbm>>) target(%dma_start3A_488 : memref<64x128xf32, #tpu.memory_space<vmem>>) offsets(%dma_start3A_491 : memref<64xi32, #tpu.memory_space<vmem>>) semaphore(%arg12 : memref<!tpu.dma_semaphore, #tpu.memory_space<semaphore_mem>>)
    %dma_start3A_495 = arith.constant 7 : i32
    %dma_start3A_496 = arith.constant 0 : i32
    %dma_start3A_497 = arith.constant 0 : i32
    %dma_start3A_498 = tpu.memref_slice %arg10[%dma_start3A_496, %dma_start3A_497] : memref<448x128xf32, #tpu.memory_space<vmem>> -> memref<64x128xf32, #tpu.memory_space<vmem>>
    %dma_start3A_499 = arith.constant 0 : i32
    %dma_start3A_500 = tpu.memref_slice %arg8[%dma_start3A_495, %dma_start3A_499] : memref<8x64xi32, #tpu.memory_space<vmem>> -> memref<1x64xi32, #tpu.memory_space<vmem>>
    %dma_start3A_501 = tpu.memref_squeeze %dma_start3A_500 : memref<1x64xi32, #tpu.memory_space<vmem>> -> memref<64xi32, #tpu.memory_space<vmem>>
    %dma_start3A_502 = arith.constant 0 : i32
    %dma_start3A_503 = arith.constant 0 : i32
    %dma_start3A_504 = tpu.memref_slice %arg5[%dma_start3A_502, %dma_start3A_503] : memref<1000000x128xf32, #tpu.memory_space<hbm>> -> memref<1000000x128xf32, #tpu.memory_space<hbm>>
    tpu.enqueue_indirect_dma source(%dma_start3A_504 : memref<1000000x128xf32, #tpu.memory_space<hbm>>) target(%dma_start3A_498 : memref<64x128xf32, #tpu.memory_space<vmem>>) offsets(%dma_start3A_501 : memref<64xi32, #tpu.memory_space<vmem>>) semaphore(%arg12 : memref<!tpu.dma_semaphore, #tpu.memory_space<semaphore_mem>>)
    %dma_wait3A_505 = arith.constant 1 : i32
    %dma_wait3A_506 = arith.constant 64 : i32
    %dma_wait3A_507 = arith.constant 0 : i32
    %dma_wait3A_508 = tpu.memref_slice %arg9[%dma_wait3A_506, %dma_wait3A_507] : memref<448x128xf32, #tpu.memory_space<vmem>> -> memref<64x128xf32, #tpu.memory_space<vmem>>
    %dma_wait3A_509 = arith.constant 0 : i32
    %dma_wait3A_510 = tpu.memref_slice %arg7[%dma_wait3A_505, %dma_wait3A_509] : memref<8x64xi32, #tpu.memory_space<vmem>> -> memref<1x64xi32, #tpu.memory_space<vmem>>
    %dma_wait3A_511 = tpu.memref_squeeze %dma_wait3A_510 : memref<1x64xi32, #tpu.memory_space<vmem>> -> memref<64xi32, #tpu.memory_space<vmem>>
    %dma_wait3A_512 = arith.constant 0 : i32
    %dma_wait3A_513 = arith.constant 0 : i32
    %dma_wait3A_514 = tpu.memref_slice %arg4[%dma_wait3A_512, %dma_wait3A_513] : memref<1000000x128xf32, #tpu.memory_space<hbm>> -> memref<1000000x128xf32, #tpu.memory_space<hbm>>
    tpu.wait_indirect_dma semaphore(%arg13 : memref<!tpu.dma_semaphore, #tpu.memory_space<semaphore_mem>>) src(%dma_wait3A_514 : memref<1000000x128xf32, #tpu.memory_space<hbm>>) dst(%dma_wait3A_508 : memref<64x128xf32, #tpu.memory_space<vmem>>)
    %dma_wait3A_515 = arith.constant 1 : i32
    %dma_wait3A_516 = arith.constant 64 : i32
    %dma_wait3A_517 = arith.constant 0 : i32
    %dma_wait3A_518 = tpu.memref_slice %arg10[%dma_wait3A_516, %dma_wait3A_517] : memref<448x128xf32, #tpu.memory_space<vmem>> -> memref<64x128xf32, #tpu.memory_space<vmem>>
    %dma_wait3A_519 = arith.constant 0 : i32
    %dma_wait3A_520 = tpu.memref_slice %arg8[%dma_wait3A_515, %dma_wait3A_519] : memref<8x64xi32, #tpu.memory_space<vmem>> -> memref<1x64xi32, #tpu.memory_space<vmem>>
    %dma_wait3A_521 = tpu.memref_squeeze %dma_wait3A_520 : memref<1x64xi32, #tpu.memory_space<vmem>> -> memref<64xi32, #tpu.memory_space<vmem>>
    %dma_wait3A_522 = arith.constant 0 : i32
    %dma_wait3A_523 = arith.constant 0 : i32
    %dma_wait3A_524 = tpu.memref_slice %arg5[%dma_wait3A_522, %dma_wait3A_523] : memref<1000000x128xf32, #tpu.memory_space<hbm>> -> memref<1000000x128xf32, #tpu.memory_space<hbm>>
    tpu.wait_indirect_dma semaphore(%arg13 : memref<!tpu.dma_semaphore, #tpu.memory_space<semaphore_mem>>) src(%dma_wait3A_524 : memref<1000000x128xf32, #tpu.memory_space<hbm>>) dst(%dma_wait3A_518 : memref<64x128xf32, #tpu.memory_space<vmem>>)
    %parallel_loop3A_525 = arith.constant 0 : i32
    %parallel_loop3A_526 = arith.constant 64 : i32
    %parallel_loop3A_527 = arith.constant 1 : i32
    scf.for %parallel_loop3A_666 = %parallel_loop3A_525 to %parallel_loop3A_526 step %parallel_loop3A_527  : i32 {
      %parallel_loop3A_667 = arith.constant 64 : i32
      %parallel_loop3A_668 = arith.addi %parallel_loop3A_667, %parallel_loop3A_666 : i32
      %parallel_loop3A_669 = arith.index_cast %parallel_loop3A_668 : i32 to index
      %parallel_loop3A_670 = arith.constant 0 : index
      %parallel_loop3A_671 = tpu.vector_load %arg9[%parallel_loop3A_669, %parallel_loop3A_670] {strides = array<i32>} : memref<448x128xf32, #tpu.memory_space<vmem>>, vector<16xf32>,
      %parallel_loop3A_672 = arith.index_cast %parallel_loop3A_668 : i32 to index
      %parallel_loop3A_673 = arith.constant 0 : index
      %parallel_loop3A_674 = tpu.vector_load %arg10[%parallel_loop3A_672, %parallel_loop3A_673] {strides = array<i32>} : memref<448x128xf32, #tpu.memory_space<vmem>>, vector<16xf32>,
      %parallel_loop3A_675 = arith.mulf %parallel_loop3A_671, %parallel_loop3A_674 : vector<16xf32>
      %parallel_loop3A_676 = arith.index_cast %parallel_loop3A_668 : i32 to index
      %parallel_loop3A_677 = arith.constant 16 : index
      %parallel_loop3A_678 = tpu.vector_load %arg9[%parallel_loop3A_676, %parallel_loop3A_677] {strides = array<i32>} : memref<448x128xf32, #tpu.memory_space<vmem>>, vector<16xf32>,
      %parallel_loop3A_679 = arith.index_cast %parallel_loop3A_668 : i32 to index
      %parallel_loop3A_680 = arith.constant 16 : index
      %parallel_loop3A_681 = tpu.vector_load %arg10[%parallel_loop3A_679, %parallel_loop3A_680] {strides = array<i32>} : memref<448x128xf32, #tpu.memory_space<vmem>>, vector<16xf32>,
      %parallel_loop3A_682 = arith.mulf %parallel_loop3A_678, %parallel_loop3A_681 : vector<16xf32>
      %parallel_loop3A_683 = arith.index_cast %parallel_loop3A_668 : i32 to index
      %parallel_loop3A_684 = arith.constant 32 : index
      %parallel_loop3A_685 = tpu.vector_load %arg9[%parallel_loop3A_683, %parallel_loop3A_684] {strides = array<i32>} : memref<448x128xf32, #tpu.memory_space<vmem>>, vector<16xf32>,
      %parallel_loop3A_686 = arith.index_cast %parallel_loop3A_668 : i32 to index
      %parallel_loop3A_687 = arith.constant 32 : index
      %parallel_loop3A_688 = tpu.vector_load %arg10[%parallel_loop3A_686, %parallel_loop3A_687] {strides = array<i32>} : memref<448x128xf32, #tpu.memory_space<vmem>>, vector<16xf32>,
      %parallel_loop3A_689 = arith.mulf %parallel_loop3A_685, %parallel_loop3A_688 : vector<16xf32>
      %parallel_loop3A_690 = arith.addf %parallel_loop3A_675, %parallel_loop3A_689 : vector<16xf32>
      %parallel_loop3A_691 = arith.index_cast %parallel_loop3A_668 : i32 to index
      %parallel_loop3A_692 = arith.constant 48 : index
      %parallel_loop3A_693 = tpu.vector_load %arg9[%parallel_loop3A_691, %parallel_loop3A_692] {strides = array<i32>} : memref<448x128xf32, #tpu.memory_space<vmem>>, vector<16xf32>,
      %parallel_loop3A_694 = arith.index_cast %parallel_loop3A_668 : i32 to index
      %parallel_loop3A_695 = arith.constant 48 : index
      %parallel_loop3A_696 = tpu.vector_load %arg10[%parallel_loop3A_694, %parallel_loop3A_695] {strides = array<i32>} : memref<448x128xf32, #tpu.memory_space<vmem>>, vector<16xf32>,
      %parallel_loop3A_697 = arith.mulf %parallel_loop3A_693, %parallel_loop3A_696 : vector<16xf32>
      %parallel_loop3A_698 = arith.addf %parallel_loop3A_682, %parallel_loop3A_697 : vector<16xf32>
      %parallel_loop3A_699 = arith.index_cast %parallel_loop3A_668 : i32 to index
      %parallel_loop3A_700 = arith.constant 64 : index
      %parallel_loop3A_701 = tpu.vector_load %arg9[%parallel_loop3A_699, %parallel_loop3A_700] {strides = array<i32>} : memref<448x128xf32, #tpu.memory_space<vmem>>, vector<16xf32>,
      %parallel_loop3A_702 = arith.index_cast %parallel_loop3A_668 : i32 to index
      %parallel_loop3A_703 = arith.constant 64 : index
      %parallel_loop3A_704 = tpu.vector_load %arg10[%parallel_loop3A_702, %parallel_loop3A_703] {strides = array<i32>} : memref<448x128xf32, #tpu.memory_space<vmem>>, vector<16xf32>,
      %parallel_loop3A_705 = arith.mulf %parallel_loop3A_701, %parallel_loop3A_704 : vector<16xf32>
      %parallel_loop3A_706 = arith.addf %parallel_loop3A_690, %parallel_loop3A_705 : vector<16xf32>
      %parallel_loop3A_707 = arith.index_cast %parallel_loop3A_668 : i32 to index
      %parallel_loop3A_708 = arith.constant 80 : index
      %parallel_loop3A_709 = tpu.vector_load %arg9[%parallel_loop3A_707, %parallel_loop3A_708] {strides = array<i32>} : memref<448x128xf32, #tpu.memory_space<vmem>>, vector<16xf32>,
      %parallel_loop3A_710 = arith.index_cast %parallel_loop3A_668 : i32 to index
      %parallel_loop3A_711 = arith.constant 80 : index
      %parallel_loop3A_712 = tpu.vector_load %arg10[%parallel_loop3A_710, %parallel_loop3A_711] {strides = array<i32>} : memref<448x128xf32, #tpu.memory_space<vmem>>, vector<16xf32>,
      %parallel_loop3A_713 = arith.mulf %parallel_loop3A_709, %parallel_loop3A_712 : vector<16xf32>
      %parallel_loop3A_714 = arith.addf %parallel_loop3A_698, %parallel_loop3A_713 : vector<16xf32>
      %parallel_loop3A_715 = arith.index_cast %parallel_loop3A_668 : i32 to index
      %parallel_loop3A_716 = arith.constant 96 : index
      %parallel_loop3A_717 = tpu.vector_load %arg9[%parallel_loop3A_715, %parallel_loop3A_716] {strides = array<i32>} : memref<448x128xf32, #tpu.memory_space<vmem>>, vector<16xf32>,
      %parallel_loop3A_718 = arith.index_cast %parallel_loop3A_668 : i32 to index
      %parallel_loop3A_719 = arith.constant 96 : index
      %parallel_loop3A_720 = tpu.vector_load %arg10[%parallel_loop3A_718, %parallel_loop3A_719] {strides = array<i32>} : memref<448x128xf32, #tpu.memory_space<vmem>>, vector<16xf32>,
      %parallel_loop3A_721 = arith.mulf %parallel_loop3A_717, %parallel_loop3A_720 : vector<16xf32>
      %parallel_loop3A_722 = arith.addf %parallel_loop3A_706, %parallel_loop3A_721 : vector<16xf32>
      %parallel_loop3A_723 = arith.index_cast %parallel_loop3A_668 : i32 to index
      %parallel_loop3A_724 = arith.constant 112 : index
      %parallel_loop3A_725 = tpu.vector_load %arg9[%parallel_loop3A_723, %parallel_loop3A_724] {strides = array<i32>} : memref<448x128xf32, #tpu.memory_space<vmem>>, vector<16xf32>,
      %parallel_loop3A_726 = arith.index_cast %parallel_loop3A_668 : i32 to index
      %parallel_loop3A_727 = arith.constant 112 : index
      %parallel_loop3A_728 = tpu.vector_load %arg10[%parallel_loop3A_726, %parallel_loop3A_727] {strides = array<i32>} : memref<448x128xf32, #tpu.memory_space<vmem>>, vector<16xf32>,
      %parallel_loop3A_729 = arith.mulf %parallel_loop3A_725, %parallel_loop3A_728 : vector<16xf32>
      %parallel_loop3A_730 = arith.addf %parallel_loop3A_714, %parallel_loop3A_729 : vector<16xf32>
      %parallel_loop3A_731 = arith.addf %parallel_loop3A_722, %parallel_loop3A_730 : vector<16xf32>
      %parallel_loop3A_732 = arith.constant true
      %parallel_loop3A_733 = vector.broadcast %parallel_loop3A_732 : i1 to vector<16xi1>
      %parallel_loop3A_734 = tpu.scan <sum>, %parallel_loop3A_731 masked %parallel_loop3A_733 : vector<16xf32>, vector<16xi1> -> vector<16xf32>
      %parallel_loop3A_735 = arith.constant 64 : i32
      %parallel_loop3A_736 = arith.addi %parallel_loop3A_735, %parallel_loop3A_666 : i32
      %parallel_loop3A_737 = vector.broadcast %parallel_loop3A_736 : i32 to vector<16xi32>
      tpu.vector_store_idx %arg11[%parallel_loop3A_737], %parallel_loop3A_734 masked %eq3A_179 : memref<512xf32, #tpu.memory_space<vmem>>[vector<16xi32>], vector<16xf32>, vector<16xi1>
    } {sc.loop_unroll_factor = 2 : i64, sc.parallel_access}
    %dma_wait3A_528 = arith.constant 2 : i32
    %dma_wait3A_529 = arith.constant 128 : i32
    %dma_wait3A_530 = arith.constant 0 : i32
    %dma_wait3A_531 = tpu.memref_slice %arg9[%dma_wait3A_529, %dma_wait3A_530] : memref<448x128xf32, #tpu.memory_space<vmem>> -> memref<64x128xf32, #tpu.memory_space<vmem>>
    %dma_wait3A_532 = arith.constant 0 : i32
    %dma_wait3A_533 = tpu.memref_slice %arg7[%dma_wait3A_528, %dma_wait3A_532] : memref<8x64xi32, #tpu.memory_space<vmem>> -> memref<1x64xi32, #tpu.memory_space<vmem>>
    %dma_wait3A_534 = tpu.memref_squeeze %dma_wait3A_533 : memref<1x64xi32, #tpu.memory_space<vmem>> -> memref<64xi32, #tpu.memory_space<vmem>>
    %dma_wait3A_535 = arith.constant 0 : i32
    %dma_wait3A_536 = arith.constant 0 : i32
    %dma_wait3A_537 = tpu.memref_slice %arg4[%dma_wait3A_535, %dma_wait3A_536] : memref<1000000x128xf32, #tpu.memory_space<hbm>> -> memref<1000000x128xf32, #tpu.memory_space<hbm>>
    tpu.wait_indirect_dma semaphore(%arg14 : memref<!tpu.dma_semaphore, #tpu.memory_space<semaphore_mem>>) src(%dma_wait3A_537 : memref<1000000x128xf32, #tpu.memory_space<hbm>>) dst(%dma_wait3A_531 : memref<64x128xf32, #tpu.memory_space<vmem>>)
    %dma_wait3A_538 = arith.constant 2 : i32
    %dma_wait3A_539 = arith.constant 128 : i32
    %dma_wait3A_540 = arith.constant 0 : i32
    %dma_wait3A_541 = tpu.memref_slice %arg10[%dma_wait3A_539, %dma_wait3A_540] : memref<448x128xf32, #tpu.memory_space<vmem>> -> memref<64x128xf32, #tpu.memory_space<vmem>>
    %dma_wait3A_542 = arith.constant 0 : i32
    %dma_wait3A_543 = tpu.memref_slice %arg8[%dma_wait3A_538, %dma_wait3A_542] : memref<8x64xi32, #tpu.memory_space<vmem>> -> memref<1x64xi32, #tpu.memory_space<vmem>>
    %dma_wait3A_544 = tpu.memref_squeeze %dma_wait3A_543 : memref<1x64xi32, #tpu.memory_space<vmem>> -> memref<64xi32, #tpu.memory_space<vmem>>
    %dma_wait3A_545 = arith.constant 0 : i32
    %dma_wait3A_546 = arith.constant 0 : i32
    %dma_wait3A_547 = tpu.memref_slice %arg5[%dma_wait3A_545, %dma_wait3A_546] : memref<1000000x128xf32, #tpu.memory_space<hbm>> -> memref<1000000x128xf32, #tpu.memory_space<hbm>>
    tpu.wait_indirect_dma semaphore(%arg14 : memref<!tpu.dma_semaphore, #tpu.memory_space<semaphore_mem>>) src(%dma_wait3A_547 : memref<1000000x128xf32, #tpu.memory_space<hbm>>) dst(%dma_wait3A_541 : memref<64x128xf32, #tpu.memory_space<vmem>>)
    %parallel_loop3A_548 = arith.constant 0 : i32
    %parallel_loop3A_549 = arith.constant 64 : i32
    %parallel_loop3A_550 = arith.constant 1 : i32
    scf.for %parallel_loop3A_666 = %parallel_loop3A_548 to %parallel_loop3A_549 step %parallel_loop3A_550  : i32 {
      %parallel_loop3A_667 = arith.constant 128 : i32
      %parallel_loop3A_668 = arith.addi %parallel_loop3A_667, %parallel_loop3A_666 : i32
      %parallel_loop3A_669 = arith.index_cast %parallel_loop3A_668 : i32 to index
      %parallel_loop3A_670 = arith.constant 0 : index
      %parallel_loop3A_671 = tpu.vector_load %arg9[%parallel_loop3A_669, %parallel_loop3A_670] {strides = array<i32>} : memref<448x128xf32, #tpu.memory_space<vmem>>, vector<16xf32>,
      %parallel_loop3A_672 = arith.index_cast %parallel_loop3A_668 : i32 to index
      %parallel_loop3A_673 = arith.constant 0 : index
      %parallel_loop3A_674 = tpu.vector_load %arg10[%parallel_loop3A_672, %parallel_loop3A_673] {strides = array<i32>} : memref<448x128xf32, #tpu.memory_space<vmem>>, vector<16xf32>,
      %parallel_loop3A_675 = arith.mulf %parallel_loop3A_671, %parallel_loop3A_674 : vector<16xf32>
      %parallel_loop3A_676 = arith.index_cast %parallel_loop3A_668 : i32 to index
      %parallel_loop3A_677 = arith.constant 16 : index
      %parallel_loop3A_678 = tpu.vector_load %arg9[%parallel_loop3A_676, %parallel_loop3A_677] {strides = array<i32>} : memref<448x128xf32, #tpu.memory_space<vmem>>, vector<16xf32>,
      %parallel_loop3A_679 = arith.index_cast %parallel_loop3A_668 : i32 to index
      %parallel_loop3A_680 = arith.constant 16 : index
      %parallel_loop3A_681 = tpu.vector_load %arg10[%parallel_loop3A_679, %parallel_loop3A_680] {strides = array<i32>} : memref<448x128xf32, #tpu.memory_space<vmem>>, vector<16xf32>,
      %parallel_loop3A_682 = arith.mulf %parallel_loop3A_678, %parallel_loop3A_681 : vector<16xf32>
      %parallel_loop3A_683 = arith.index_cast %parallel_loop3A_668 : i32 to index
      %parallel_loop3A_684 = arith.constant 32 : index
      %parallel_loop3A_685 = tpu.vector_load %arg9[%parallel_loop3A_683, %parallel_loop3A_684] {strides = array<i32>} : memref<448x128xf32, #tpu.memory_space<vmem>>, vector<16xf32>,
      %parallel_loop3A_686 = arith.index_cast %parallel_loop3A_668 : i32 to index
      %parallel_loop3A_687 = arith.constant 32 : index
      %parallel_loop3A_688 = tpu.vector_load %arg10[%parallel_loop3A_686, %parallel_loop3A_687] {strides = array<i32>} : memref<448x128xf32, #tpu.memory_space<vmem>>, vector<16xf32>,
      %parallel_loop3A_689 = arith.mulf %parallel_loop3A_685, %parallel_loop3A_688 : vector<16xf32>
      %parallel_loop3A_690 = arith.addf %parallel_loop3A_675, %parallel_loop3A_689 : vector<16xf32>
      %parallel_loop3A_691 = arith.index_cast %parallel_loop3A_668 : i32 to index
      %parallel_loop3A_692 = arith.constant 48 : index
      %parallel_loop3A_693 = tpu.vector_load %arg9[%parallel_loop3A_691, %parallel_loop3A_692] {strides = array<i32>} : memref<448x128xf32, #tpu.memory_space<vmem>>, vector<16xf32>,
      %parallel_loop3A_694 = arith.index_cast %parallel_loop3A_668 : i32 to index
      %parallel_loop3A_695 = arith.constant 48 : index
      %parallel_loop3A_696 = tpu.vector_load %arg10[%parallel_loop3A_694, %parallel_loop3A_695] {strides = array<i32>} : memref<448x128xf32, #tpu.memory_space<vmem>>, vector<16xf32>,
      %parallel_loop3A_697 = arith.mulf %parallel_loop3A_693, %parallel_loop3A_696 : vector<16xf32>
      %parallel_loop3A_698 = arith.addf %parallel_loop3A_682, %parallel_loop3A_697 : vector<16xf32>
      %parallel_loop3A_699 = arith.index_cast %parallel_loop3A_668 : i32 to index
      %parallel_loop3A_700 = arith.constant 64 : index
      %parallel_loop3A_701 = tpu.vector_load %arg9[%parallel_loop3A_699, %parallel_loop3A_700] {strides = array<i32>} : memref<448x128xf32, #tpu.memory_space<vmem>>, vector<16xf32>,
      %parallel_loop3A_702 = arith.index_cast %parallel_loop3A_668 : i32 to index
      %parallel_loop3A_703 = arith.constant 64 : index
      %parallel_loop3A_704 = tpu.vector_load %arg10[%parallel_loop3A_702, %parallel_loop3A_703] {strides = array<i32>} : memref<448x128xf32, #tpu.memory_space<vmem>>, vector<16xf32>,
      %parallel_loop3A_705 = arith.mulf %parallel_loop3A_701, %parallel_loop3A_704 : vector<16xf32>
      %parallel_loop3A_706 = arith.addf %parallel_loop3A_690, %parallel_loop3A_705 : vector<16xf32>
      %parallel_loop3A_707 = arith.index_cast %parallel_loop3A_668 : i32 to index
      %parallel_loop3A_708 = arith.constant 80 : index
      %parallel_loop3A_709 = tpu.vector_load %arg9[%parallel_loop3A_707, %parallel_loop3A_708] {strides = array<i32>} : memref<448x128xf32, #tpu.memory_space<vmem>>, vector<16xf32>,
      %parallel_loop3A_710 = arith.index_cast %parallel_loop3A_668 : i32 to index
      %parallel_loop3A_711 = arith.constant 80 : index
      %parallel_loop3A_712 = tpu.vector_load %arg10[%parallel_loop3A_710, %parallel_loop3A_711] {strides = array<i32>} : memref<448x128xf32, #tpu.memory_space<vmem>>, vector<16xf32>,
      %parallel_loop3A_713 = arith.mulf %parallel_loop3A_709, %parallel_loop3A_712 : vector<16xf32>
      %parallel_loop3A_714 = arith.addf %parallel_loop3A_698, %parallel_loop3A_713 : vector<16xf32>
      %parallel_loop3A_715 = arith.index_cast %parallel_loop3A_668 : i32 to index
      %parallel_loop3A_716 = arith.constant 96 : index
      %parallel_loop3A_717 = tpu.vector_load %arg9[%parallel_loop3A_715, %parallel_loop3A_716] {strides = array<i32>} : memref<448x128xf32, #tpu.memory_space<vmem>>, vector<16xf32>,
      %parallel_loop3A_718 = arith.index_cast %parallel_loop3A_668 : i32 to index
      %parallel_loop3A_719 = arith.constant 96 : index
      %parallel_loop3A_720 = tpu.vector_load %arg10[%parallel_loop3A_718, %parallel_loop3A_719] {strides = array<i32>} : memref<448x128xf32, #tpu.memory_space<vmem>>, vector<16xf32>,
      %parallel_loop3A_721 = arith.mulf %parallel_loop3A_717, %parallel_loop3A_720 : vector<16xf32>
      %parallel_loop3A_722 = arith.addf %parallel_loop3A_706, %parallel_loop3A_721 : vector<16xf32>
      %parallel_loop3A_723 = arith.index_cast %parallel_loop3A_668 : i32 to index
      %parallel_loop3A_724 = arith.constant 112 : index
      %parallel_loop3A_725 = tpu.vector_load %arg9[%parallel_loop3A_723, %parallel_loop3A_724] {strides = array<i32>} : memref<448x128xf32, #tpu.memory_space<vmem>>, vector<16xf32>,
      %parallel_loop3A_726 = arith.index_cast %parallel_loop3A_668 : i32 to index
      %parallel_loop3A_727 = arith.constant 112 : index
      %parallel_loop3A_728 = tpu.vector_load %arg10[%parallel_loop3A_726, %parallel_loop3A_727] {strides = array<i32>} : memref<448x128xf32, #tpu.memory_space<vmem>>, vector<16xf32>,
      %parallel_loop3A_729 = arith.mulf %parallel_loop3A_725, %parallel_loop3A_728 : vector<16xf32>
      %parallel_loop3A_730 = arith.addf %parallel_loop3A_714, %parallel_loop3A_729 : vector<16xf32>
      %parallel_loop3A_731 = arith.addf %parallel_loop3A_722, %parallel_loop3A_730 : vector<16xf32>
      %parallel_loop3A_732 = arith.constant true
      %parallel_loop3A_733 = vector.broadcast %parallel_loop3A_732 : i1 to vector<16xi1>
      %parallel_loop3A_734 = tpu.scan <sum>, %parallel_loop3A_731 masked %parallel_loop3A_733 : vector<16xf32>, vector<16xi1> -> vector<16xf32>
      %parallel_loop3A_735 = arith.constant 128 : i32
      %parallel_loop3A_736 = arith.addi %parallel_loop3A_735, %parallel_loop3A_666 : i32
      %parallel_loop3A_737 = vector.broadcast %parallel_loop3A_736 : i32 to vector<16xi32>
      tpu.vector_store_idx %arg11[%parallel_loop3A_737], %parallel_loop3A_734 masked %eq3A_179 : memref<512xf32, #tpu.memory_space<vmem>>[vector<16xi32>], vector<16xf32>, vector<16xi1>
    } {sc.loop_unroll_factor = 2 : i64, sc.parallel_access}
    %dma_wait3A_551 = arith.constant 3 : i32
    %dma_wait3A_552 = arith.constant 192 : i32
    %dma_wait3A_553 = arith.constant 0 : i32
    %dma_wait3A_554 = tpu.memref_slice %arg9[%dma_wait3A_552, %dma_wait3A_553] : memref<448x128xf32, #tpu.memory_space<vmem>> -> memref<64x128xf32, #tpu.memory_space<vmem>>
    %dma_wait3A_555 = arith.constant 0 : i32
    %dma_wait3A_556 = tpu.memref_slice %arg7[%dma_wait3A_551, %dma_wait3A_555] : memref<8x64xi32, #tpu.memory_space<vmem>> -> memref<1x64xi32, #tpu.memory_space<vmem>>
    %dma_wait3A_557 = tpu.memref_squeeze %dma_wait3A_556 : memref<1x64xi32, #tpu.memory_space<vmem>> -> memref<64xi32, #tpu.memory_space<vmem>>
    %dma_wait3A_558 = arith.constant 0 : i32
    %dma_wait3A_559 = arith.constant 0 : i32
    %dma_wait3A_560 = tpu.memref_slice %arg4[%dma_wait3A_558, %dma_wait3A_559] : memref<1000000x128xf32, #tpu.memory_space<hbm>> -> memref<1000000x128xf32, #tpu.memory_space<hbm>>
    tpu.wait_indirect_dma semaphore(%arg15 : memref<!tpu.dma_semaphore, #tpu.memory_space<semaphore_mem>>) src(%dma_wait3A_560 : memref<1000000x128xf32, #tpu.memory_space<hbm>>) dst(%dma_wait3A_554 : memref<64x128xf32, #tpu.memory_space<vmem>>)
    %dma_wait3A_561 = arith.constant 3 : i32
    %dma_wait3A_562 = arith.constant 192 : i32
    %dma_wait3A_563 = arith.constant 0 : i32
    %dma_wait3A_564 = tpu.memref_slice %arg10[%dma_wait3A_562, %dma_wait3A_563] : memref<448x128xf32, #tpu.memory_space<vmem>> -> memref<64x128xf32, #tpu.memory_space<vmem>>
    %dma_wait3A_565 = arith.constant 0 : i32
    %dma_wait3A_566 = tpu.memref_slice %arg8[%dma_wait3A_561, %dma_wait3A_565] : memref<8x64xi32, #tpu.memory_space<vmem>> -> memref<1x64xi32, #tpu.memory_space<vmem>>
    %dma_wait3A_567 = tpu.memref_squeeze %dma_wait3A_566 : memref<1x64xi32, #tpu.memory_space<vmem>> -> memref<64xi32, #tpu.memory_space<vmem>>
    %dma_wait3A_568 = arith.constant 0 : i32
    %dma_wait3A_569 = arith.constant 0 : i32
    %dma_wait3A_570 = tpu.memref_slice %arg5[%dma_wait3A_568, %dma_wait3A_569] : memref<1000000x128xf32, #tpu.memory_space<hbm>> -> memref<1000000x128xf32, #tpu.memory_space<hbm>>
    tpu.wait_indirect_dma semaphore(%arg15 : memref<!tpu.dma_semaphore, #tpu.memory_space<semaphore_mem>>) src(%dma_wait3A_570 : memref<1000000x128xf32, #tpu.memory_space<hbm>>) dst(%dma_wait3A_564 : memref<64x128xf32, #tpu.memory_space<vmem>>)
    %parallel_loop3A_571 = arith.constant 0 : i32
    %parallel_loop3A_572 = arith.constant 64 : i32
    %parallel_loop3A_573 = arith.constant 1 : i32
    scf.for %parallel_loop3A_666 = %parallel_loop3A_571 to %parallel_loop3A_572 step %parallel_loop3A_573  : i32 {
      %parallel_loop3A_667 = arith.constant 192 : i32
      %parallel_loop3A_668 = arith.addi %parallel_loop3A_667, %parallel_loop3A_666 : i32
      %parallel_loop3A_669 = arith.index_cast %parallel_loop3A_668 : i32 to index
      %parallel_loop3A_670 = arith.constant 0 : index
      %parallel_loop3A_671 = tpu.vector_load %arg9[%parallel_loop3A_669, %parallel_loop3A_670] {strides = array<i32>} : memref<448x128xf32, #tpu.memory_space<vmem>>, vector<16xf32>,
      %parallel_loop3A_672 = arith.index_cast %parallel_loop3A_668 : i32 to index
      %parallel_loop3A_673 = arith.constant 0 : index
      %parallel_loop3A_674 = tpu.vector_load %arg10[%parallel_loop3A_672, %parallel_loop3A_673] {strides = array<i32>} : memref<448x128xf32, #tpu.memory_space<vmem>>, vector<16xf32>,
      %parallel_loop3A_675 = arith.mulf %parallel_loop3A_671, %parallel_loop3A_674 : vector<16xf32>
      %parallel_loop3A_676 = arith.index_cast %parallel_loop3A_668 : i32 to index
      %parallel_loop3A_677 = arith.constant 16 : index
      %parallel_loop3A_678 = tpu.vector_load %arg9[%parallel_loop3A_676, %parallel_loop3A_677] {strides = array<i32>} : memref<448x128xf32, #tpu.memory_space<vmem>>, vector<16xf32>,
      %parallel_loop3A_679 = arith.index_cast %parallel_loop3A_668 : i32 to index
      %parallel_loop3A_680 = arith.constant 16 : index
      %parallel_loop3A_681 = tpu.vector_load %arg10[%parallel_loop3A_679, %parallel_loop3A_680] {strides = array<i32>} : memref<448x128xf32, #tpu.memory_space<vmem>>, vector<16xf32>,
      %parallel_loop3A_682 = arith.mulf %parallel_loop3A_678, %parallel_loop3A_681 : vector<16xf32>
      %parallel_loop3A_683 = arith.index_cast %parallel_loop3A_668 : i32 to index
      %parallel_loop3A_684 = arith.constant 32 : index
      %parallel_loop3A_685 = tpu.vector_load %arg9[%parallel_loop3A_683, %parallel_loop3A_684] {strides = array<i32>} : memref<448x128xf32, #tpu.memory_space<vmem>>, vector<16xf32>,
      %parallel_loop3A_686 = arith.index_cast %parallel_loop3A_668 : i32 to index
      %parallel_loop3A_687 = arith.constant 32 : index
      %parallel_loop3A_688 = tpu.vector_load %arg10[%parallel_loop3A_686, %parallel_loop3A_687] {strides = array<i32>} : memref<448x128xf32, #tpu.memory_space<vmem>>, vector<16xf32>,
      %parallel_loop3A_689 = arith.mulf %parallel_loop3A_685, %parallel_loop3A_688 : vector<16xf32>
      %parallel_loop3A_690 = arith.addf %parallel_loop3A_675, %parallel_loop3A_689 : vector<16xf32>
      %parallel_loop3A_691 = arith.index_cast %parallel_loop3A_668 : i32 to index
      %parallel_loop3A_692 = arith.constant 48 : index
      %parallel_loop3A_693 = tpu.vector_load %arg9[%parallel_loop3A_691, %parallel_loop3A_692] {strides = array<i32>} : memref<448x128xf32, #tpu.memory_space<vmem>>, vector<16xf32>,
      %parallel_loop3A_694 = arith.index_cast %parallel_loop3A_668 : i32 to index
      %parallel_loop3A_695 = arith.constant 48 : index
      %parallel_loop3A_696 = tpu.vector_load %arg10[%parallel_loop3A_694, %parallel_loop3A_695] {strides = array<i32>} : memref<448x128xf32, #tpu.memory_space<vmem>>, vector<16xf32>,
      %parallel_loop3A_697 = arith.mulf %parallel_loop3A_693, %parallel_loop3A_696 : vector<16xf32>
      %parallel_loop3A_698 = arith.addf %parallel_loop3A_682, %parallel_loop3A_697 : vector<16xf32>
      %parallel_loop3A_699 = arith.index_cast %parallel_loop3A_668 : i32 to index
      %parallel_loop3A_700 = arith.constant 64 : index
      %parallel_loop3A_701 = tpu.vector_load %arg9[%parallel_loop3A_699, %parallel_loop3A_700] {strides = array<i32>} : memref<448x128xf32, #tpu.memory_space<vmem>>, vector<16xf32>,
      %parallel_loop3A_702 = arith.index_cast %parallel_loop3A_668 : i32 to index
      %parallel_loop3A_703 = arith.constant 64 : index
      %parallel_loop3A_704 = tpu.vector_load %arg10[%parallel_loop3A_702, %parallel_loop3A_703] {strides = array<i32>} : memref<448x128xf32, #tpu.memory_space<vmem>>, vector<16xf32>,
      %parallel_loop3A_705 = arith.mulf %parallel_loop3A_701, %parallel_loop3A_704 : vector<16xf32>
      %parallel_loop3A_706 = arith.addf %parallel_loop3A_690, %parallel_loop3A_705 : vector<16xf32>
      %parallel_loop3A_707 = arith.index_cast %parallel_loop3A_668 : i32 to index
      %parallel_loop3A_708 = arith.constant 80 : index
      %parallel_loop3A_709 = tpu.vector_load %arg9[%parallel_loop3A_707, %parallel_loop3A_708] {strides = array<i32>} : memref<448x128xf32, #tpu.memory_space<vmem>>, vector<16xf32>,
      %parallel_loop3A_710 = arith.index_cast %parallel_loop3A_668 : i32 to index
      %parallel_loop3A_711 = arith.constant 80 : index
      %parallel_loop3A_712 = tpu.vector_load %arg10[%parallel_loop3A_710, %parallel_loop3A_711] {strides = array<i32>} : memref<448x128xf32, #tpu.memory_space<vmem>>, vector<16xf32>,
      %parallel_loop3A_713 = arith.mulf %parallel_loop3A_709, %parallel_loop3A_712 : vector<16xf32>
      %parallel_loop3A_714 = arith.addf %parallel_loop3A_698, %parallel_loop3A_713 : vector<16xf32>
      %parallel_loop3A_715 = arith.index_cast %parallel_loop3A_668 : i32 to index
      %parallel_loop3A_716 = arith.constant 96 : index
      %parallel_loop3A_717 = tpu.vector_load %arg9[%parallel_loop3A_715, %parallel_loop3A_716] {strides = array<i32>} : memref<448x128xf32, #tpu.memory_space<vmem>>, vector<16xf32>,
      %parallel_loop3A_718 = arith.index_cast %parallel_loop3A_668 : i32 to index
      %parallel_loop3A_719 = arith.constant 96 : index
      %parallel_loop3A_720 = tpu.vector_load %arg10[%parallel_loop3A_718, %parallel_loop3A_719] {strides = array<i32>} : memref<448x128xf32, #tpu.memory_space<vmem>>, vector<16xf32>,
      %parallel_loop3A_721 = arith.mulf %parallel_loop3A_717, %parallel_loop3A_720 : vector<16xf32>
      %parallel_loop3A_722 = arith.addf %parallel_loop3A_706, %parallel_loop3A_721 : vector<16xf32>
      %parallel_loop3A_723 = arith.index_cast %parallel_loop3A_668 : i32 to index
      %parallel_loop3A_724 = arith.constant 112 : index
      %parallel_loop3A_725 = tpu.vector_load %arg9[%parallel_loop3A_723, %parallel_loop3A_724] {strides = array<i32>} : memref<448x128xf32, #tpu.memory_space<vmem>>, vector<16xf32>,
      %parallel_loop3A_726 = arith.index_cast %parallel_loop3A_668 : i32 to index
      %parallel_loop3A_727 = arith.constant 112 : index
      %parallel_loop3A_728 = tpu.vector_load %arg10[%parallel_loop3A_726, %parallel_loop3A_727] {strides = array<i32>} : memref<448x128xf32, #tpu.memory_space<vmem>>, vector<16xf32>,
      %parallel_loop3A_729 = arith.mulf %parallel_loop3A_725, %parallel_loop3A_728 : vector<16xf32>
      %parallel_loop3A_730 = arith.addf %parallel_loop3A_714, %parallel_loop3A_729 : vector<16xf32>
      %parallel_loop3A_731 = arith.addf %parallel_loop3A_722, %parallel_loop3A_730 : vector<16xf32>
      %parallel_loop3A_732 = arith.constant true
      %parallel_loop3A_733 = vector.broadcast %parallel_loop3A_732 : i1 to vector<16xi1>
      %parallel_loop3A_734 = tpu.scan <sum>, %parallel_loop3A_731 masked %parallel_loop3A_733 : vector<16xf32>, vector<16xi1> -> vector<16xf32>
      %parallel_loop3A_735 = arith.constant 192 : i32
      %parallel_loop3A_736 = arith.addi %parallel_loop3A_735, %parallel_loop3A_666 : i32
      %parallel_loop3A_737 = vector.broadcast %parallel_loop3A_736 : i32 to vector<16xi32>
      tpu.vector_store_idx %arg11[%parallel_loop3A_737], %parallel_loop3A_734 masked %eq3A_179 : memref<512xf32, #tpu.memory_space<vmem>>[vector<16xi32>], vector<16xf32>, vector<16xi1>
    } {sc.loop_unroll_factor = 2 : i64, sc.parallel_access}
    %dma_wait3A_574 = arith.constant 4 : i32
    %dma_wait3A_575 = arith.constant 256 : i32
    %dma_wait3A_576 = arith.constant 0 : i32
    %dma_wait3A_577 = tpu.memref_slice %arg9[%dma_wait3A_575, %dma_wait3A_576] : memref<448x128xf32, #tpu.memory_space<vmem>> -> memref<64x128xf32, #tpu.memory_space<vmem>>
    %dma_wait3A_578 = arith.constant 0 : i32
    %dma_wait3A_579 = tpu.memref_slice %arg7[%dma_wait3A_574, %dma_wait3A_578] : memref<8x64xi32, #tpu.memory_space<vmem>> -> memref<1x64xi32, #tpu.memory_space<vmem>>
    %dma_wait3A_580 = tpu.memref_squeeze %dma_wait3A_579 : memref<1x64xi32, #tpu.memory_space<vmem>> -> memref<64xi32, #tpu.memory_space<vmem>>
    %dma_wait3A_581 = arith.constant 0 : i32
    %dma_wait3A_582 = arith.constant 0 : i32
    %dma_wait3A_583 = tpu.memref_slice %arg4[%dma_wait3A_581, %dma_wait3A_582] : memref<1000000x128xf32, #tpu.memory_space<hbm>> -> memref<1000000x128xf32, #tpu.memory_space<hbm>>
    tpu.wait_indirect_dma semaphore(%arg16 : memref<!tpu.dma_semaphore, #tpu.memory_space<semaphore_mem>>) src(%dma_wait3A_583 : memref<1000000x128xf32, #tpu.memory_space<hbm>>) dst(%dma_wait3A_577 : memref<64x128xf32, #tpu.memory_space<vmem>>)
    %dma_wait3A_584 = arith.constant 4 : i32
    %dma_wait3A_585 = arith.constant 256 : i32
    %dma_wait3A_586 = arith.constant 0 : i32
    %dma_wait3A_587 = tpu.memref_slice %arg10[%dma_wait3A_585, %dma_wait3A_586] : memref<448x128xf32, #tpu.memory_space<vmem>> -> memref<64x128xf32, #tpu.memory_space<vmem>>
    %dma_wait3A_588 = arith.constant 0 : i32
    %dma_wait3A_589 = tpu.memref_slice %arg8[%dma_wait3A_584, %dma_wait3A_588] : memref<8x64xi32, #tpu.memory_space<vmem>> -> memref<1x64xi32, #tpu.memory_space<vmem>>
    %dma_wait3A_590 = tpu.memref_squeeze %dma_wait3A_589 : memref<1x64xi32, #tpu.memory_space<vmem>> -> memref<64xi32, #tpu.memory_space<vmem>>
    %dma_wait3A_591 = arith.constant 0 : i32
    %dma_wait3A_592 = arith.constant 0 : i32
    %dma_wait3A_593 = tpu.memref_slice %arg5[%dma_wait3A_591, %dma_wait3A_592] : memref<1000000x128xf32, #tpu.memory_space<hbm>> -> memref<1000000x128xf32, #tpu.memory_space<hbm>>
    tpu.wait_indirect_dma semaphore(%arg16 : memref<!tpu.dma_semaphore, #tpu.memory_space<semaphore_mem>>) src(%dma_wait3A_593 : memref<1000000x128xf32, #tpu.memory_space<hbm>>) dst(%dma_wait3A_587 : memref<64x128xf32, #tpu.memory_space<vmem>>)
    %parallel_loop3A_594 = arith.constant 0 : i32
    %parallel_loop3A_595 = arith.constant 64 : i32
    %parallel_loop3A_596 = arith.constant 1 : i32
    scf.for %parallel_loop3A_666 = %parallel_loop3A_594 to %parallel_loop3A_595 step %parallel_loop3A_596  : i32 {
      %parallel_loop3A_667 = arith.constant 256 : i32
      %parallel_loop3A_668 = arith.addi %parallel_loop3A_667, %parallel_loop3A_666 : i32
      %parallel_loop3A_669 = arith.index_cast %parallel_loop3A_668 : i32 to index
      %parallel_loop3A_670 = arith.constant 0 : index
      %parallel_loop3A_671 = tpu.vector_load %arg9[%parallel_loop3A_669, %parallel_loop3A_670] {strides = array<i32>} : memref<448x128xf32, #tpu.memory_space<vmem>>, vector<16xf32>,
      %parallel_loop3A_672 = arith.index_cast %parallel_loop3A_668 : i32 to index
      %parallel_loop3A_673 = arith.constant 0 : index
      %parallel_loop3A_674 = tpu.vector_load %arg10[%parallel_loop3A_672, %parallel_loop3A_673] {strides = array<i32>} : memref<448x128xf32, #tpu.memory_space<vmem>>, vector<16xf32>,
      %parallel_loop3A_675 = arith.mulf %parallel_loop3A_671, %parallel_loop3A_674 : vector<16xf32>
      %parallel_loop3A_676 = arith.index_cast %parallel_loop3A_668 : i32 to index
      %parallel_loop3A_677 = arith.constant 16 : index
      %parallel_loop3A_678 = tpu.vector_load %arg9[%parallel_loop3A_676, %parallel_loop3A_677] {strides = array<i32>} : memref<448x128xf32, #tpu.memory_space<vmem>>, vector<16xf32>,
      %parallel_loop3A_679 = arith.index_cast %parallel_loop3A_668 : i32 to index
      %parallel_loop3A_680 = arith.constant 16 : index
      %parallel_loop3A_681 = tpu.vector_load %arg10[%parallel_loop3A_679, %parallel_loop3A_680] {strides = array<i32>} : memref<448x128xf32, #tpu.memory_space<vmem>>, vector<16xf32>,
      %parallel_loop3A_682 = arith.mulf %parallel_loop3A_678, %parallel_loop3A_681 : vector<16xf32>
      %parallel_loop3A_683 = arith.index_cast %parallel_loop3A_668 : i32 to index
      %parallel_loop3A_684 = arith.constant 32 : index
      %parallel_loop3A_685 = tpu.vector_load %arg9[%parallel_loop3A_683, %parallel_loop3A_684] {strides = array<i32>} : memref<448x128xf32, #tpu.memory_space<vmem>>, vector<16xf32>,
      %parallel_loop3A_686 = arith.index_cast %parallel_loop3A_668 : i32 to index
      %parallel_loop3A_687 = arith.constant 32 : index
      %parallel_loop3A_688 = tpu.vector_load %arg10[%parallel_loop3A_686, %parallel_loop3A_687] {strides = array<i32>} : memref<448x128xf32, #tpu.memory_space<vmem>>, vector<16xf32>,
      %parallel_loop3A_689 = arith.mulf %parallel_loop3A_685, %parallel_loop3A_688 : vector<16xf32>
      %parallel_loop3A_690 = arith.addf %parallel_loop3A_675, %parallel_loop3A_689 : vector<16xf32>
      %parallel_loop3A_691 = arith.index_cast %parallel_loop3A_668 : i32 to index
      %parallel_loop3A_692 = arith.constant 48 : index
      %parallel_loop3A_693 = tpu.vector_load %arg9[%parallel_loop3A_691, %parallel_loop3A_692] {strides = array<i32>} : memref<448x128xf32, #tpu.memory_space<vmem>>, vector<16xf32>,
      %parallel_loop3A_694 = arith.index_cast %parallel_loop3A_668 : i32 to index
      %parallel_loop3A_695 = arith.constant 48 : index
      %parallel_loop3A_696 = tpu.vector_load %arg10[%parallel_loop3A_694, %parallel_loop3A_695] {strides = array<i32>} : memref<448x128xf32, #tpu.memory_space<vmem>>, vector<16xf32>,
      %parallel_loop3A_697 = arith.mulf %parallel_loop3A_693, %parallel_loop3A_696 : vector<16xf32>
      %parallel_loop3A_698 = arith.addf %parallel_loop3A_682, %parallel_loop3A_697 : vector<16xf32>
      %parallel_loop3A_699 = arith.index_cast %parallel_loop3A_668 : i32 to index
      %parallel_loop3A_700 = arith.constant 64 : index
      %parallel_loop3A_701 = tpu.vector_load %arg9[%parallel_loop3A_699, %parallel_loop3A_700] {strides = array<i32>} : memref<448x128xf32, #tpu.memory_space<vmem>>, vector<16xf32>,
      %parallel_loop3A_702 = arith.index_cast %parallel_loop3A_668 : i32 to index
      %parallel_loop3A_703 = arith.constant 64 : index
      %parallel_loop3A_704 = tpu.vector_load %arg10[%parallel_loop3A_702, %parallel_loop3A_703] {strides = array<i32>} : memref<448x128xf32, #tpu.memory_space<vmem>>, vector<16xf32>,
      %parallel_loop3A_705 = arith.mulf %parallel_loop3A_701, %parallel_loop3A_704 : vector<16xf32>
      %parallel_loop3A_706 = arith.addf %parallel_loop3A_690, %parallel_loop3A_705 : vector<16xf32>
      %parallel_loop3A_707 = arith.index_cast %parallel_loop3A_668 : i32 to index
      %parallel_loop3A_708 = arith.constant 80 : index
      %parallel_loop3A_709 = tpu.vector_load %arg9[%parallel_loop3A_707, %parallel_loop3A_708] {strides = array<i32>} : memref<448x128xf32, #tpu.memory_space<vmem>>, vector<16xf32>,
      %parallel_loop3A_710 = arith.index_cast %parallel_loop3A_668 : i32 to index
      %parallel_loop3A_711 = arith.constant 80 : index
      %parallel_loop3A_712 = tpu.vector_load %arg10[%parallel_loop3A_710, %parallel_loop3A_711] {strides = array<i32>} : memref<448x128xf32, #tpu.memory_space<vmem>>, vector<16xf32>,
      %parallel_loop3A_713 = arith.mulf %parallel_loop3A_709, %parallel_loop3A_712 : vector<16xf32>
      %parallel_loop3A_714 = arith.addf %parallel_loop3A_698, %parallel_loop3A_713 : vector<16xf32>
      %parallel_loop3A_715 = arith.index_cast %parallel_loop3A_668 : i32 to index
      %parallel_loop3A_716 = arith.constant 96 : index
      %parallel_loop3A_717 = tpu.vector_load %arg9[%parallel_loop3A_715, %parallel_loop3A_716] {strides = array<i32>} : memref<448x128xf32, #tpu.memory_space<vmem>>, vector<16xf32>,
      %parallel_loop3A_718 = arith.index_cast %parallel_loop3A_668 : i32 to index
      %parallel_loop3A_719 = arith.constant 96 : index
      %parallel_loop3A_720 = tpu.vector_load %arg10[%parallel_loop3A_718, %parallel_loop3A_719] {strides = array<i32>} : memref<448x128xf32, #tpu.memory_space<vmem>>, vector<16xf32>,
      %parallel_loop3A_721 = arith.mulf %parallel_loop3A_717, %parallel_loop3A_720 : vector<16xf32>
      %parallel_loop3A_722 = arith.addf %parallel_loop3A_706, %parallel_loop3A_721 : vector<16xf32>
      %parallel_loop3A_723 = arith.index_cast %parallel_loop3A_668 : i32 to index
      %parallel_loop3A_724 = arith.constant 112 : index
      %parallel_loop3A_725 = tpu.vector_load %arg9[%parallel_loop3A_723, %parallel_loop3A_724] {strides = array<i32>} : memref<448x128xf32, #tpu.memory_space<vmem>>, vector<16xf32>,
      %parallel_loop3A_726 = arith.index_cast %parallel_loop3A_668 : i32 to index
      %parallel_loop3A_727 = arith.constant 112 : index
      %parallel_loop3A_728 = tpu.vector_load %arg10[%parallel_loop3A_726, %parallel_loop3A_727] {strides = array<i32>} : memref<448x128xf32, #tpu.memory_space<vmem>>, vector<16xf32>,
      %parallel_loop3A_729 = arith.mulf %parallel_loop3A_725, %parallel_loop3A_728 : vector<16xf32>
      %parallel_loop3A_730 = arith.addf %parallel_loop3A_714, %parallel_loop3A_729 : vector<16xf32>
      %parallel_loop3A_731 = arith.addf %parallel_loop3A_722, %parallel_loop3A_730 : vector<16xf32>
      %parallel_loop3A_732 = arith.constant true
      %parallel_loop3A_733 = vector.broadcast %parallel_loop3A_732 : i1 to vector<16xi1>
      %parallel_loop3A_734 = tpu.scan <sum>, %parallel_loop3A_731 masked %parallel_loop3A_733 : vector<16xf32>, vector<16xi1> -> vector<16xf32>
      %parallel_loop3A_735 = arith.constant 256 : i32
      %parallel_loop3A_736 = arith.addi %parallel_loop3A_735, %parallel_loop3A_666 : i32
      %parallel_loop3A_737 = vector.broadcast %parallel_loop3A_736 : i32 to vector<16xi32>
      tpu.vector_store_idx %arg11[%parallel_loop3A_737], %parallel_loop3A_734 masked %eq3A_179 : memref<512xf32, #tpu.memory_space<vmem>>[vector<16xi32>], vector<16xf32>, vector<16xi1>
    } {sc.loop_unroll_factor = 2 : i64, sc.parallel_access}
    %dma_wait3A_597 = arith.constant 5 : i32
    %dma_wait3A_598 = arith.constant 320 : i32
    %dma_wait3A_599 = arith.constant 0 : i32
    %dma_wait3A_600 = tpu.memref_slice %arg9[%dma_wait3A_598, %dma_wait3A_599] : memref<448x128xf32, #tpu.memory_space<vmem>> -> memref<64x128xf32, #tpu.memory_space<vmem>>
    %dma_wait3A_601 = arith.constant 0 : i32
    %dma_wait3A_602 = tpu.memref_slice %arg7[%dma_wait3A_597, %dma_wait3A_601] : memref<8x64xi32, #tpu.memory_space<vmem>> -> memref<1x64xi32, #tpu.memory_space<vmem>>
    %dma_wait3A_603 = tpu.memref_squeeze %dma_wait3A_602 : memref<1x64xi32, #tpu.memory_space<vmem>> -> memref<64xi32, #tpu.memory_space<vmem>>
    %dma_wait3A_604 = arith.constant 0 : i32
    %dma_wait3A_605 = arith.constant 0 : i32
    %dma_wait3A_606 = tpu.memref_slice %arg4[%dma_wait3A_604, %dma_wait3A_605] : memref<1000000x128xf32, #tpu.memory_space<hbm>> -> memref<1000000x128xf32, #tpu.memory_space<hbm>>
    tpu.wait_indirect_dma semaphore(%arg17 : memref<!tpu.dma_semaphore, #tpu.memory_space<semaphore_mem>>) src(%dma_wait3A_606 : memref<1000000x128xf32, #tpu.memory_space<hbm>>) dst(%dma_wait3A_600 : memref<64x128xf32, #tpu.memory_space<vmem>>)
    %dma_wait3A_607 = arith.constant 5 : i32
    %dma_wait3A_608 = arith.constant 320 : i32
    %dma_wait3A_609 = arith.constant 0 : i32
    %dma_wait3A_610 = tpu.memref_slice %arg10[%dma_wait3A_608, %dma_wait3A_609] : memref<448x128xf32, #tpu.memory_space<vmem>> -> memref<64x128xf32, #tpu.memory_space<vmem>>
    %dma_wait3A_611 = arith.constant 0 : i32
    %dma_wait3A_612 = tpu.memref_slice %arg8[%dma_wait3A_607, %dma_wait3A_611] : memref<8x64xi32, #tpu.memory_space<vmem>> -> memref<1x64xi32, #tpu.memory_space<vmem>>
    %dma_wait3A_613 = tpu.memref_squeeze %dma_wait3A_612 : memref<1x64xi32, #tpu.memory_space<vmem>> -> memref<64xi32, #tpu.memory_space<vmem>>
    %dma_wait3A_614 = arith.constant 0 : i32
    %dma_wait3A_615 = arith.constant 0 : i32
    %dma_wait3A_616 = tpu.memref_slice %arg5[%dma_wait3A_614, %dma_wait3A_615] : memref<1000000x128xf32, #tpu.memory_space<hbm>> -> memref<1000000x128xf32, #tpu.memory_space<hbm>>
    tpu.wait_indirect_dma semaphore(%arg17 : memref<!tpu.dma_semaphore, #tpu.memory_space<semaphore_mem>>) src(%dma_wait3A_616 : memref<1000000x128xf32, #tpu.memory_space<hbm>>) dst(%dma_wait3A_610 : memref<64x128xf32, #tpu.memory_space<vmem>>)
    %parallel_loop3A_617 = arith.constant 0 : i32
    %parallel_loop3A_618 = arith.constant 64 : i32
    %parallel_loop3A_619 = arith.constant 1 : i32
    scf.for %parallel_loop3A_666 = %parallel_loop3A_617 to %parallel_loop3A_618 step %parallel_loop3A_619  : i32 {
      %parallel_loop3A_667 = arith.constant 320 : i32
      %parallel_loop3A_668 = arith.addi %parallel_loop3A_667, %parallel_loop3A_666 : i32
      %parallel_loop3A_669 = arith.index_cast %parallel_loop3A_668 : i32 to index
      %parallel_loop3A_670 = arith.constant 0 : index
      %parallel_loop3A_671 = tpu.vector_load %arg9[%parallel_loop3A_669, %parallel_loop3A_670] {strides = array<i32>} : memref<448x128xf32, #tpu.memory_space<vmem>>, vector<16xf32>,
      %parallel_loop3A_672 = arith.index_cast %parallel_loop3A_668 : i32 to index
      %parallel_loop3A_673 = arith.constant 0 : index
      %parallel_loop3A_674 = tpu.vector_load %arg10[%parallel_loop3A_672, %parallel_loop3A_673] {strides = array<i32>} : memref<448x128xf32, #tpu.memory_space<vmem>>, vector<16xf32>,
      %parallel_loop3A_675 = arith.mulf %parallel_loop3A_671, %parallel_loop3A_674 : vector<16xf32>
      %parallel_loop3A_676 = arith.index_cast %parallel_loop3A_668 : i32 to index
      %parallel_loop3A_677 = arith.constant 16 : index
      %parallel_loop3A_678 = tpu.vector_load %arg9[%parallel_loop3A_676, %parallel_loop3A_677] {strides = array<i32>} : memref<448x128xf32, #tpu.memory_space<vmem>>, vector<16xf32>,
      %parallel_loop3A_679 = arith.index_cast %parallel_loop3A_668 : i32 to index
      %parallel_loop3A_680 = arith.constant 16 : index
      %parallel_loop3A_681 = tpu.vector_load %arg10[%parallel_loop3A_679, %parallel_loop3A_680] {strides = array<i32>} : memref<448x128xf32, #tpu.memory_space<vmem>>, vector<16xf32>,
      %parallel_loop3A_682 = arith.mulf %parallel_loop3A_678, %parallel_loop3A_681 : vector<16xf32>
      %parallel_loop3A_683 = arith.index_cast %parallel_loop3A_668 : i32 to index
      %parallel_loop3A_684 = arith.constant 32 : index
      %parallel_loop3A_685 = tpu.vector_load %arg9[%parallel_loop3A_683, %parallel_loop3A_684] {strides = array<i32>} : memref<448x128xf32, #tpu.memory_space<vmem>>, vector<16xf32>,
      %parallel_loop3A_686 = arith.index_cast %parallel_loop3A_668 : i32 to index
      %parallel_loop3A_687 = arith.constant 32 : index
      %parallel_loop3A_688 = tpu.vector_load %arg10[%parallel_loop3A_686, %parallel_loop3A_687] {strides = array<i32>} : memref<448x128xf32, #tpu.memory_space<vmem>>, vector<16xf32>,
      %parallel_loop3A_689 = arith.mulf %parallel_loop3A_685, %parallel_loop3A_688 : vector<16xf32>
      %parallel_loop3A_690 = arith.addf %parallel_loop3A_675, %parallel_loop3A_689 : vector<16xf32>
      %parallel_loop3A_691 = arith.index_cast %parallel_loop3A_668 : i32 to index
      %parallel_loop3A_692 = arith.constant 48 : index
      %parallel_loop3A_693 = tpu.vector_load %arg9[%parallel_loop3A_691, %parallel_loop3A_692] {strides = array<i32>} : memref<448x128xf32, #tpu.memory_space<vmem>>, vector<16xf32>,
      %parallel_loop3A_694 = arith.index_cast %parallel_loop3A_668 : i32 to index
      %parallel_loop3A_695 = arith.constant 48 : index
      %parallel_loop3A_696 = tpu.vector_load %arg10[%parallel_loop3A_694, %parallel_loop3A_695] {strides = array<i32>} : memref<448x128xf32, #tpu.memory_space<vmem>>, vector<16xf32>,
      %parallel_loop3A_697 = arith.mulf %parallel_loop3A_693, %parallel_loop3A_696 : vector<16xf32>
      %parallel_loop3A_698 = arith.addf %parallel_loop3A_682, %parallel_loop3A_697 : vector<16xf32>
      %parallel_loop3A_699 = arith.index_cast %parallel_loop3A_668 : i32 to index
      %parallel_loop3A_700 = arith.constant 64 : index
      %parallel_loop3A_701 = tpu.vector_load %arg9[%parallel_loop3A_699, %parallel_loop3A_700] {strides = array<i32>} : memref<448x128xf32, #tpu.memory_space<vmem>>, vector<16xf32>,
      %parallel_loop3A_702 = arith.index_cast %parallel_loop3A_668 : i32 to index
      %parallel_loop3A_703 = arith.constant 64 : index
      %parallel_loop3A_704 = tpu.vector_load %arg10[%parallel_loop3A_702, %parallel_loop3A_703] {strides = array<i32>} : memref<448x128xf32, #tpu.memory_space<vmem>>, vector<16xf32>,
      %parallel_loop3A_705 = arith.mulf %parallel_loop3A_701, %parallel_loop3A_704 : vector<16xf32>
      %parallel_loop3A_706 = arith.addf %parallel_loop3A_690, %parallel_loop3A_705 : vector<16xf32>
      %parallel_loop3A_707 = arith.index_cast %parallel_loop3A_668 : i32 to index
      %parallel_loop3A_708 = arith.constant 80 : index
      %parallel_loop3A_709 = tpu.vector_load %arg9[%parallel_loop3A_707, %parallel_loop3A_708] {strides = array<i32>} : memref<448x128xf32, #tpu.memory_space<vmem>>, vector<16xf32>,
      %parallel_loop3A_710 = arith.index_cast %parallel_loop3A_668 : i32 to index
      %parallel_loop3A_711 = arith.constant 80 : index
      %parallel_loop3A_712 = tpu.vector_load %arg10[%parallel_loop3A_710, %parallel_loop3A_711] {strides = array<i32>} : memref<448x128xf32, #tpu.memory_space<vmem>>, vector<16xf32>,
      %parallel_loop3A_713 = arith.mulf %parallel_loop3A_709, %parallel_loop3A_712 : vector<16xf32>
      %parallel_loop3A_714 = arith.addf %parallel_loop3A_698, %parallel_loop3A_713 : vector<16xf32>
      %parallel_loop3A_715 = arith.index_cast %parallel_loop3A_668 : i32 to index
      %parallel_loop3A_716 = arith.constant 96 : index
      %parallel_loop3A_717 = tpu.vector_load %arg9[%parallel_loop3A_715, %parallel_loop3A_716] {strides = array<i32>} : memref<448x128xf32, #tpu.memory_space<vmem>>, vector<16xf32>,
      %parallel_loop3A_718 = arith.index_cast %parallel_loop3A_668 : i32 to index
      %parallel_loop3A_719 = arith.constant 96 : index
      %parallel_loop3A_720 = tpu.vector_load %arg10[%parallel_loop3A_718, %parallel_loop3A_719] {strides = array<i32>} : memref<448x128xf32, #tpu.memory_space<vmem>>, vector<16xf32>,
      %parallel_loop3A_721 = arith.mulf %parallel_loop3A_717, %parallel_loop3A_720 : vector<16xf32>
      %parallel_loop3A_722 = arith.addf %parallel_loop3A_706, %parallel_loop3A_721 : vector<16xf32>
      %parallel_loop3A_723 = arith.index_cast %parallel_loop3A_668 : i32 to index
      %parallel_loop3A_724 = arith.constant 112 : index
      %parallel_loop3A_725 = tpu.vector_load %arg9[%parallel_loop3A_723, %parallel_loop3A_724] {strides = array<i32>} : memref<448x128xf32, #tpu.memory_space<vmem>>, vector<16xf32>,
      %parallel_loop3A_726 = arith.index_cast %parallel_loop3A_668 : i32 to index
      %parallel_loop3A_727 = arith.constant 112 : index
      %parallel_loop3A_728 = tpu.vector_load %arg10[%parallel_loop3A_726, %parallel_loop3A_727] {strides = array<i32>} : memref<448x128xf32, #tpu.memory_space<vmem>>, vector<16xf32>,
      %parallel_loop3A_729 = arith.mulf %parallel_loop3A_725, %parallel_loop3A_728 : vector<16xf32>
      %parallel_loop3A_730 = arith.addf %parallel_loop3A_714, %parallel_loop3A_729 : vector<16xf32>
      %parallel_loop3A_731 = arith.addf %parallel_loop3A_722, %parallel_loop3A_730 : vector<16xf32>
      %parallel_loop3A_732 = arith.constant true
      %parallel_loop3A_733 = vector.broadcast %parallel_loop3A_732 : i1 to vector<16xi1>
      %parallel_loop3A_734 = tpu.scan <sum>, %parallel_loop3A_731 masked %parallel_loop3A_733 : vector<16xf32>, vector<16xi1> -> vector<16xf32>
      %parallel_loop3A_735 = arith.constant 320 : i32
      %parallel_loop3A_736 = arith.addi %parallel_loop3A_735, %parallel_loop3A_666 : i32
      %parallel_loop3A_737 = vector.broadcast %parallel_loop3A_736 : i32 to vector<16xi32>
      tpu.vector_store_idx %arg11[%parallel_loop3A_737], %parallel_loop3A_734 masked %eq3A_179 : memref<512xf32, #tpu.memory_space<vmem>>[vector<16xi32>], vector<16xf32>, vector<16xi1>
    } {sc.loop_unroll_factor = 2 : i64, sc.parallel_access}
    %dma_wait3A_620 = arith.constant 6 : i32
    %dma_wait3A_621 = arith.constant 384 : i32
    %dma_wait3A_622 = arith.constant 0 : i32
    %dma_wait3A_623 = tpu.memref_slice %arg9[%dma_wait3A_621, %dma_wait3A_622] : memref<448x128xf32, #tpu.memory_space<vmem>> -> memref<64x128xf32, #tpu.memory_space<vmem>>
    %dma_wait3A_624 = arith.constant 0 : i32
    %dma_wait3A_625 = tpu.memref_slice %arg7[%dma_wait3A_620, %dma_wait3A_624] : memref<8x64xi32, #tpu.memory_space<vmem>> -> memref<1x64xi32, #tpu.memory_space<vmem>>
    %dma_wait3A_626 = tpu.memref_squeeze %dma_wait3A_625 : memref<1x64xi32, #tpu.memory_space<vmem>> -> memref<64xi32, #tpu.memory_space<vmem>>
    %dma_wait3A_627 = arith.constant 0 : i32
    %dma_wait3A_628 = arith.constant 0 : i32
    %dma_wait3A_629 = tpu.memref_slice %arg4[%dma_wait3A_627, %dma_wait3A_628] : memref<1000000x128xf32, #tpu.memory_space<hbm>> -> memref<1000000x128xf32, #tpu.memory_space<hbm>>
    tpu.wait_indirect_dma semaphore(%arg18 : memref<!tpu.dma_semaphore, #tpu.memory_space<semaphore_mem>>) src(%dma_wait3A_629 : memref<1000000x128xf32, #tpu.memory_space<hbm>>) dst(%dma_wait3A_623 : memref<64x128xf32, #tpu.memory_space<vmem>>)
    %dma_wait3A_630 = arith.constant 6 : i32
    %dma_wait3A_631 = arith.constant 384 : i32
    %dma_wait3A_632 = arith.constant 0 : i32
    %dma_wait3A_633 = tpu.memref_slice %arg10[%dma_wait3A_631, %dma_wait3A_632] : memref<448x128xf32, #tpu.memory_space<vmem>> -> memref<64x128xf32, #tpu.memory_space<vmem>>
    %dma_wait3A_634 = arith.constant 0 : i32
    %dma_wait3A_635 = tpu.memref_slice %arg8[%dma_wait3A_630, %dma_wait3A_634] : memref<8x64xi32, #tpu.memory_space<vmem>> -> memref<1x64xi32, #tpu.memory_space<vmem>>
    %dma_wait3A_636 = tpu.memref_squeeze %dma_wait3A_635 : memref<1x64xi32, #tpu.memory_space<vmem>> -> memref<64xi32, #tpu.memory_space<vmem>>
    %dma_wait3A_637 = arith.constant 0 : i32
    %dma_wait3A_638 = arith.constant 0 : i32
    %dma_wait3A_639 = tpu.memref_slice %arg5[%dma_wait3A_637, %dma_wait3A_638] : memref<1000000x128xf32, #tpu.memory_space<hbm>> -> memref<1000000x128xf32, #tpu.memory_space<hbm>>
    tpu.wait_indirect_dma semaphore(%arg18 : memref<!tpu.dma_semaphore, #tpu.memory_space<semaphore_mem>>) src(%dma_wait3A_639 : memref<1000000x128xf32, #tpu.memory_space<hbm>>) dst(%dma_wait3A_633 : memref<64x128xf32, #tpu.memory_space<vmem>>)
    %parallel_loop3A_640 = arith.constant 0 : i32
    %parallel_loop3A_641 = arith.constant 64 : i32
    %parallel_loop3A_642 = arith.constant 1 : i32
    scf.for %parallel_loop3A_666 = %parallel_loop3A_640 to %parallel_loop3A_641 step %parallel_loop3A_642  : i32 {
      %parallel_loop3A_667 = arith.constant 384 : i32
      %parallel_loop3A_668 = arith.addi %parallel_loop3A_667, %parallel_loop3A_666 : i32
      %parallel_loop3A_669 = arith.index_cast %parallel_loop3A_668 : i32 to index
      %parallel_loop3A_670 = arith.constant 0 : index
      %parallel_loop3A_671 = tpu.vector_load %arg9[%parallel_loop3A_669, %parallel_loop3A_670] {strides = array<i32>} : memref<448x128xf32, #tpu.memory_space<vmem>>, vector<16xf32>,
      %parallel_loop3A_672 = arith.index_cast %parallel_loop3A_668 : i32 to index
      %parallel_loop3A_673 = arith.constant 0 : index
      %parallel_loop3A_674 = tpu.vector_load %arg10[%parallel_loop3A_672, %parallel_loop3A_673] {strides = array<i32>} : memref<448x128xf32, #tpu.memory_space<vmem>>, vector<16xf32>,
      %parallel_loop3A_675 = arith.mulf %parallel_loop3A_671, %parallel_loop3A_674 : vector<16xf32>
      %parallel_loop3A_676 = arith.index_cast %parallel_loop3A_668 : i32 to index
      %parallel_loop3A_677 = arith.constant 16 : index
      %parallel_loop3A_678 = tpu.vector_load %arg9[%parallel_loop3A_676, %parallel_loop3A_677] {strides = array<i32>} : memref<448x128xf32, #tpu.memory_space<vmem>>, vector<16xf32>,
      %parallel_loop3A_679 = arith.index_cast %parallel_loop3A_668 : i32 to index
      %parallel_loop3A_680 = arith.constant 16 : index
      %parallel_loop3A_681 = tpu.vector_load %arg10[%parallel_loop3A_679, %parallel_loop3A_680] {strides = array<i32>} : memref<448x128xf32, #tpu.memory_space<vmem>>, vector<16xf32>,
      %parallel_loop3A_682 = arith.mulf %parallel_loop3A_678, %parallel_loop3A_681 : vector<16xf32>
      %parallel_loop3A_683 = arith.index_cast %parallel_loop3A_668 : i32 to index
      %parallel_loop3A_684 = arith.constant 32 : index
      %parallel_loop3A_685 = tpu.vector_load %arg9[%parallel_loop3A_683, %parallel_loop3A_684] {strides = array<i32>} : memref<448x128xf32, #tpu.memory_space<vmem>>, vector<16xf32>,
      %parallel_loop3A_686 = arith.index_cast %parallel_loop3A_668 : i32 to index
      %parallel_loop3A_687 = arith.constant 32 : index
      %parallel_loop3A_688 = tpu.vector_load %arg10[%parallel_loop3A_686, %parallel_loop3A_687] {strides = array<i32>} : memref<448x128xf32, #tpu.memory_space<vmem>>, vector<16xf32>,
      %parallel_loop3A_689 = arith.mulf %parallel_loop3A_685, %parallel_loop3A_688 : vector<16xf32>
      %parallel_loop3A_690 = arith.addf %parallel_loop3A_675, %parallel_loop3A_689 : vector<16xf32>
      %parallel_loop3A_691 = arith.index_cast %parallel_loop3A_668 : i32 to index
      %parallel_loop3A_692 = arith.constant 48 : index
      %parallel_loop3A_693 = tpu.vector_load %arg9[%parallel_loop3A_691, %parallel_loop3A_692] {strides = array<i32>} : memref<448x128xf32, #tpu.memory_space<vmem>>, vector<16xf32>,
      %parallel_loop3A_694 = arith.index_cast %parallel_loop3A_668 : i32 to index
      %parallel_loop3A_695 = arith.constant 48 : index
      %parallel_loop3A_696 = tpu.vector_load %arg10[%parallel_loop3A_694, %parallel_loop3A_695] {strides = array<i32>} : memref<448x128xf32, #tpu.memory_space<vmem>>, vector<16xf32>,
      %parallel_loop3A_697 = arith.mulf %parallel_loop3A_693, %parallel_loop3A_696 : vector<16xf32>
      %parallel_loop3A_698 = arith.addf %parallel_loop3A_682, %parallel_loop3A_697 : vector<16xf32>
      %parallel_loop3A_699 = arith.index_cast %parallel_loop3A_668 : i32 to index
      %parallel_loop3A_700 = arith.constant 64 : index
      %parallel_loop3A_701 = tpu.vector_load %arg9[%parallel_loop3A_699, %parallel_loop3A_700] {strides = array<i32>} : memref<448x128xf32, #tpu.memory_space<vmem>>, vector<16xf32>,
      %parallel_loop3A_702 = arith.index_cast %parallel_loop3A_668 : i32 to index
      %parallel_loop3A_703 = arith.constant 64 : index
      %parallel_loop3A_704 = tpu.vector_load %arg10[%parallel_loop3A_702, %parallel_loop3A_703] {strides = array<i32>} : memref<448x128xf32, #tpu.memory_space<vmem>>, vector<16xf32>,
      %parallel_loop3A_705 = arith.mulf %parallel_loop3A_701, %parallel_loop3A_704 : vector<16xf32>
      %parallel_loop3A_706 = arith.addf %parallel_loop3A_690, %parallel_loop3A_705 : vector<16xf32>
      %parallel_loop3A_707 = arith.index_cast %parallel_loop3A_668 : i32 to index
      %parallel_loop3A_708 = arith.constant 80 : index
      %parallel_loop3A_709 = tpu.vector_load %arg9[%parallel_loop3A_707, %parallel_loop3A_708] {strides = array<i32>} : memref<448x128xf32, #tpu.memory_space<vmem>>, vector<16xf32>,
      %parallel_loop3A_710 = arith.index_cast %parallel_loop3A_668 : i32 to index
      %parallel_loop3A_711 = arith.constant 80 : index
      %parallel_loop3A_712 = tpu.vector_load %arg10[%parallel_loop3A_710, %parallel_loop3A_711] {strides = array<i32>} : memref<448x128xf32, #tpu.memory_space<vmem>>, vector<16xf32>,
      %parallel_loop3A_713 = arith.mulf %parallel_loop3A_709, %parallel_loop3A_712 : vector<16xf32>
      %parallel_loop3A_714 = arith.addf %parallel_loop3A_698, %parallel_loop3A_713 : vector<16xf32>
      %parallel_loop3A_715 = arith.index_cast %parallel_loop3A_668 : i32 to index
      %parallel_loop3A_716 = arith.constant 96 : index
      %parallel_loop3A_717 = tpu.vector_load %arg9[%parallel_loop3A_715, %parallel_loop3A_716] {strides = array<i32>} : memref<448x128xf32, #tpu.memory_space<vmem>>, vector<16xf32>,
      %parallel_loop3A_718 = arith.index_cast %parallel_loop3A_668 : i32 to index
      %parallel_loop3A_719 = arith.constant 96 : index
      %parallel_loop3A_720 = tpu.vector_load %arg10[%parallel_loop3A_718, %parallel_loop3A_719] {strides = array<i32>} : memref<448x128xf32, #tpu.memory_space<vmem>>, vector<16xf32>,
      %parallel_loop3A_721 = arith.mulf %parallel_loop3A_717, %parallel_loop3A_720 : vector<16xf32>
      %parallel_loop3A_722 = arith.addf %parallel_loop3A_706, %parallel_loop3A_721 : vector<16xf32>
      %parallel_loop3A_723 = arith.index_cast %parallel_loop3A_668 : i32 to index
      %parallel_loop3A_724 = arith.constant 112 : index
      %parallel_loop3A_725 = tpu.vector_load %arg9[%parallel_loop3A_723, %parallel_loop3A_724] {strides = array<i32>} : memref<448x128xf32, #tpu.memory_space<vmem>>, vector<16xf32>,
      %parallel_loop3A_726 = arith.index_cast %parallel_loop3A_668 : i32 to index
      %parallel_loop3A_727 = arith.constant 112 : index
      %parallel_loop3A_728 = tpu.vector_load %arg10[%parallel_loop3A_726, %parallel_loop3A_727] {strides = array<i32>} : memref<448x128xf32, #tpu.memory_space<vmem>>, vector<16xf32>,
      %parallel_loop3A_729 = arith.mulf %parallel_loop3A_725, %parallel_loop3A_728 : vector<16xf32>
      %parallel_loop3A_730 = arith.addf %parallel_loop3A_714, %parallel_loop3A_729 : vector<16xf32>
      %parallel_loop3A_731 = arith.addf %parallel_loop3A_722, %parallel_loop3A_730 : vector<16xf32>
      %parallel_loop3A_732 = arith.constant true
      %parallel_loop3A_733 = vector.broadcast %parallel_loop3A_732 : i1 to vector<16xi1>
      %parallel_loop3A_734 = tpu.scan <sum>, %parallel_loop3A_731 masked %parallel_loop3A_733 : vector<16xf32>, vector<16xi1> -> vector<16xf32>
      %parallel_loop3A_735 = arith.constant 384 : i32
      %parallel_loop3A_736 = arith.addi %parallel_loop3A_735, %parallel_loop3A_666 : i32
      %parallel_loop3A_737 = vector.broadcast %parallel_loop3A_736 : i32 to vector<16xi32>
      tpu.vector_store_idx %arg11[%parallel_loop3A_737], %parallel_loop3A_734 masked %eq3A_179 : memref<512xf32, #tpu.memory_space<vmem>>[vector<16xi32>], vector<16xf32>, vector<16xi1>
    } {sc.loop_unroll_factor = 2 : i64, sc.parallel_access}
    %dma_wait3A_643 = arith.constant 7 : i32
    %dma_wait3A_644 = arith.constant 0 : i32
    %dma_wait3A_645 = arith.constant 0 : i32
    %dma_wait3A_646 = tpu.memref_slice %arg9[%dma_wait3A_644, %dma_wait3A_645] : memref<448x128xf32, #tpu.memory_space<vmem>> -> memref<64x128xf32, #tpu.memory_space<vmem>>
    %dma_wait3A_647 = arith.constant 0 : i32
    %dma_wait3A_648 = tpu.memref_slice %arg7[%dma_wait3A_643, %dma_wait3A_647] : memref<8x64xi32, #tpu.memory_space<vmem>> -> memref<1x64xi32, #tpu.memory_space<vmem>>
    %dma_wait3A_649 = tpu.memref_squeeze %dma_wait3A_648 : memref<1x64xi32, #tpu.memory_space<vmem>> -> memref<64xi32, #tpu.memory_space<vmem>>
    %dma_wait3A_650 = arith.constant 0 : i32
    %dma_wait3A_651 = arith.constant 0 : i32
    %dma_wait3A_652 = tpu.memref_slice %arg4[%dma_wait3A_650, %dma_wait3A_651] : memref<1000000x128xf32, #tpu.memory_space<hbm>> -> memref<1000000x128xf32, #tpu.memory_space<hbm>>
    tpu.wait_indirect_dma semaphore(%arg12 : memref<!tpu.dma_semaphore, #tpu.memory_space<semaphore_mem>>) src(%dma_wait3A_652 : memref<1000000x128xf32, #tpu.memory_space<hbm>>) dst(%dma_wait3A_646 : memref<64x128xf32, #tpu.memory_space<vmem>>)
    %dma_wait3A_653 = arith.constant 7 : i32
    %dma_wait3A_654 = arith.constant 0 : i32
    %dma_wait3A_655 = arith.constant 0 : i32
    %dma_wait3A_656 = tpu.memref_slice %arg10[%dma_wait3A_654, %dma_wait3A_655] : memref<448x128xf32, #tpu.memory_space<vmem>> -> memref<64x128xf32, #tpu.memory_space<vmem>>
    %dma_wait3A_657 = arith.constant 0 : i32
    %dma_wait3A_658 = tpu.memref_slice %arg8[%dma_wait3A_653, %dma_wait3A_657] : memref<8x64xi32, #tpu.memory_space<vmem>> -> memref<1x64xi32, #tpu.memory_space<vmem>>
    %dma_wait3A_659 = tpu.memref_squeeze %dma_wait3A_658 : memref<1x64xi32, #tpu.memory_space<vmem>> -> memref<64xi32, #tpu.memory_space<vmem>>
    %dma_wait3A_660 = arith.constant 0 : i32
    %dma_wait3A_661 = arith.constant 0 : i32
    %dma_wait3A_662 = tpu.memref_slice %arg5[%dma_wait3A_660, %dma_wait3A_661] : memref<1000000x128xf32, #tpu.memory_space<hbm>> -> memref<1000000x128xf32, #tpu.memory_space<hbm>>
    tpu.wait_indirect_dma semaphore(%arg12 : memref<!tpu.dma_semaphore, #tpu.memory_space<semaphore_mem>>) src(%dma_wait3A_662 : memref<1000000x128xf32, #tpu.memory_space<hbm>>) dst(%dma_wait3A_656 : memref<64x128xf32, #tpu.memory_space<vmem>>)
    %parallel_loop3A_663 = arith.constant 0 : i32
    %parallel_loop3A_664 = arith.constant 64 : i32
    %parallel_loop3A_665 = arith.constant 1 : i32
    scf.for %parallel_loop3A_666 = %parallel_loop3A_663 to %parallel_loop3A_664 step %parallel_loop3A_665  : i32 {
      %parallel_loop3A_667 = arith.constant 0 : i32
      %parallel_loop3A_668 = arith.addi %parallel_loop3A_667, %parallel_loop3A_666 : i32
      %parallel_loop3A_669 = arith.index_cast %parallel_loop3A_668 : i32 to index
      %parallel_loop3A_670 = arith.constant 0 : index
      %parallel_loop3A_671 = tpu.vector_load %arg9[%parallel_loop3A_669, %parallel_loop3A_670] {strides = array<i32>} : memref<448x128xf32, #tpu.memory_space<vmem>>, vector<16xf32>,
      %parallel_loop3A_672 = arith.index_cast %parallel_loop3A_668 : i32 to index
      %parallel_loop3A_673 = arith.constant 0 : index
      %parallel_loop3A_674 = tpu.vector_load %arg10[%parallel_loop3A_672, %parallel_loop3A_673] {strides = array<i32>} : memref<448x128xf32, #tpu.memory_space<vmem>>, vector<16xf32>,
      %parallel_loop3A_675 = arith.mulf %parallel_loop3A_671, %parallel_loop3A_674 : vector<16xf32>
      %parallel_loop3A_676 = arith.index_cast %parallel_loop3A_668 : i32 to index
      %parallel_loop3A_677 = arith.constant 16 : index
      %parallel_loop3A_678 = tpu.vector_load %arg9[%parallel_loop3A_676, %parallel_loop3A_677] {strides = array<i32>} : memref<448x128xf32, #tpu.memory_space<vmem>>, vector<16xf32>,
      %parallel_loop3A_679 = arith.index_cast %parallel_loop3A_668 : i32 to index
      %parallel_loop3A_680 = arith.constant 16 : index
      %parallel_loop3A_681 = tpu.vector_load %arg10[%parallel_loop3A_679, %parallel_loop3A_680] {strides = array<i32>} : memref<448x128xf32, #tpu.memory_space<vmem>>, vector<16xf32>,
      %parallel_loop3A_682 = arith.mulf %parallel_loop3A_678, %parallel_loop3A_681 : vector<16xf32>
      %parallel_loop3A_683 = arith.index_cast %parallel_loop3A_668 : i32 to index
      %parallel_loop3A_684 = arith.constant 32 : index
      %parallel_loop3A_685 = tpu.vector_load %arg9[%parallel_loop3A_683, %parallel_loop3A_684] {strides = array<i32>} : memref<448x128xf32, #tpu.memory_space<vmem>>, vector<16xf32>,
      %parallel_loop3A_686 = arith.index_cast %parallel_loop3A_668 : i32 to index
      %parallel_loop3A_687 = arith.constant 32 : index
      %parallel_loop3A_688 = tpu.vector_load %arg10[%parallel_loop3A_686, %parallel_loop3A_687] {strides = array<i32>} : memref<448x128xf32, #tpu.memory_space<vmem>>, vector<16xf32>,
      %parallel_loop3A_689 = arith.mulf %parallel_loop3A_685, %parallel_loop3A_688 : vector<16xf32>
      %parallel_loop3A_690 = arith.addf %parallel_loop3A_675, %parallel_loop3A_689 : vector<16xf32>
      %parallel_loop3A_691 = arith.index_cast %parallel_loop3A_668 : i32 to index
      %parallel_loop3A_692 = arith.constant 48 : index
      %parallel_loop3A_693 = tpu.vector_load %arg9[%parallel_loop3A_691, %parallel_loop3A_692] {strides = array<i32>} : memref<448x128xf32, #tpu.memory_space<vmem>>, vector<16xf32>,
      %parallel_loop3A_694 = arith.index_cast %parallel_loop3A_668 : i32 to index
      %parallel_loop3A_695 = arith.constant 48 : index
      %parallel_loop3A_696 = tpu.vector_load %arg10[%parallel_loop3A_694, %parallel_loop3A_695] {strides = array<i32>} : memref<448x128xf32, #tpu.memory_space<vmem>>, vector<16xf32>,
      %parallel_loop3A_697 = arith.mulf %parallel_loop3A_693, %parallel_loop3A_696 : vector<16xf32>
      %parallel_loop3A_698 = arith.addf %parallel_loop3A_682, %parallel_loop3A_697 : vector<16xf32>
      %parallel_loop3A_699 = arith.index_cast %parallel_loop3A_668 : i32 to index
      %parallel_loop3A_700 = arith.constant 64 : index
      %parallel_loop3A_701 = tpu.vector_load %arg9[%parallel_loop3A_699, %parallel_loop3A_700] {strides = array<i32>} : memref<448x128xf32, #tpu.memory_space<vmem>>, vector<16xf32>,
      %parallel_loop3A_702 = arith.index_cast %parallel_loop3A_668 : i32 to index
      %parallel_loop3A_703 = arith.constant 64 : index
      %parallel_loop3A_704 = tpu.vector_load %arg10[%parallel_loop3A_702, %parallel_loop3A_703] {strides = array<i32>} : memref<448x128xf32, #tpu.memory_space<vmem>>, vector<16xf32>,
      %parallel_loop3A_705 = arith.mulf %parallel_loop3A_701, %parallel_loop3A_704 : vector<16xf32>
      %parallel_loop3A_706 = arith.addf %parallel_loop3A_690, %parallel_loop3A_705 : vector<16xf32>
      %parallel_loop3A_707 = arith.index_cast %parallel_loop3A_668 : i32 to index
      %parallel_loop3A_708 = arith.constant 80 : index
      %parallel_loop3A_709 = tpu.vector_load %arg9[%parallel_loop3A_707, %parallel_loop3A_708] {strides = array<i32>} : memref<448x128xf32, #tpu.memory_space<vmem>>, vector<16xf32>,
      %parallel_loop3A_710 = arith.index_cast %parallel_loop3A_668 : i32 to index
      %parallel_loop3A_711 = arith.constant 80 : index
      %parallel_loop3A_712 = tpu.vector_load %arg10[%parallel_loop3A_710, %parallel_loop3A_711] {strides = array<i32>} : memref<448x128xf32, #tpu.memory_space<vmem>>, vector<16xf32>,
      %parallel_loop3A_713 = arith.mulf %parallel_loop3A_709, %parallel_loop3A_712 : vector<16xf32>
      %parallel_loop3A_714 = arith.addf %parallel_loop3A_698, %parallel_loop3A_713 : vector<16xf32>
      %parallel_loop3A_715 = arith.index_cast %parallel_loop3A_668 : i32 to index
      %parallel_loop3A_716 = arith.constant 96 : index
      %parallel_loop3A_717 = tpu.vector_load %arg9[%parallel_loop3A_715, %parallel_loop3A_716] {strides = array<i32>} : memref<448x128xf32, #tpu.memory_space<vmem>>, vector<16xf32>,
      %parallel_loop3A_718 = arith.index_cast %parallel_loop3A_668 : i32 to index
      %parallel_loop3A_719 = arith.constant 96 : index
      %parallel_loop3A_720 = tpu.vector_load %arg10[%parallel_loop3A_718, %parallel_loop3A_719] {strides = array<i32>} : memref<448x128xf32, #tpu.memory_space<vmem>>, vector<16xf32>,
      %parallel_loop3A_721 = arith.mulf %parallel_loop3A_717, %parallel_loop3A_720 : vector<16xf32>
      %parallel_loop3A_722 = arith.addf %parallel_loop3A_706, %parallel_loop3A_721 : vector<16xf32>
      %parallel_loop3A_723 = arith.index_cast %parallel_loop3A_668 : i32 to index
      %parallel_loop3A_724 = arith.constant 112 : index
      %parallel_loop3A_725 = tpu.vector_load %arg9[%parallel_loop3A_723, %parallel_loop3A_724] {strides = array<i32>} : memref<448x128xf32, #tpu.memory_space<vmem>>, vector<16xf32>,
      %parallel_loop3A_726 = arith.index_cast %parallel_loop3A_668 : i32 to index
      %parallel_loop3A_727 = arith.constant 112 : index
      %parallel_loop3A_728 = tpu.vector_load %arg10[%parallel_loop3A_726, %parallel_loop3A_727] {strides = array<i32>} : memref<448x128xf32, #tpu.memory_space<vmem>>, vector<16xf32>,
      %parallel_loop3A_729 = arith.mulf %parallel_loop3A_725, %parallel_loop3A_728 : vector<16xf32>
      %parallel_loop3A_730 = arith.addf %parallel_loop3A_714, %parallel_loop3A_729 : vector<16xf32>
      %parallel_loop3A_731 = arith.addf %parallel_loop3A_722, %parallel_loop3A_730 : vector<16xf32>
      %parallel_loop3A_732 = arith.constant true
      %parallel_loop3A_733 = vector.broadcast %parallel_loop3A_732 : i1 to vector<16xi1>
      %parallel_loop3A_734 = tpu.scan <sum>, %parallel_loop3A_731 masked %parallel_loop3A_733 : vector<16xf32>, vector<16xi1> -> vector<16xf32>
      %parallel_loop3A_735 = arith.constant 448 : i32
      %parallel_loop3A_736 = arith.addi %parallel_loop3A_735, %parallel_loop3A_666 : i32
      %parallel_loop3A_737 = vector.broadcast %parallel_loop3A_736 : i32 to vector<16xi32>
      tpu.vector_store_idx %arg11[%parallel_loop3A_737], %parallel_loop3A_734 masked %eq3A_179 : memref<512xf32, #tpu.memory_space<vmem>>[vector<16xi32>], vector<16xf32>, vector<16xi1>
    } {sc.loop_unroll_factor = 2 : i64, sc.parallel_access}
    "tpu.region"() ({
      %run_scoped3A = tpu.sem_alloc : memref<!tpu.dma_semaphore, #tpu.memory_space<semaphore_mem>>
      %dma_start3A_666 = tpu.memref_slice %arg6[%mul3A_2] : memref<16384xf32, #tpu.memory_space<hbm>> -> memref<512xf32, #tpu.memory_space<hbm>>
      %dma_start3A_667 = tpu.memref_slice %arg6[%mul3A_2] : memref<16384xf32, #tpu.memory_space<hbm>> -> memref<512xf32, #tpu.memory_space<hbm>>
      tpu.enqueue_dma source(%arg11 : memref<512xf32, #tpu.memory_space<vmem>>) target(%dma_start3A_667 : memref<512xf32, #tpu.memory_space<hbm>>) target_semaphore(%run_scoped3A : memref<!tpu.dma_semaphore, #tpu.memory_space<semaphore_mem>>)
      %dma_wait3A_668 = tpu.memref_slice %arg6[%mul3A_2] : memref<16384xf32, #tpu.memory_space<hbm>> -> memref<512xf32, #tpu.memory_space<hbm>>
      %dma_wait3A_669 = tpu.memref_slice %arg6[%mul3A_2] : memref<16384xf32, #tpu.memory_space<hbm>> -> memref<512xf32, #tpu.memory_space<hbm>>
      tpu.wait_dma2 semaphore(%run_scoped3A : memref<!tpu.dma_semaphore, #tpu.memory_space<semaphore_mem>>) src(%arg11 : memref<512xf32, #tpu.memory_space<vmem>>) dst(%dma_wait3A_669 : memref<512xf32, #tpu.memory_space<hbm>>)
      tpu.yield
    }) : () -> ()
    return
  }
}

</mosaic_0001>

<sc_bundles>
// kernel: kernel.3.cloned.1.call-start
scs
__scs_entry_jumppad:
0x0: {  	(pc) =	sbr.rel $0x88, $3  }
0x1: {  	(tag) =	ssettag $0x0;
	lr =	simm.s32 $0x1  }
0x2: {  	[smem:$0x3F9D] =	sst lr;
	_ =	strace $0xD0000000  }
0x3: {  	_ = 	snop  }
0x4: {  	_ = 	snop  }
0x5: {  	_ = 	snop  }
0x6: {  	_ = 	snop  }
0x7: {  	_ = 	snop  }
__scs_overlays_trampoline_lowered:
0x8: {  	[smem:$0x3FAC] =	sst s0  }
0x9: {  	[smem:$0x3FAD] =	sst s1  }
0xa: {  	[smem:$0x3FAE] =	sst s2  }
0xb: {  	[smem:$0x3FAF] =	sst s3  }
0xc: {  	[smem:$0x3FB0] =	sst s4  }
0xd: {  	[smem:$0x3FB1] =	sst s5  }
0xe: {  	[smem:$0x3FB2] =	sst s6  }
0xf: {  	[smem:$0x3FB3] =	sst s7  }
0x10: {  	[smem:$0x3FB4] =	sst s8  }
0x11: {  	[smem:$0x3FB5] =	sst s9;
	s0 =	simm.s32 @!p0 $0x0  }
0x12: {  	s1 =	sld [smem:$0x3F9B];
	s0 =	simm.s32 @p0 $0x1  }
0x13: {  	[smem:$0x3FB6] =	sst s0;
	s0 =	simm.s32 @!p1 $0x0  }
0x14: {  	s2 =	sld [smem:$0x3F9A];
	s0 =	simm.s32 @p1 $0x1  }
0x15: {  	[smem:$0x3FB7] =	sst s0;
	s0 =	simm.s32 @!p2 $0x0  }
0x16: {  	s3 =	sld [smem:$0x3FDB];
	s0 =	simm.s32 @p2 $0x1  }
0x17: {  	s4 =	simm.s32 $0x1BF5;
	[smem:$0x3FB9] =	sst s0  }
0x18: {  	s0 =	sld [smem:$0x3F9C];
	_ =	swait.ge [sflag:s4], $0x0  }
0x19: {  	s7 =	sld [smem:$0x3F9D]  }
0x1a: {  	s8 =	sadd.s32 $0xFFFFE003, lr  }
0x1b: {  	s9 =	sadd.s32 $0xFFFFFEF7, lr;
	s5 =	simm.s32 $0xFFFFFFFF;
	p2 =	slt.u32 s8, $0xFFFFF086  }
0x1c: {  	p1 =	slt.u32 s9, $0xF7A;
	s5 =	simm.s32 @!p2 $0x0  }
0x1d: {  	s5 =	simm.s32 @p1 $0x1;
	p0 =	seq.s32 s7, s2  }
0x1e: {  	s7 =	smul.u32 @!p0 $0xF7A, s2;
	p2 =	seq.s32 @!p0 s5, $0x0  }
0x1f: {  	s9 =	smul.u32 $0xF7A, s1;
	s8 =	simm.s32 @!p0 $0x1BF5;
	p2 =	por !p2, p0  }
0x20: {  	[sflag:s8] =	ssyncset.s32 @!p0 $0xFFFFF086;
	s6 =	sadd.s32 @!p0 s3, s7;
	s7 =	simm.s32 @!p0 $0x108  }
0x21: {  	s3 =	sadd.s32 s3, s9;
	s6 =	sadd.s32 @!p0 $0x88, s6;
	s7 =	simm.s32 @p2 $0x1082  }
0x22: {  	[simem:s7], [sflag:s8] =	dma.local @!p0 [hbm:s6], $0xF7A  }
0x23: {  	s9 =	sor.u32 $0xD0000000, s2;
	s6 =	simm.s32 $0x108;
	_ =	swait.ge @!p0 [sflag:s8], $0x0  }
0x24: {  	s3 =	sadd.s32 $0x88, s3;
	s6 =	simm.s32 @!p1 $0x1082;
	[sflag:s4] =	ssyncset.s32 $0xFFFFF086  }
0x25: {  	[simem:s6], [sflag:s4] =	dma.local [hbm:s3], $0xF7A  }
0x26: {  	[smem:$0x3F9D] =	sst s1;
	(tag) =	ssettag s2;
	_ =	strace s9  }
0x27: {  	s1 =	sld [smem:$0x3FAD]  }
0x28: {  	s2 =	sld [smem:$0x3FAE]  }
0x29: {  	s4 =	sld [smem:$0x3FB0]  }
0x2a: {  	p0 =	seq.s32 s5, $0x0;
	s5 =	sld [smem:$0x3FB1]  }
0x2b: {  	s6 =	sld [smem:$0x3FB2]  }
0x2c: {  	s7 =	sld [smem:$0x3FB3]  }
0x2d: {  	s3 =	simm.s32 $0x108;
	s8 =	sld [smem:$0x3FB4]  }
0x2e: {  	s3 =	simm.s32 @!p0 $0x1082;
	s9 =	sld [smem:$0x3FB5]  }
0x2f: {  	lr =	sadd.s32 s0, s3;
	s0 =	sld [smem:$0x3FAC]  }
0x30: {  	s3 =	sld [smem:$0x3FAF]  }
0x31: {  	[smem:$0x3FB8] =	sst s10  }
0x32: {  	s10 =	sld [smem:$0x3FB6];
	_ =	sdelay $0x3  }
0x33: {  	p0 =	seq.s32 s10, $0x1;
	s10 =	sld [smem:$0x3FB8];
	_ =	sdelay $0x3  }
0x34: {  	[smem:$0x3FB8] =	sst s10  }
0x35: {  	s10 =	sld [smem:$0x3FB7];
	_ =	sdelay $0x3  }
0x36: {  	p1 =	seq.s32 s10, $0x1;
	s10 =	sld [smem:$0x3FB8];
	_ =	sdelay $0x3  }
0x37: {  	[smem:$0x3FB8] =	sst s10  }
0x38: {  	s10 =	sld [smem:$0x3FB9]  }
0x39: {  	_ = 	snop;
	(pc) =	sbr.ind lr, $3  }
0x3a: {  	_ = 	snop  }
0x3b: {  	_ = 	snop  }
0x3c: {  	p2 =	seq.s32 s10, $0x1;
	s10 =	sld [smem:$0x3FB8]  }
0x3d: {  	_ =	shalt  }
0x3e: {  	_ =	shalt  }
0x3f: {  	_ =	shalt  }
0x40: {  	_ =	shalt  }
0x41: {  	_ =	shalt  }
0x42: {  	_ =	shalt  }
0x43: {  	_ =	shalt  }
0x44: {  	_ =	shalt  }
0x45: {  	_ =	shalt  }
0x46: {  	_ =	shalt  }
0x47: {  	_ =	shalt  }
0x48: {  	_ =	shalt  }
0x49: {  	_ =	shalt  }
0x4a: {  	_ =	shalt  }
0x4b: {  	_ =	shalt  }
0x4c: {  	_ =	shalt  }
0x4d: {  	_ =	shalt  }
0x4e: {  	_ =	shalt  }
0x4f: {  	_ =	shalt  }
0x50: {  	_ =	shalt  }
0x51: {  	_ =	shalt  }
0x52: {  	_ =	shalt  }
0x53: {  	_ =	shalt  }
0x54: {  	_ =	shalt  }
0x55: {  	_ =	shalt  }
0x56: {  	_ =	shalt  }
0x57: {  	_ =	shalt  }
0x58: {  	_ =	shalt  }
0x59: {  	_ =	shalt  }
0x5a: {  	_ =	shalt  }
0x5b: {  	_ =	shalt  }
0x5c: {  	_ =	shalt  }
0x5d: {  	_ =	shalt  }
0x5e: {  	_ =	shalt  }
0x5f: {  	_ =	shalt  }
0x60: {  	_ =	shalt  }
0x61: {  	_ =	shalt  }
0x62: {  	_ =	shalt  }
0x63: {  	_ =	shalt  }
0x64: {  	_ =	shalt  }
0x65: {  	_ =	shalt  }
0x66: {  	_ =	shalt  }
0x67: {  	_ =	shalt  }
0x68: {  	_ =	shalt  }
0x69: {  	_ =	shalt  }
0x6a: {  	_ =	shalt  }
0x6b: {  	_ =	shalt  }
0x6c: {  	_ =	shalt  }
0x6d: {  	_ =	shalt  }
0x6e: {  	_ =	shalt  }
0x6f: {  	_ =	shalt  }
0x70: {  	_ =	shalt  }
0x71: {  	_ =	shalt  }
0x72: {  	_ =	shalt  }
0x73: {  	_ =	shalt  }
0x74: {  	_ =	shalt  }
0x75: {  	_ =	shalt  }
0x76: {  	_ =	shalt  }
0x77: {  	_ =	shalt  }
0x78: {  	_ =	shalt  }
0x79: {  	_ =	shalt  }
0x7a: {  	_ =	shalt  }
0x7b: {  	_ =	shalt  }
0x7c: {  	_ =	shalt  }
0x7d: {  	_ =	shalt  }
0x7e: {  	_ =	shalt  }
0x7f: {  	_ =	shalt  }
0x80: {  	_ =	shalt  }
0x81: {  	_ =	shalt  }
0x82: {  	_ =	shalt  }
0x83: {  	_ =	shalt  }
0x84: {  	_ =	shalt  }
0x85: {  	_ =	shalt  }
0x86: {  	_ =	shalt  }
0x87: {  	_ =	shalt  }
.Lfunc_end0:
.L_simem_size_0:
called_computation_lowered:
.L_overlay_start_0:
0x88: {  	s2 =	sld [smem:$0x3FD9]  }
0x89: {  	s3 =	sld [smem:$0x3FFE];
	_ =	sdelay $0x1  }
0x8a: {  	s1 =	srdreg.scid  }
0x8b: {  	s0 =	sand.u32 $0x1, s1  }
0x8c: {  	s18 =	sshll.u32 s0, $0xA;
	s2 =	sadd.s32 s3, s2  }
0x8d: {  	s2 =	sadd.s32 s2, s18  }
0x8e: {  	[smem:$0x3FC4] =	sst s2  }
0x8f: {  	_ = 	snop  }
0x90: {  	s2 =	sld [smem:$0x3FC9]  }
0x91: {  	s19 =	sld [smem:$0x3FC8]  }
0x92: {  	s4 =	sld [smem:$0x3FC7]  }
0x93: {  	s5 =	sld [smem:$0x3FC6]  }
0x94: {  	s6 =	sld [smem:$0x3FD0];
	(tm) =	ssettm $0x1  }
0x95: {  	s7 =	sld [smem:$0x3FFB];
	_ =	sdelay $0x3  }
0x96: {  	_ =	strace s7  }
0x97: {  	s7 =	sld [smem:$0x3FFC];
	_ =	sdelay $0x3  }
0x98: {  	_ =	strace s7  }
0x99: {  	s7 =	sld [smem:$0x3FFD];
	_ =	sdelay $0x3  }
0x9a: {  	_ =	strace s7  }
0x9b: {  	_ =	strace $0x8FFFFFFF  }
0x9c: {  	s20 =	sld [smem:$0x3FDB];
	_ =	sdelay $0x1  }
0x9d: {  	s8 =	simm.s32 $_scs_section_size  }
0x9e: {  	s9 =	simm.s32 $_size__tile_overlayer_lowered;
	s10 =	simm.s32 $_tile_overlayer_lowered  }
0x9f: {  	s23 =	simm.s32 $0x1BFF;
	s22 =	sshll.u32 s10, $0x1;
	s7 =	sadd.s32 s8, s20  }
0xa0: {  	s11 =	simm.s32 $0x0;
	s21 =	sshll.u32 s9, $0x1;
	s9 =	sadd.s32 s22, s7  }
0xa1: {  	[timem:s11], [sflag:s23] =	dma.local [hbm:s9], s21  }
0xa2: {  	_ =	swait.ge [sflag:s23], s21  }
0xa3: {  	s8 =	ssub.s32 $0x0, s21;
	[sflag:s23] =	ssyncset.done $0x0  }
0xa4: {  	[sflag:s23] =	ssyncadd.s32 s8;
	_ =	sdelay $0x1  }
0xa5: {  	s24 =	simm.s32 $0x1B8B  }
0xa6: {  	_ =	swait.ge [sflag:s24], $0x1  }
0xa7: {  	[sflag:s24] =	ssyncset.done $0x0  }
0xa8: {  	s25 =	simm.s32 $0x1B8E;
	[sflag:s24] =	ssyncadd.s32 $0xFFFFFFFF  }
0xa9: {  	s26 =	simm.s32 $execute0_lowered;
	[smem:$0x3FD2] =	sst s25  }
0xaa: {  	s8 =	sshll.u32 s26, $0x1;
	_ =	strace $0x80000046;
	[dreg:$0x1] =	wrdreg $0xFFFFFFFF  }
0xab: {  	s28 =	simm.s32 $_size_execute0_lowered;
	s7 =	sadd.s32 s7, s8;
	[dreg:$0x0] =	wrdreg $0x0  }
0xac: {  	s8 =	sshll.u32 s28, $0x1;
	[dreg:$0x2] =	wrdreg s7  }
0xad: {  	[dreg:$0x3] =	wrdreg s8  }
0xae: {  	[dreg:$0x4] =	wrdreg $0xC0  }
0xaf: {  	_ =	task [dreg:s11], $0x5FFFF  }
0xb0: {  	[dreg:$0x1] =	wrdreg $0xFFFFFFFF  }
0xb1: {  	[dreg:$0x0] =	wrdreg $0x60  }
0xb2: {  	[dreg:$0x2] =	wrdreg s2  }
0xb3: {  	[dreg:$0x3] =	wrdreg s19  }
0xb4: {  	[dreg:$0x4] =	wrdreg s4  }
0xb5: {  	[dreg:$0x5] =	wrdreg s5  }
0xb6: {  	[dreg:$0x6] =	wrdreg s6  }
0xb7: {  	[dreg:$0x7] =	wrdreg $0x9  }
0xb8: {  	_ =	task.clear_ibuf [dreg:s11], $0x8FFFF;
	_ =	strace $0x90000046  }
0xb9: {  	s29 =	simm.s32 $0x9;
	_ =	strace $0x80000048  }
0xba: {  	_ =	swait.ge [sflag:s29], $0x1  }
0xbb: {  	[sflag:s29] =	ssyncadd.s32 $0xFFFFFFFF  }
0xbc: {  	_ =	strace $0x90000048  }
0xbd: {  	_ =	sfence  }
0xbe: {  	s30 =	sld [smem:$0x0];
	_ =	sdelay $0x2  }
0xbf: {  	s31 =	sshll.u32 s1, $0xD;
	s1 =	sshrl.u32 s1, $0x2  }
0xc0: {  	s3 =	sand.u32 $0x4000, s31;
	s1 =	sadd.s32 s1, s30  }
0xc1: {  	s0 =	sor.u32 s3, s0;
	s1 =	sshll.u32 s1, $0x11  }
0xc2: {  	s0 =	sor.u32 s1, s0  }
0xc3: {  	s0 =	sadd.s32 $0x8F2B, s0  }
0xc4: {  	[sflag:s0] =	ssyncadd.remote.s32 $0x1  }
0xc5: {  	_ =	sfence.sel $0xFFFF  }
0xc6: {  	[dreg:$0x0] =	wrdreg $0xFFFFFFFF;
	(pc) =	sbr.abs _section_cstart, $3  }
0xc7: {  	[dreg:$0x1] =	wrdreg $0xFFFFFFFF  }
0xc8: {  	_ =	task.clear_ibuf [dreg:s11], $0x2FFFF;
	_ =	strace $0x9FFFFFFF  }
0xc9: {  	(tm) =	ssettm $0x7FFFFFFF  }
tec
execute0_lowered:
.L_overlay_start_1:
0x0: {  	(tag) =	ssettag $0x1  }
0x1: {  	s0 =	rddreg [dreg:$0x0]  }
0x2: {  	s3 =	rddreg [dreg:$0x1]  }
0x3: {  	s1 =	rddreg [dreg:$0x2]  }
0x4: {  	s2 =	rddreg [dreg:$0x3]  }
0x5: {  	s5 =	rddreg [dreg:$0x4];
	s6 =	srdreg.scid;
	s4 =	simm.s32 $0x0  }
0x6: {  	s9 =	stileid.u32;
	s28 =	simm.s32 $0x8;
	s31 =	simm.s32 $0x1C800  }
0x7: {  	s29 =	simm.s32 $0x180;
	s6 =	sand.u32 $0x1, s6;
	[smem:$0x7FF] =	sst s4  }
0x8: {  	s9 =	sshll.u32 s9, $0x7;
	s7 =	ssub.s32 $0x2, s6;
	s6 =	sshll.u32 s6, $0x6  }
0x9: {  	s30 =	simm.s32 $0x200;
	_ =	strace $0x80000047;
	s6 =	sor.u32 s6, s9  }
0xa: {  	s8 =	sshrl.u32 s7, $0x1;
	s9 =	simm.s32 $0x5;
	s10 =	sadd.s32 s0, s6  }
0xb: {  	s7 =	ssub.s32 s7, s8;
	s11 =	sadd.s32 s3, s6;
	[dreg:$0x6] =	wrdreg s10  }
0xc: {  	s12 =	sor.u32 $0x8, s6;
	s26 =	sadd.s32 s5, s6;
	[dreg:$0x7] =	wrdreg s11  }
0xd: {  	s14 =	sor.u32 $0x10, s6;
	s13 =	sadd.s32 s0, s12;
	[dreg:$0x16] =	wrdreg s26  }
0xe: {  	s16 =	sor.u32 $0x18, s6;
	s8 =	sadd.s32 s3, s12;
	[dreg:$0x8] =	wrdreg s13  }
0xf: {  	s18 =	sor.u32 $0x20, s6;
	s15 =	sadd.s32 s0, s14;
	[dreg:$0x9] =	wrdreg s8  }
0x10: {  	s20 =	sor.u32 $0x28, s6;
	s17 =	sadd.s32 s0, s16;
	[dreg:$0xa] =	wrdreg s15  }
0x11: {  	s22 =	sor.u32 $0x30, s6;
	s19 =	sadd.s32 s0, s18;
	[dreg:$0xc] =	wrdreg s17  }
0x12: {  	s24 =	sor.u32 $0x38, s6;
	s21 =	sadd.s32 s0, s20;
	[dreg:$0xe] =	wrdreg s19  }
0x13: {  	s6 =	simm.s32 $0x40;
	s23 =	sadd.s32 s0, s22;
	[dreg:$0x10] =	wrdreg s21  }
0x14: {  	s0 =	sadd.s32 s0, s24;
	s25 =	sadd.s32 s3, s24;
	[dreg:$0x12] =	wrdreg s23  }
0x15: {  	s10 =	simm.s32 $0x6;
	s24 =	simm.s32 $0x9;
	[dreg:$0x14] =	wrdreg s0  }
0x16: {  	s11 =	simm.s32 $0x0;
	s8 =	sadd.s32 s3, s14;
	[dreg:$0x15] =	wrdreg s25  }
0x17: {  	s0 =	simm.s32 $0x3;
	s23 =	simm.s32 $0x7;
	s15 =	simm.s32 $0x580  }
0x18: {  	s17 =	simm.s32 $0x280;
	[dreg:$0xb] =	wrdreg s8;
	s8 =	sadd.s32 s3, s16  }
0x19: {  	s19 =	simm.s32 $0x300;
	[dreg:$0xd] =	wrdreg s8;
	s8 =	sadd.s32 s3, s18  }
0x1a: {  	s16 =	simm.s32 $0x600;
	[dreg:$0xf] =	wrdreg s8;
	s8 =	sadd.s32 s3, s20  }
0x1b: {  	s18 =	simm.s32 $0x680;
	s20 =	simm.s32 $0x700;
	[dreg:$0x11] =	wrdreg s8  }
0x1c: {  	s8 =	sadd.s32 s3, s22;
	s22 =	smax.u32 s7, $0x1;
	s7 =	simm.s32 $0x1  }
0x1d: {  	vm0 =	vcmask $0x3F3C;
	s3 =	simm.s32 $0x4;
	[dreg:$0x13] =	wrdreg s8;
	s8 =	simm.s32 $0x2  }
.LBB2_1:
0x1e: {  	s5 =	rddreg [dreg:$0x6]  }
0x1f: {  	[tilespmem:s4], [sflag:$0x8] =	stream.linear.gather [hbm4b:s5+s4], $0x40, $0x38;
	[tilespmem:$0x1CA00] =	vst v63  }
0x20: {  	s14 =	rddreg [dreg:$0x7];
	s12 =	simm.s32 $0x400  }
0x21: {  	[tilespmem:s12], [sflag:$0x8] =	stream.linear.gather [hbm4b:s14+s4], $0x40, $0x38;
	[tilespmem:$0x1CA00] =	vst v63  }
0x22: {  	s21 =	rddreg [dreg:$0x8];
	s13 =	simm.s32 $0x80  }
0x23: {  	[tilespmem:s13], [sflag:$0x8] =	stream.linear.gather [hbm4b:s21+s4], $0x40, $0x38;
	[tilespmem:$0x1CA00] =	vst v63  }
0x24: {  	s25 =	rddreg [dreg:$0x9];
	s14 =	simm.s32 $0x480  }
0x25: {  	[tilespmem:s14], [sflag:$0x8] =	stream.linear.gather [hbm4b:s25+s4], $0x40, $0x38;
	[tilespmem:$0x1CA00] =	vst v63  }
0x26: {  	s26 =	rddreg [dreg:$0xa];
	s25 =	simm.s32 $0x100  }
0x27: {  	[tilespmem:s25], [sflag:$0x8] =	stream.linear.gather [hbm4b:s26+s4], $0x40, $0x38;
	[tilespmem:$0x1CA00] =	vst v63  }
0x28: {  	s21 =	rddreg [dreg:$0xb];
	s26 =	simm.s32 $0x500  }
0x29: {  	[tilespmem:s26], [sflag:$0x8] =	stream.linear.gather [hbm4b:s21+s4], $0x40, $0x38;
	[tilespmem:$0x1CA00] =	vst v63  }
0x2a: {  	s21 =	rddreg [dreg:$0xc]  }
0x2b: {  	[tilespmem:s29], [sflag:$0x8] =	stream.linear.gather [hbm4b:s21+s4], $0x40, $0x38;
	[tilespmem:$0x1CA00] =	vst v63  }
0x2c: {  	s21 =	rddreg [dreg:$0xd]  }
0x2d: {  	[tilespmem:s15], [sflag:$0x8] =	stream.linear.gather [hbm4b:s21+s4], $0x40, $0x38;
	[tilespmem:$0x1CA00] =	vst v63  }
0x2e: {  	s21 =	rddreg [dreg:$0xe]  }
0x2f: {  	[tilespmem:s30], [sflag:$0x8] =	stream.linear.gather [hbm4b:s21+s4], $0x40, $0x38;
	[tilespmem:$0x1CA00] =	vst v63  }
0x30: {  	s21 =	rddreg [dreg:$0xf]  }
0x31: {  	[tilespmem:s16], [sflag:$0x8] =	stream.linear.gather [hbm4b:s21+s4], $0x40, $0x38;
	[tilespmem:$0x1CA00] =	vst v63  }
0x32: {  	s21 =	rddreg [dreg:$0x10]  }
0x33: {  	[tilespmem:s17], [sflag:$0x8] =	stream.linear.gather [hbm4b:s21+s4], $0x40, $0x38;
	[tilespmem:$0x1CA00] =	vst v63  }
0x34: {  	s21 =	rddreg [dreg:$0x11]  }
0x35: {  	[tilespmem:s18], [sflag:$0x8] =	stream.linear.gather [hbm4b:s21+s4], $0x40, $0x38;
	[tilespmem:$0x1CA00] =	vst v63  }
0x36: {  	s21 =	rddreg [dreg:$0x12]  }
0x37: {  	[tilespmem:s19], [sflag:$0x8] =	stream.linear.gather [hbm4b:s21+s4], $0x40, $0x38;
	[tilespmem:$0x1CA00] =	vst v63  }
0x38: {  	s21 =	rddreg [dreg:$0x13]  }
0x39: {  	[tilespmem:s20], [sflag:$0x8] =	stream.linear.gather [hbm4b:s21+s4], $0x40, $0x38;
	[tilespmem:$0x1CA00] =	vst v63  }
0x3a: {  	s5 =	rddreg [dreg:$0x14];
	s21 =	simm.s32 $0x380  }
0x3b: {  	[tilespmem:s21], [sflag:$0x8] =	stream.linear.gather [hbm4b:s5+s4], $0x40, $0x38;
	[tilespmem:$0x1CA00] =	vst v63  }
0x3c: {  	s21 =	simm.s32 $0x780;
	s5 =	rddreg [dreg:$0x15]  }
0x3d: {  	[tilespmem:s21], [sflag:$0x8] =	stream.linear.gather [hbm4b:s5+s4], $0x40, $0x38;
	[tilespmem:$0x1CA00] =	vst v63  }
0x3e: {  	_ =	swait.ge [sflag:s28], $0x40  }
0x3f: {  	[sflag:s28] =	ssyncset.done $0x0  }
0x40: {  	[sflag:s28] =	ssyncadd.s32 $0xFFFFFFC0  }
0x41: {  	_ =	swait.ge [sflag:s28], $0x40  }
0x42: {  	[sflag:s28] =	ssyncset.done $0x0  }
0x43: {  	s5 =	simm.s32 $0x800;
	[sflag:s28] =	ssyncadd.s32 $0xFFFFFFC0  }
0x44: {  	[tilespmem:s5], [sflag:$0x1] =	stream.indirect.gather [hbm4b:s1+s6], $0x80, s4, s6, $0xb8;
	[tilespmem:$0x1CA00] =	vst v63  }
0x45: {  	s5 =	simm.s32 $0xE800  }
0x46: {  	[tilespmem:s5], [sflag:$0x1] =	stream.indirect.gather [hbm4b:s2+s6], $0x80, s12, s6, $0xb8;
	[tilespmem:$0x1CA00] =	vst v63  }
0x47: {  	_ =	swait.ge [sflag:s28], $0x40  }
0x48: {  	[sflag:s28] =	ssyncset.done $0x0  }
0x49: {  	[sflag:s28] =	ssyncadd.s32 $0xFFFFFFC0  }
0x4a: {  	_ =	swait.ge [sflag:s28], $0x40  }
0x4b: {  	[sflag:s28] =	ssyncset.done $0x0  }
0x4c: {  	s12 =	simm.s32 $0x2800;
	[sflag:s28] =	ssyncadd.s32 $0xFFFFFFC0  }
0x4d: {  	[tilespmem:s12], [sflag:$0x2] =	stream.indirect.gather [hbm4b:s1+s6], $0x80, s13, s6, $0xb8;
	[tilespmem:$0x1CA00] =	vst v63  }
0x4e: {  	s13 =	simm.s32 $0x10800  }
0x4f: {  	[tilespmem:s13], [sflag:$0x2] =	stream.indirect.gather [hbm4b:s2+s6], $0x80, s14, s6, $0xb8;
	[tilespmem:$0x1CA00] =	vst v63  }
0x50: {  	_ =	swait.ge [sflag:s28], $0x40  }
0x51: {  	[sflag:s28] =	ssyncset.done $0x0  }
0x52: {  	[sflag:s28] =	ssyncadd.s32 $0xFFFFFFC0  }
0x53: {  	_ =	swait.ge [sflag:s28], $0x40  }
0x54: {  	[sflag:s28] =	ssyncset.done $0x0  }
0x55: {  	s12 =	simm.s32 $0x4800;
	[sflag:s28] =	ssyncadd.s32 $0xFFFFFFC0  }
0x56: {  	[tilespmem:s12], [sflag:$0x3] =	stream.indirect.gather [hbm4b:s1+s6], $0x80, s25, s6, $0xb8;
	[tilespmem:$0x1CA00] =	vst v63  }
0x57: {  	s13 =	simm.s32 $0x12800  }
0x58: {  	[tilespmem:s13], [sflag:$0x3] =	stream.indirect.gather [hbm4b:s2+s6], $0x80, s26, s6, $0xb8;
	[tilespmem:$0x1CA00] =	vst v63  }
0x59: {  	_ =	swait.ge [sflag:s28], $0x40  }
0x5a: {  	[sflag:s28] =	ssyncset.done $0x0  }
0x5b: {  	[sflag:s28] =	ssyncadd.s32 $0xFFFFFFC0  }
0x5c: {  	_ =	swait.ge [sflag:s28], $0x40  }
0x5d: {  	[sflag:s28] =	ssyncset.done $0x0  }
0x5e: {  	s14 =	simm.s32 $0x6800;
	[sflag:s28] =	ssyncadd.s32 $0xFFFFFFC0  }
0x5f: {  	[tilespmem:s14], [sflag:$0x4] =	stream.indirect.gather [hbm4b:s1+s6], $0x80, s29, s6, $0xb8;
	[tilespmem:$0x1CA00] =	vst v63  }
0x60: {  	s25 =	simm.s32 $0x14800  }
0x61: {  	[tilespmem:s25], [sflag:$0x4] =	stream.indirect.gather [hbm4b:s2+s6], $0x80, s15, s6, $0xb8;
	[tilespmem:$0x1CA00] =	vst v63  }
0x62: {  	_ =	swait.ge [sflag:s28], $0x40  }
0x63: {  	[sflag:s28] =	ssyncset.done $0x0  }
0x64: {  	[sflag:s28] =	ssyncadd.s32 $0xFFFFFFC0  }
0x65: {  	_ =	swait.ge [sflag:s28], $0x40  }
0x66: {  	[sflag:s28] =	ssyncset.done $0x0  }
0x67: {  	s26 =	simm.s32 $0x8800;
	[sflag:s28] =	ssyncadd.s32 $0xFFFFFFC0  }
0x68: {  	[tilespmem:s26], [sflag:$0x5] =	stream.indirect.gather [hbm4b:s1+s6], $0x80, s30, s6, $0xb8;
	[tilespmem:$0x1CA00] =	vst v63  }
0x69: {  	s12 =	simm.s32 $0x16800  }
0x6a: {  	[tilespmem:s12], [sflag:$0x5] =	stream.indirect.gather [hbm4b:s2+s6], $0x80, s16, s6, $0xb8;
	[tilespmem:$0x1CA00] =	vst v63  }
0x6b: {  	_ =	swait.ge [sflag:s28], $0x40  }
0x6c: {  	[sflag:s28] =	ssyncset.done $0x0  }
0x6d: {  	[sflag:s28] =	ssyncadd.s32 $0xFFFFFFC0  }
0x6e: {  	_ =	swait.ge [sflag:s28], $0x40  }
0x6f: {  	[sflag:s28] =	ssyncset.done $0x0  }
0x70: {  	s13 =	simm.s32 $0xA800;
	[sflag:s28] =	ssyncadd.s32 $0xFFFFFFC0  }
0x71: {  	[tilespmem:s13], [sflag:$0x6] =	stream.indirect.gather [hbm4b:s1+s6], $0x80, s17, s6, $0xb8;
	[tilespmem:$0x1CA00] =	vst v63  }
0x72: {  	s14 =	simm.s32 $0x18800  }
0x73: {  	[tilespmem:s14], [sflag:$0x6] =	stream.indirect.gather [hbm4b:s2+s6], $0x80, s18, s6, $0xb8;
	[tilespmem:$0x1CA00] =	vst v63  }
0x74: {  	_ =	swait.ge [sflag:s28], $0x40  }
0x75: {  	[sflag:s28] =	ssyncset.done $0x0  }
0x76: {  	[sflag:s28] =	ssyncadd.s32 $0xFFFFFFC0  }
0x77: {  	_ =	swait.ge [sflag:s28], $0x40  }
0x78: {  	[sflag:s28] =	ssyncset.done $0x0  }
0x79: {  	s25 =	simm.s32 $0xC800;
	[sflag:s28] =	ssyncadd.s32 $0xFFFFFFC0  }
0x7a: {  	[tilespmem:s25], [sflag:$0x7] =	stream.indirect.gather [hbm4b:s1+s6], $0x80, s19, s6, $0xb8;
	[tilespmem:$0x1CA00] =	vst v63  }
0x7b: {  	s26 =	simm.s32 $0x1A800  }
0x7c: {  	[tilespmem:s26], [sflag:$0x7] =	stream.indirect.gather [hbm4b:s2+s6], $0x80, s20, s6, $0xb8;
	[tilespmem:$0x1CA00] =	vst v63  }
0x7d: {  	_ =	swait.ge [sflag:s7], $0x2000  }
0x7e: {  	[sflag:s7] =	ssyncset.done $0x0  }
0x7f: {  	[sflag:s7] =	ssyncadd.s32 $0xFFFFE000  }
0x80: {  	_ =	swait.ge [sflag:s7], $0x2000  }
0x81: {  	[sflag:s7] =	ssyncset.done $0x0  }
0x82: {  	s12 =	simm.s32 $0x880;
	[sflag:s7] =	ssyncadd.s32 $0xFFFFE000  }
0x83: {  	s13 =	simm.s32 $0xE880;
	v0 =	vld [tilespmem:s12+$0x60]  }
0x84: {  	v1 =	vld [tilespmem:s13+$0x60]  }
0x85: {  	v2 =	vld [tilespmem:s12+$0x40]  }
0x86: {  	v3 =	vld [tilespmem:s13+$0x40]  }
0x87: {  	v4 =	vld [tilespmem:s12+$0x0]  }
0x88: {  	v5 =	vld [tilespmem:s13+$0x0]  }
0x89: {  	v6 =	vld [tilespmem:s12+$0x10]  }
0x8a: {  	v7 =	vld [tilespmem:s13+$0x10]  }
0x8b: {  	v8 =	vld [tilespmem:s12+$0x20]  }
0x8c: {  	v9 =	vld [tilespmem:s13+$0x20]  }
0x8d: {  	v10 =	vld [tilespmem:s12+$0x30]  }
0x8e: {  	v11 =	vld [tilespmem:s13+$0x30]  }
0x8f: {  	v12 =	vld [tilespmem:s12+$0x50]  }
0x90: {  	v13 =	vld [tilespmem:s13+$0x50]  }
0x91: {  	v14 =	vld [tilespmem:s12+$0x70]  }
0x92: {  	v15 =	vld [tilespmem:s13+$0x70]  }
0x93: {  	v16 =	vld [tilespmem:s13+$0xFFFFFF80]  }
0x94: {  	v17 =	vld [tilespmem:s12+$0xFFFFFF90]  }
0x95: {  	v18 =	vld [tilespmem:s13+$0xFFFFFF90]  }
0x96: {  	v19 =	vld [tilespmem:s12+$0xFFFFFFA0]  }
0x97: {  	v20 =	vld [tilespmem:s13+$0xFFFFFFA0]  }
0x98: {  	v59 =	vld [tilespmem:s13+$0xFFFFFFE0];
	v4 =	vmul.f32 v5, v4;
	v5 =	vmul.f32 v7, v6  }
0x99: {  	v60 =	vld [tilespmem:s12+$0xFFFFFFF0];
	v7 =	vmul.f32 v9, v8;
	v8 =	vmul.f32 v11, v10  }
0x9a: {  	v6 =	vld [tilespmem:s12+$0xFFFFFFB0];
	v2 =	vmul.f32 v3, v2  }
0x9b: {  	v9 =	vld [tilespmem:s13+$0xFFFFFFB0];
	v4 =	vadd.f32 v7, v4;
	v5 =	vadd.f32 v8, v5;
	v7 =	vmul.f32 v13, v12  }
0x9c: {  	v3 =	vld [tilespmem:s12+$0xFFFFFF80];
	v0 =	vmul.f32 v1, v0  }
0x9d: {  	v10 =	vld [tilespmem:s13+$0xFFFFFFC0];
	v1 =	vadd.f32 v2, v4;
	v2 =	vadd.f32 v7, v5;
	v4 =	vmul.f32 v15, v14  }
0x9e: {  	v8 =	vld [tilespmem:s12+$0xFFFFFFC0]  }
0x9f: {  	v5 =	vld [tilespmem:s12+$0xFFFFFFD0];
	v0 =	vadd.f32 v0, v1;
	v1 =	vadd.f32 v4, v2  }
0xa0: {  	v7 =	vld [tilespmem:s13+$0xFFFFFFD0]  }
0xa1: {  	v61 =	vld [tilespmem:s13+$0xFFFFFFF0];
	v0 =	vadd.f32 v1, v0  }
0xa2: {  	s26 =	simm.s32 $0xE980;
	v11 =	vld [tilespmem:s12+$0xFFFFFFE0];
	v3 =	vmul.f32 v16, v3;
	v2 =	vmul.f32 v20, v19  }
0xa3: {  	s25 =	simm.s32 $0x980;
	v6 =	vmul.f32 v9, v6;
	v4 =	vmul.f32 v18, v17;
	v1 =	vld [tilespmem:s26+$0x60];
	(xrf2) =	vadd.scan.msk.f32 $0xffff, v0  }
0xa4: {  	v9 =	vadd.f32 v2, v3;
	v2 =	vld [tilespmem:s25+$0x40]  }
0xa5: {  	v8 =	vmul.f32 v10, v8;
	v6 =	vadd.f32 v6, v4;
	v3 =	vld [tilespmem:s26+$0x40];
	v5 =	vmul.f32 v7, v5  }
0xa6: {  	v10 =	vmul.f32 v61, v60;
	v4 =	vld [tilespmem:s25+$0x0]  }
0xa7: {  	v0 =	vld [tilespmem:s25+$0x60];
	v7 =	vadd.f32 v8, v9;
	v9 =	vmul.f32 v59, v11;
	v8 =	vadd.f32 v5, v6  }
0xa8: {  	s14 =	simm.s32 $0x1;
	v5 =	vld [tilespmem:s26+$0x0]  }
0xa9: {  	v11 =	vmov s14;
	v6 =	vld [tilespmem:s25+$0x10];
	v9 =	vadd.f32 v9, v7;
	v10 =	vadd.f32 v10, v8  }
0xaa: {  	v7 =	vld [tilespmem:s25+$0x20]  }
0xab: {  	v8 =	vld [tilespmem:s26+$0x10];
	v62 =	vadd.f32 v10, v9  }
0xac: {  	v9 =	vld [tilespmem:s26+$0x20]  }
0xad: {  	v10 =	vld [tilespmem:s25+$0x30];
	v63, _, _ =	vpop (xrf2);
	(xrf2) =	vadd.scan.msk.f32 $0xffff, v62  }
0xae: {  	s5 =	simm.s32 $0x0;
	s12 =	simm.s32 $0x2;
	s13 =	simm.s32 $0x4;
	[tilespmem:v11+s31+$0x0] =	vst.idx.msk vm0, v63;
	v11 =	vld [tilespmem:s26+$0x30]  }
.LBB2_2:
0xaf: {  	p0 =	slt.u32 s13, $0x3E;
	v12 =	vld [tilespmem:s25+$0x50];
	v13 =	vmov s5;
	s5 =	smov.u32 s12;
	s12 =	smov.u32 s13  }
0xb0: {  	v14 =	vld [tilespmem:s26+$0x50];
	v13 =	vand.u32 $0xFFFFFFFE, v13  }
0xb1: {  	v15 =	vld [tilespmem:s25+$0x70];
	v13 =	vbroadcast v13, $0x0  }
0xb2: {  	v4 =	vmul.f32 v5, v4;
	v5 =	vmul.f32 v8, v6;
	v6 =	vld [tilespmem:s26+$0x70]  }
0xb3: {  	v7 =	vmul.f32 v9, v7;
	v8 =	vld [tilespmem:s26+$0xFFFFFF80];
	v9 =	vmul.f32 v11, v10  }
0xb4: {  	v2 =	vmul.f32 v3, v2;
	v10 =	vld [tilespmem:s25+$0xFFFFFF90]  }
0xb5: {  	v4 =	vadd.f32 v7, v4;
	v3 =	vld [tilespmem:s26+$0xFFFFFF90];
	v5 =	vadd.f32 v9, v5;
	v7 =	vmul.f32 v14, v12  }
0xb6: {  	v0 =	vmul.f32 v1, v0;
	v9 =	vld [tilespmem:s25+$0xFFFFFFA0]  }
0xb7: {  	v2 =	vadd.f32 v2, v4;
	v1 =	vld [tilespmem:s26+$0xFFFFFFA0];
	v4 =	vadd.f32 v7, v5;
	v5 =	vmul.f32 v6, v15;
	v6, _, _ =	vpop (xrf2)  }
0xb8: {  	v7 =	vld [tilespmem:s25+$0xFFFFFFB0];
	[tilespmem:v13+s31+$0x0] =	vst.idx.msk vm0, v6  }
0xb9: {  	v0 =	vadd.f32 v0, v2;
	v6 =	vld [tilespmem:s26+$0xFFFFFFB0];
	v2 =	vadd.f32 v5, v4  }
0xba: {  	v4 =	vld [tilespmem:s25+$0xFFFFFF80];
	v3 =	vmul.f32 v3, v10  }
0xbb: {  	v5 =	vld [tilespmem:s25+$0xFFFFFFC0];
	v0 =	vadd.f32 v2, v0  }
0xbc: {  	v1 =	vmul.f32 v1, v9;
	v2 =	vld [tilespmem:s26+$0xFFFFFFC0]  }
0xbd: {  	v9 =	vld [tilespmem:s25+$0xFFFFFFD0];
	(xrf2) =	vadd.scan.msk.f32 $0xffff, v0  }
0xbe: {  	v0 =	vmul.f32 v6, v7;
	v6 =	vld [tilespmem:s26+$0xFFFFFFD0]  }
0xbf: {  	v4 =	vmul.f32 v8, v4;
	v7 =	vld [tilespmem:s25+$0xFFFFFFE0]  }
0xc0: {  	v3 =	vadd.f32 v0, v3;
	v8 =	vld [tilespmem:s26+$0xFFFFFFE0]  }
0xc1: {  	v1 =	vadd.f32 v1, v4;
	v2 =	vmul.f32 v2, v5;
	v5 =	vld [tilespmem:s25+$0xFFFFFFF0]  }
0xc2: {  	s14 =	sadd.s32 $0x1, s5;
	s25 =	sadd.s32 $0x100, s25;
	v10 =	vld [tilespmem:s26+$0xFFFFFFF0]  }
0xc3: {  	s26 =	sadd.s32 $0x100, s26;
	v0 =	vld [tilespmem:s25+$0x60];
	v11 =	vadd.f32 v2, v1;
	v4 =	vmul.f32 v6, v9;
	v6 =	vmov s14  }
0xc4: {  	v1 =	vld [tilespmem:s26+$0x60]  }
0xc5: {  	v2 =	vld [tilespmem:s25+$0x40];
	v9 =	vadd.f32 v4, v3;
	v7 =	vmul.f32 v8, v7  }
0xc6: {  	v3 =	vld [tilespmem:s26+$0x40]  }
0xc7: {  	v4 =	vld [tilespmem:s25+$0x0];
	v11 =	vadd.f32 v7, v11;
	v7 =	vmul.f32 v10, v5;
	v8, _, _ =	vpop (xrf2)  }
0xc8: {  	v5 =	vld [tilespmem:s26+$0x0];
	[tilespmem:v6+s31+$0x0] =	vst.idx.msk vm0, v8  }
0xc9: {  	v6 =	vld [tilespmem:s25+$0x10];
	v9 =	vadd.f32 v7, v9  }
.Ltmp0:
0xca: {  	v8 =	vld [tilespmem:s26+$0x10];
	(pc) =	sbr.rel @p0 .LBB2_2-.Ltmp0, $4  }
0xcb: {  	v7 =	vld [tilespmem:s25+$0x20];
	v11 =	vadd.f32 v9, v11  }
0xcc: {  	v9 =	vld [tilespmem:s26+$0x20]  }
0xcd: {  	v10 =	vld [tilespmem:s25+$0x30];
	(xrf2) =	vadd.scan.msk.f32 $0xffff, v11  }
0xce: {  	s13 =	sadd.s32 $0x2, s13;
	v11 =	vld [tilespmem:s26+$0x30]  }
0xcf: {  	v12 =	vld [tilespmem:s25+$0x50]  }
0xd0: {  	v13 =	vld [tilespmem:s26+$0x50]  }
0xd1: {  	v14 =	vld [tilespmem:s25+$0x70]  }
0xd2: {  	v15 =	vld [tilespmem:s26+$0x70]  }
0xd3: {  	v16 =	vld [tilespmem:s26+$0xFFFFFF80]  }
0xd4: {  	v17 =	vld [tilespmem:s25+$0xFFFFFF90]  }
0xd5: {  	v18 =	vld [tilespmem:s26+$0xFFFFFF90]  }
0xd6: {  	v19 =	vld [tilespmem:s25+$0xFFFFFFA0]  }
0xd7: {  	v20 =	vld [tilespmem:s26+$0xFFFFFFA0]  }
0xd8: {  	v21 =	vld [tilespmem:s25+$0xFFFFFFB0]  }
0xd9: {  	v22 =	vld [tilespmem:s26+$0xFFFFFFB0]  }
0xda: {  	v23 =	vld [tilespmem:s25+$0xFFFFFF80]  }
0xdb: {  	v24 =	vld [tilespmem:s25+$0xFFFFFFC0]  }
0xdc: {  	v25 =	vld [tilespmem:s26+$0xFFFFFFC0]  }
0xdd: {  	v26 =	vld [tilespmem:s25+$0xFFFFFFD0]  }
0xde: {  	v27 =	vld [tilespmem:s26+$0xFFFFFFD0]  }
0xdf: {  	v4 =	vmul.f32 v5, v4;
	v5 =	vmul.f32 v8, v6;
	v6 =	vld [tilespmem:s25+$0xFFFFFFE0]  }
0xe0: {  	v2 =	vmul.f32 v3, v2;
	v53 =	vld [tilespmem:s26+$0xFFFFFFF0];
	v7 =	vmul.f32 v9, v7  }
0xe1: {  	v0 =	vmul.f32 v1, v0;
	v9 =	vld [tilespmem:s26+$0xFFFFFFE0];
	v8 =	vmul.f32 v11, v10  }
0xe2: {  	v10 =	vld [tilespmem:s25+$0xFFFFFFF0];
	v4 =	vadd.f32 v7, v4;
	v7 =	vmul.f32 v20, v19;
	v11 =	vmul.f32 v16, v23  }
0xe3: {  	v54 =	vmul.f32 v22, v21;
	v5 =	vadd.f32 v8, v5;
	v8 =	vmul.f32 v18, v17  }
0xe4: {  	v3 =	vmul.f32 v13, v12;
	v2 =	vadd.f32 v2, v4;
	v1 =	vadd.f32 v7, v11  }
0xe5: {  	v7 =	vmul.f32 v25, v24;
	v4 =	vadd.f32 v54, v8;
	v8 =	vmul.f32 v27, v26  }
0xe6: {  	v6 =	vmul.f32 v9, v6;
	v3 =	vadd.f32 v3, v5;
	v5 =	vmul.f32 v15, v14  }
0xe7: {  	v1 =	vadd.f32 v7, v1;
	v7 =	vmul.f32 v53, v10;
	v4 =	vadd.f32 v8, v4  }
0xe8: {  	v0 =	vadd.f32 v0, v2;
	v2 =	vadd.f32 v5, v3  }
0xe9: {  	v1 =	vadd.f32 v6, v1;
	v3 =	vadd.f32 v7, v4  }
0xea: {  	v0 =	vadd.f32 v2, v0  }
0xeb: {  	v1 =	vadd.f32 v3, v1  }
0xec: {  	(xrf2) =	vadd.scan.msk.f32 $0xffff, v0  }
0xed: {  	(xrf2) =	vadd.scan.msk.f32 $0xffff, v1  }
0xee: {  	v0 =	vmov s5  }
0xef: {  	v0 =	vand.u32 $0xFFFFFFFE, v0  }
0xf0: {  	v0 =	vbroadcast v0, $0x0;
	v1 =	vmov s12  }
0xf1: {  	s13 =	sadd.s32 $0x1, s12;
	v1 =	vand.u32 $0xFFFFFFFE, v1  }
0xf2: {  	v2 =	vmov s13;
	v1 =	vbroadcast v1, $0x0;
	_ =	sdelay $0x2  }
0xf3: {  	v3, _, _ =	vpop (xrf2)  }
0xf4: {  	[tilespmem:v0+s31+$0x0] =	vst.idx.msk vm0, v3;
	v4, _, _ =	vpop (xrf2)  }
0xf5: {  	[tilespmem:v2+s31+$0x0] =	vst.idx.msk vm0, v4;
	v0, _, _ =	vpop (xrf2)  }
0xf6: {  	[tilespmem:v1+s31+$0x0] =	vst.idx.msk vm0, v0  }
0xf7: {  	_ =	swait.ge [sflag:s28], $0x40  }
0xf8: {  	[sflag:s28] =	ssyncset.done $0x0  }
0xf9: {  	[sflag:s28] =	ssyncadd.s32 $0xFFFFFFC0  }
0xfa: {  	_ =	swait.ge [sflag:s28], $0x40  }
0xfb: {  	[sflag:s28] =	ssyncset.done $0x0  }
0xfc: {  	s14 =	simm.s32 $0x380;
	s25 =	simm.s32 $0x800;
	[sflag:s28] =	ssyncadd.s32 $0xFFFFFFC0  }
0xfd: {  	[tilespmem:s25], [sflag:$0x1] =	stream.indirect.gather [hbm4b:s1+s6], $0x80, s14, s6, $0xb8;
	[tilespmem:$0x1CA00] =	vst v63  }
0xfe: {  	s26 =	simm.s32 $0xE800  }
0xff: {  	[tilespmem:s26], [sflag:$0x1] =	stream.indirect.gather [hbm4b:s2+s6], $0x80, s21, s6, $0xb8;
	[tilespmem:$0x1CA00] =	vst v63  }
0x100: {  	_ =	swait.ge [sflag:s8], $0x2000  }
0x101: {  	[sflag:s8] =	ssyncset.done $0x0  }
0x102: {  	[sflag:s8] =	ssyncadd.s32 $0xFFFFE000  }
0x103: {  	_ =	swait.ge [sflag:s8], $0x2000  }
0x104: {  	[sflag:s8] =	ssyncset.done $0x0  }
0x105: {  	s13 =	simm.s32 $0x28F0;
	[sflag:s8] =	ssyncadd.s32 $0xFFFFE000  }
0x106: {  	s12 =	simm.s32 $0x108F0;
	v0 =	vld [tilespmem:s13+$0xFFFFFFF0]  }
0x107: {  	v1 =	vld [tilespmem:s12+$0xFFFFFFF0]  }
0x108: {  	v2 =	vld [tilespmem:s13+$0xFFFFFFD0]  }
0x109: {  	v3 =	vld [tilespmem:s12+$0xFFFFFFD0]  }
0x10a: {  	v4 =	vld [tilespmem:s13+$0xFFFFFF90]  }
0x10b: {  	v5 =	vld [tilespmem:s12+$0xFFFFFF90]  }
0x10c: {  	v6 =	vld [tilespmem:s13+$0xFFFFFFA0]  }
0x10d: {  	v7 =	vld [tilespmem:s12+$0xFFFFFFA0]  }
0x10e: {  	v8 =	vld [tilespmem:s13+$0xFFFFFFB0]  }
0x10f: {  	v9 =	vld [tilespmem:s12+$0xFFFFFFB0]  }
0x110: {  	v10 =	vld [tilespmem:s13+$0xFFFFFFC0]  }
0x111: {  	v11 =	vld [tilespmem:s12+$0xFFFFFFC0]  }
0x112: {  	v55 =	vld [tilespmem:s13+$0xFFFFFFE0]  }
0x113: {  	v56 =	vld [tilespmem:s12+$0xFFFFFFE0]  }
0x114: {  	v57 =	vld [tilespmem:s13+$0x0]  }
0x115: {  	v58 =	vld [tilespmem:s12+$0x0];
	v4 =	vmul.f32 v5, v4;
	v5 =	vmul.f32 v7, v6  }
0x116: {  	v59 =	vld [tilespmem:s13+$0xFFFFFF10];
	v7 =	vmul.f32 v9, v8;
	v8 =	vmul.f32 v11, v10  }
0x117: {  	v60 =	vld [tilespmem:s12+$0xFFFFFF10];
	v2 =	vmul.f32 v3, v2  }
0x118: {  	v61 =	vld [tilespmem:s13+$0xFFFFFF20];
	v4 =	vadd.f32 v7, v4;
	v5 =	vadd.f32 v8, v5;
	v7 =	vmul.f32 v56, v55  }
0x119: {  	v62 =	vld [tilespmem:s12+$0xFFFFFF20];
	v1 =	vmul.f32 v1, v0  }
0x11a: {  	v6 =	vld [tilespmem:s13+$0xFFFFFF30];
	v2 =	vadd.f32 v2, v4;
	v4 =	vadd.f32 v7, v5;
	v5 =	vmul.f32 v58, v57  }
0x11b: {  	v9 =	vld [tilespmem:s12+$0xFFFFFF30]  }
0x11c: {  	v3 =	vld [tilespmem:s13+$0xFFFFFF40];
	v7 =	vadd.f32 v1, v2;
	v4 =	vadd.f32 v5, v4  }
0x11d: {  	v8 =	vld [tilespmem:s12+$0xFFFFFF40]  }
0x11e: {  	v10 =	vld [tilespmem:s13+$0xFFFFFF50];
	v7 =	vadd.f32 v4, v7  }
0x11f: {  	v11 =	vld [tilespmem:s12+$0xFFFFFF50]  }
0x120: {  	v0 =	vld [tilespmem:s13+$0xFFFFFF60];
	(xrf2) =	vadd.scan.msk.f32 $0xffff, v7  }
0x121: {  	v63 =	vmul.f32 v62, v61;
	v6 =	vmul.f32 v9, v6;
	v2 =	vld [tilespmem:s12+$0xFFFFFF60]  }
0x122: {  	v5 =	vmul.f32 v60, v59;
	v1 =	vld [tilespmem:s13+$0xFFFFFF70];
	v8 =	vmul.f32 v8, v3  }
0x123: {  	v4 =	vld [tilespmem:s12+$0xFFFFFF70]  }
0x124: {  	s5 =	simm.s32 $0xFFFFFFFE;
	v3 =	vld [tilespmem:s13+$0xFFFFFF80];
	v7 =	vadd.f32 v6, v5;
	v6 =	vadd.f32 v8, v63;
	v8 =	vmul.f32 v11, v10  }
0x125: {  	s25 =	simm.s32 $0x0;
	s26 =	simm.s32 $0x41;
	s13 =	simm.s32 $0x29F0;
	v5 =	vld [tilespmem:s12+$0xFFFFFF80]  }
.LBB2_4:
0x126: {  	v9 =	vld [tilespmem:s13+$0xFFFFFFF0];
	v7 =	vadd.f32 v8, v7;
	v0 =	vmul.f32 v2, v0;
	v2 =	vmov s26;
	s12 =	sadd.s32 $0x100, s12  }
0x127: {  	v8 =	vld [tilespmem:s12+$0xFFFFFFF0]  }
0x128: {  	v10 =	vld [tilespmem:s13+$0xFFFFFFD0];
	v0 =	vadd.f32 v0, v6;
	v1 =	vmul.f32 v4, v1  }
0x129: {  	v4 =	vld [tilespmem:s12+$0xFFFFFFD0]  }
0x12a: {  	v6 =	vld [tilespmem:s13+$0xFFFFFF90];
	v1 =	vadd.f32 v1, v7;
	v3 =	vmul.f32 v5, v3;
	v5, _, _ =	vpop (xrf2)  }
0x12b: {  	v7 =	vld [tilespmem:s12+$0xFFFFFF90];
	[tilespmem:v2+s31+$0x0] =	vst.idx.msk vm0, v5  }
0x12c: {  	v2 =	vld [tilespmem:s13+$0xFFFFFFA0];
	v0 =	vadd.f32 v3, v0  }
0x12d: {  	v3 =	vld [tilespmem:s12+$0xFFFFFFA0]  }
0x12e: {  	v5 =	vld [tilespmem:s13+$0xFFFFFFB0];
	v0 =	vadd.f32 v0, v1  }
0x12f: {  	v1 =	vld [tilespmem:s12+$0xFFFFFFB0]  }
0x130: {  	v11 =	vld [tilespmem:s13+$0xFFFFFFC0];
	(xrf2) =	vadd.scan.msk.f32 $0xffff, v0  }
0x131: {  	s14 =	sadd.s32 $0x42, s5;
	s5 =	smov.u32 s25;
	s25 =	sadd.s32 $0x2, s25;
	v0 =	vld [tilespmem:s12+$0xFFFFFFC0]  }
0x132: {  	p0 =	slt.u32 s25, $0x3E;
	v13 =	vmov s14;
	v12 =	vld [tilespmem:s13+$0xFFFFFFE0]  }
0x133: {  	v13 =	vand.u32 $0xFFFFFFFE, v13;
	v14 =	vld [tilespmem:s12+$0xFFFFFFE0]  }
0x134: {  	v13 =	vbroadcast v13, $0x0;
	v15 =	vld [tilespmem:s13+$0x0]  }
0x135: {  	v6 =	vmul.f32 v7, v6;
	v2 =	vmul.f32 v3, v2;
	v3 =	vld [tilespmem:s12+$0x0]  }
0x136: {  	v1 =	vmul.f32 v1, v5;
	v7 =	vld [tilespmem:s13+$0xFFFFFF10];
	v0 =	vmul.f32 v0, v11  }
0x137: {  	v4 =	vmul.f32 v4, v10;
	v5 =	vld [tilespmem:s12+$0xFFFFFF10]  }
0x138: {  	v1 =	vadd.f32 v1, v6;
	v10 =	vld [tilespmem:s13+$0xFFFFFF20];
	v0 =	vadd.f32 v0, v2;
	v2 =	vmul.f32 v14, v12  }
0x139: {  	v8 =	vmul.f32 v8, v9;
	v6 =	vld [tilespmem:s12+$0xFFFFFF20]  }
0x13a: {  	v1 =	vadd.f32 v4, v1;
	v9 =	vld [tilespmem:s13+$0xFFFFFF30];
	v0 =	vadd.f32 v2, v0;
	v2 =	vmul.f32 v3, v15;
	v3, _, _ =	vpop (xrf2)  }
0x13b: {  	v4 =	vld [tilespmem:s12+$0xFFFFFF30];
	[tilespmem:v13+s31+$0x0] =	vst.idx.msk vm0, v3  }
0x13c: {  	v1 =	vadd.f32 v8, v1;
	v3 =	vmul.f32 v5, v7;
	v5 =	vld [tilespmem:s13+$0xFFFFFF40];
	v0 =	vadd.f32 v2, v0  }
0x13d: {  	v8 =	vld [tilespmem:s12+$0xFFFFFF40]  }
0x13e: {  	v6 =	vmul.f32 v6, v10;
	v10 =	vld [tilespmem:s13+$0xFFFFFF50];
	v1 =	vadd.f32 v0, v1  }
0x13f: {  	v11 =	vld [tilespmem:s12+$0xFFFFFF50]  }
0x140: {  	v4 =	vmul.f32 v4, v9;
	v0 =	vld [tilespmem:s13+$0xFFFFFF60];
	(xrf2) =	vadd.scan.msk.f32 $0xffff, v1  }
.Ltmp1:
0x141: {  	v2 =	vld [tilespmem:s12+$0xFFFFFF60];
	(pc) =	sbr.rel @p0 .LBB2_4-.Ltmp1, $4  }
0x142: {  	v7 =	vadd.f32 v4, v3;
	v3 =	vmul.f32 v8, v5;
	v1 =	vld [tilespmem:s13+$0xFFFFFF70]  }
0x143: {  	v4 =	vld [tilespmem:s12+$0xFFFFFF70]  }
0x144: {  	v6 =	vadd.f32 v3, v6;
	v8 =	vmul.f32 v11, v10;
	v3 =	vld [tilespmem:s13+$0xFFFFFF80]  }
0x145: {  	s26 =	sadd.s32 $0x43, s5;
	s13 =	sadd.s32 $0x100, s13;
	v5 =	vld [tilespmem:s12+$0xFFFFFF80]  }
0x146: {  	_ =	sdelay $0x1  }
0x147: {  	v0 =	vmul.f32 v2, v0  }
0x148: {  	v2 =	vadd.f32 v8, v7  }
0x149: {  	v0 =	vadd.f32 v0, v6;
	v1 =	vmul.f32 v4, v1;
	v3 =	vmul.f32 v5, v3;
	_ =	sdelay $0x1  }
0x14a: {  	v1 =	vadd.f32 v1, v2;
	v0 =	vadd.f32 v3, v0;
	_ =	sdelay $0x1  }
0x14b: {  	v0 =	vadd.f32 v0, v1;
	_ =	sdelay $0x1  }
0x14c: {  	(xrf2) =	vadd.scan.msk.f32 $0xffff, v0;
	_ =	sdelay $0x1  }
0x14d: {  	s5 =	sadd.s32 $0x42, s5  }
0x14e: {  	v0 =	vmov s5  }
0x14f: {  	v0 =	vand.u32 $0xFFFFFFFE, v0  }
0x150: {  	v1 =	vmov s26;
	v0 =	vbroadcast v0, $0x0;
	_ =	sdelay $0x3  }
0x151: {  	v2, _, _ =	vpop (xrf2)  }
0x152: {  	[tilespmem:v1+s31+$0x0] =	vst.idx.msk vm0, v2;
	v1, _, _ =	vpop (xrf2)  }
0x153: {  	[tilespmem:v0+s31+$0x0] =	vst.idx.msk vm0, v1  }
0x154: {  	_ =	swait.ge [sflag:s0], $0x2000  }
0x155: {  	[sflag:s0] =	ssyncset.done $0x0  }
0x156: {  	[sflag:s0] =	ssyncadd.s32 $0xFFFFE000  }
0x157: {  	_ =	swait.ge [sflag:s0], $0x2000  }
0x158: {  	[sflag:s0] =	ssyncset.done $0x0  }
0x159: {  	s12 =	simm.s32 $0x0;
	[sflag:s0] =	ssyncadd.s32 $0xFFFFE000  }
0x15a: {  	v0 =	vld [tilespmem:s12+$0x48E0]  }
0x15b: {  	v1 =	vld [tilespmem:s12+$0x128E0]  }
0x15c: {  	v2 =	vld [tilespmem:s12+$0x48C0]  }
0x15d: {  	v3 =	vld [tilespmem:s12+$0x128C0]  }
0x15e: {  	v4 =	vld [tilespmem:s12+$0x4880]  }
0x15f: {  	v5 =	vld [tilespmem:s12+$0x12880]  }
0x160: {  	v6 =	vld [tilespmem:s12+$0x4890]  }
0x161: {  	v7 =	vld [tilespmem:s12+$0x12890]  }
0x162: {  	v8 =	vld [tilespmem:s12+$0x48A0]  }
0x163: {  	v9 =	vld [tilespmem:s12+$0x128A0]  }
0x164: {  	v10 =	vld [tilespmem:s12+$0x48B0]  }
0x165: {  	v11 =	vld [tilespmem:s12+$0x128B0]  }
0x166: {  	v12 =	vld [tilespmem:s12+$0x48D0]  }
0x167: {  	v13 =	vld [tilespmem:s12+$0x128D0]  }
0x168: {  	v14 =	vld [tilespmem:s12+$0x48F0]  }
0x169: {  	v15 =	vld [tilespmem:s12+$0x128F0];
	v4 =	vmul.f32 v5, v4;
	v5 =	vmul.f32 v7, v6  }
0x16a: {  	v16 =	vld [tilespmem:s12+$0x4800];
	v7 =	vmul.f32 v9, v8;
	v8 =	vmul.f32 v11, v10  }
0x16b: {  	v17 =	vld [tilespmem:s12+$0x12800];
	v2 =	vmul.f32 v3, v2  }
0x16c: {  	v18 =	vld [tilespmem:s12+$0x4810];
	v4 =	vadd.f32 v7, v4;
	v5 =	vadd.f32 v8, v5;
	v7 =	vmul.f32 v13, v12  }
0x16d: {  	v60 =	vld [tilespmem:s12+$0x4820];
	v0 =	vmul.f32 v1, v0  }
0x16e: {  	v6 =	vld [tilespmem:s12+$0x12810];
	v2 =	vadd.f32 v2, v4;
	v4 =	vadd.f32 v7, v5;
	v5 =	vmul.f32 v15, v14  }
0x16f: {  	v3 =	vld [tilespmem:s12+$0x12820]  }
0x170: {  	v1 =	vld [tilespmem:s12+$0x12830];
	v62 =	vadd.f32 v0, v2;
	v4 =	vadd.f32 v5, v4  }
0x171: {  	v8 =	vld [tilespmem:s12+$0x4830]  }
0x172: {  	v61 =	vld [tilespmem:s12+$0x12840];
	v4 =	vadd.f32 v4, v62  }
0x173: {  	v7 =	vld [tilespmem:s12+$0x4840]  }
0x174: {  	v0 =	vld [tilespmem:s12+$0x4850];
	(xrf2) =	vadd.scan.msk.f32 $0xffff, v4  }
0x175: {  	v63 =	vmul.f32 v6, v18;
	v6 =	vmul.f32 v3, v60;
	v2 =	vld [tilespmem:s12+$0x12850]  }
0x176: {  	v3 =	vld [tilespmem:s12+$0x12860];
	v5 =	vmul.f32 v17, v16;
	v8 =	vmul.f32 v1, v8  }
0x177: {  	v1 =	vld [tilespmem:s12+$0x4860]  }
0x178: {  	s25 =	simm.s32 $0x0;
	s13 =	simm.s32 $0x400;
	s5 =	simm.s32 $0xFFFFFFFE;
	v6 =	vadd.f32 v6, v5;
	v5 =	vadd.f32 v8, v63;
	v7 =	vmul.f32 v61, v7;
	v4 =	vld [tilespmem:s12+$0x4870]  }
.LBB2_6:
0x179: {  	v8 =	vld [tilespmem:s12+$0x12870];
	s12 =	sshra.s32 s13, $0x2;
	s14 =	sadd.s32 $0x83, s5;
	s26 =	smov.u32 s25  }
0x17a: {  	v9 =	vld [tilespmem:s12+$0x48E0];
	v6 =	vadd.f32 v7, v6;
	v0 =	vmul.f32 v2, v0;
	v2 =	vmov s14  }
0x17b: {  	v7 =	vld [tilespmem:s12+$0x128E0]  }
0x17c: {  	v10 =	vld [tilespmem:s12+$0x48C0];
	v0 =	vadd.f32 v0, v5;
	v1 =	vmul.f32 v3, v1  }
0x17d: {  	v3 =	vld [tilespmem:s12+$0x128C0]  }
0x17e: {  	v5 =	vld [tilespmem:s12+$0x4880];
	v1 =	vadd.f32 v1, v6;
	v4 =	vmul.f32 v8, v4;
	v6, _, _ =	vpop (xrf2)  }
0x17f: {  	v8 =	vld [tilespmem:s12+$0x12880];
	[tilespmem:v2+s31+$0x0] =	vst.idx.msk vm0, v6  }
0x180: {  	v2 =	vld [tilespmem:s12+$0x4890];
	v0 =	vadd.f32 v4, v0  }
0x181: {  	v4 =	vld [tilespmem:s12+$0x12890]  }
0x182: {  	v6 =	vld [tilespmem:s12+$0x48A0];
	v0 =	vadd.f32 v0, v1  }
0x183: {  	v1 =	vld [tilespmem:s12+$0x128A0]  }
0x184: {  	s25 =	sadd.s32 $0x2, s25;
	v11 =	vld [tilespmem:s12+$0x48B0];
	(xrf2) =	vadd.scan.msk.f32 $0xffff, v0  }
0x185: {  	p0 =	slt.u32 s25, $0x3E;
	s14 =	sadd.s32 $0x82, s5;
	s5 =	smov.u32 s26;
	v0 =	vld [tilespmem:s12+$0x128B0]  }
0x186: {  	v13 =	vmov s14;
	v12 =	vld [tilespmem:s12+$0x48D0]  }
0x187: {  	v13 =	vand.u32 $0xFFFFFFFE, v13;
	v14 =	vld [tilespmem:s12+$0x128D0]  }
0x188: {  	v13 =	vbroadcast v13, $0x0;
	v15 =	vld [tilespmem:s12+$0x48F0]  }
0x189: {  	v5 =	vmul.f32 v8, v5;
	v2 =	vmul.f32 v4, v2;
	v4 =	vld [tilespmem:s12+$0x128F0]  }
0x18a: {  	v1 =	vmul.f32 v1, v6;
	v8 =	vld [tilespmem:s12+$0x4800];
	v0 =	vmul.f32 v0, v11  }
0x18b: {  	v11 =	vmul.f32 v3, v10;
	v6 =	vld [tilespmem:s12+$0x12800]  }
0x18c: {  	v1 =	vadd.f32 v1, v5;
	v10 =	vld [tilespmem:s12+$0x4810];
	v0 =	vadd.f32 v0, v2;
	v2 =	vmul.f32 v14, v12  }
0x18d: {  	v7 =	vmul.f32 v7, v9;
	v5 =	vld [tilespmem:s12+$0x12810]  }
0x18e: {  	v1 =	vadd.f32 v11, v1;
	v9 =	vld [tilespmem:s12+$0x4820];
	v0 =	vadd.f32 v2, v0;
	v2 =	vmul.f32 v4, v15;
	v3, _, _ =	vpop (xrf2)  }
0x18f: {  	v4 =	vld [tilespmem:s12+$0x12820];
	[tilespmem:v13+s31+$0x0] =	vst.idx.msk vm0, v3  }
0x190: {  	v1 =	vadd.f32 v7, v1;
	v3 =	vmul.f32 v6, v8;
	v8 =	vld [tilespmem:s12+$0x4830];
	v0 =	vadd.f32 v2, v0  }
0x191: {  	v7 =	vld [tilespmem:s12+$0x12830]  }
0x192: {  	v5 =	vmul.f32 v5, v10;
	v10 =	vld [tilespmem:s12+$0x4840];
	v1 =	vadd.f32 v0, v1  }
0x193: {  	v11 =	vld [tilespmem:s12+$0x12840]  }
.Ltmp2:
0x194: {  	v4 =	vmul.f32 v4, v9;
	v0 =	vld [tilespmem:s12+$0x4850];
	(xrf2) =	vadd.scan.msk.f32 $0xffff, v1;
	(pc) =	sbr.rel @p0 .LBB2_6-.Ltmp2, $4  }
0x195: {  	v2 =	vld [tilespmem:s12+$0x12850]  }
0x196: {  	v6 =	vadd.f32 v4, v3;
	v4 =	vmul.f32 v7, v8;
	v1 =	vld [tilespmem:s12+$0x4860]  }
0x197: {  	v3 =	vld [tilespmem:s12+$0x12860]  }
0x198: {  	s13 =	sadd.s32 $0x400, s13;
	v5 =	vadd.f32 v4, v5;
	v7 =	vmul.f32 v11, v10;
	v4 =	vld [tilespmem:s12+$0x4870]  }
0x199: {  	v8 =	vld [tilespmem:s12+$0x12870];
	_ =	sdelay $0x2  }
0x19a: {  	v0 =	vmul.f32 v2, v0  }
0x19b: {  	v2 =	vadd.f32 v7, v6  }
0x19c: {  	v0 =	vadd.f32 v0, v5;
	v1 =	vmul.f32 v3, v1;
	v3 =	vmul.f32 v8, v4;
	_ =	sdelay $0x1  }
0x19d: {  	v1 =	vadd.f32 v1, v2;
	v0 =	vadd.f32 v3, v0;
	_ =	sdelay $0x1  }
0x19e: {  	v0 =	vadd.f32 v0, v1;
	_ =	sdelay $0x1  }
0x19f: {  	(xrf2) =	vadd.scan.msk.f32 $0xffff, v0;
	_ =	sdelay $0x1  }
0x1a0: {  	s25 =	sadd.s32 $0x82, s5  }
0x1a1: {  	v0 =	vmov s25  }
0x1a2: {  	s26 =	sadd.s32 $0x83, s5;
	v0 =	vand.u32 $0xFFFFFFFE, v0  }
0x1a3: {  	v1 =	vmov s26;
	v0 =	vbroadcast v0, $0x0;
	_ =	sdelay $0x3  }
0x1a4: {  	v2, _, _ =	vpop (xrf2)  }
0x1a5: {  	[tilespmem:v1+s31+$0x0] =	vst.idx.msk vm0, v2;
	v1, _, _ =	vpop (xrf2)  }
0x1a6: {  	[tilespmem:v0+s31+$0x0] =	vst.idx.msk vm0, v1  }
0x1a7: {  	_ =	swait.ge [sflag:s3], $0x2000  }
0x1a8: {  	[sflag:s3] =	ssyncset.done $0x0  }
0x1a9: {  	[sflag:s3] =	ssyncadd.s32 $0xFFFFE000  }
0x1aa: {  	_ =	swait.ge [sflag:s3], $0x2000  }
0x1ab: {  	[sflag:s3] =	ssyncset.done $0x0  }
0x1ac: {  	s12 =	simm.s32 $0x0;
	[sflag:s3] =	ssyncadd.s32 $0xFFFFE000  }
0x1ad: {  	v0 =	vld [tilespmem:s12+$0x68E0]  }
0x1ae: {  	v1 =	vld [tilespmem:s12+$0x148E0]  }
0x1af: {  	v2 =	vld [tilespmem:s12+$0x68C0]  }
0x1b0: {  	v3 =	vld [tilespmem:s12+$0x148C0]  }
0x1b1: {  	v4 =	vld [tilespmem:s12+$0x6880]  }
0x1b2: {  	v5 =	vld [tilespmem:s12+$0x14880]  }
0x1b3: {  	v6 =	vld [tilespmem:s12+$0x6890]  }
0x1b4: {  	v7 =	vld [tilespmem:s12+$0x14890]  }
0x1b5: {  	v8 =	vld [tilespmem:s12+$0x68A0]  }
0x1b6: {  	v9 =	vld [tilespmem:s12+$0x148A0]  }
0x1b7: {  	v10 =	vld [tilespmem:s12+$0x68B0]  }
0x1b8: {  	v11 =	vld [tilespmem:s12+$0x148B0]  }
0x1b9: {  	v12 =	vld [tilespmem:s12+$0x68D0]  }
0x1ba: {  	v13 =	vld [tilespmem:s12+$0x148D0]  }
0x1bb: {  	v14 =	vld [tilespmem:s12+$0x68F0]  }
0x1bc: {  	v15 =	vld [tilespmem:s12+$0x148F0];
	v4 =	vmul.f32 v5, v4;
	v5 =	vmul.f32 v7, v6  }
0x1bd: {  	v16 =	vld [tilespmem:s12+$0x6800];
	v7 =	vmul.f32 v9, v8;
	v8 =	vmul.f32 v11, v10  }
0x1be: {  	v17 =	vld [tilespmem:s12+$0x14800];
	v2 =	vmul.f32 v3, v2  }
0x1bf: {  	v18 =	vld [tilespmem:s12+$0x6810];
	v4 =	vadd.f32 v7, v4;
	v5 =	vadd.f32 v8, v5;
	v7 =	vmul.f32 v13, v12  }
0x1c0: {  	v60 =	vld [tilespmem:s12+$0x6820];
	v0 =	vmul.f32 v1, v0  }
0x1c1: {  	v6 =	vld [tilespmem:s12+$0x14810];
	v2 =	vadd.f32 v2, v4;
	v4 =	vadd.f32 v7, v5;
	v5 =	vmul.f32 v15, v14  }
0x1c2: {  	v3 =	vld [tilespmem:s12+$0x14820]  }
0x1c3: {  	v1 =	vld [tilespmem:s12+$0x14830];
	v62 =	vadd.f32 v0, v2;
	v4 =	vadd.f32 v5, v4  }
0x1c4: {  	v8 =	vld [tilespmem:s12+$0x6830]  }
0x1c5: {  	v61 =	vld [tilespmem:s12+$0x14840];
	v4 =	vadd.f32 v4, v62  }
0x1c6: {  	v7 =	vld [tilespmem:s12+$0x6840]  }
0x1c7: {  	v0 =	vld [tilespmem:s12+$0x6850];
	(xrf2) =	vadd.scan.msk.f32 $0xffff, v4  }
0x1c8: {  	v63 =	vmul.f32 v6, v18;
	v6 =	vmul.f32 v3, v60;
	v2 =	vld [tilespmem:s12+$0x14850]  }
0x1c9: {  	v3 =	vld [tilespmem:s12+$0x14860];
	v5 =	vmul.f32 v17, v16;
	v8 =	vmul.f32 v1, v8  }
0x1ca: {  	v1 =	vld [tilespmem:s12+$0x6860]  }
0x1cb: {  	s5 =	simm.s32 $0xFFFFFFFE;
	s13 =	simm.s32 $0x400;
	s25 =	simm.s32 $0x0;
	v6 =	vadd.f32 v6, v5;
	v5 =	vadd.f32 v8, v63;
	v7 =	vmul.f32 v61, v7;
	v4 =	vld [tilespmem:s12+$0x6870]  }
.LBB2_8:
0x1cc: {  	v8 =	vld [tilespmem:s12+$0x14870];
	s12 =	sshra.s32 s13, $0x2;
	s14 =	sadd.s32 $0xC3, s5;
	s26 =	smov.u32 s25  }
0x1cd: {  	v9 =	vld [tilespmem:s12+$0x68E0];
	v6 =	vadd.f32 v7, v6;
	v0 =	vmul.f32 v2, v0;
	v2 =	vmov s14  }
0x1ce: {  	v7 =	vld [tilespmem:s12+$0x148E0]  }
0x1cf: {  	v10 =	vld [tilespmem:s12+$0x68C0];
	v0 =	vadd.f32 v0, v5;
	v1 =	vmul.f32 v3, v1  }
0x1d0: {  	v3 =	vld [tilespmem:s12+$0x148C0]  }
0x1d1: {  	v5 =	vld [tilespmem:s12+$0x6880];
	v1 =	vadd.f32 v1, v6;
	v4 =	vmul.f32 v8, v4;
	v6, _, _ =	vpop (xrf2)  }
0x1d2: {  	v8 =	vld [tilespmem:s12+$0x14880];
	[tilespmem:v2+s31+$0x0] =	vst.idx.msk vm0, v6  }
0x1d3: {  	v2 =	vld [tilespmem:s12+$0x6890];
	v0 =	vadd.f32 v4, v0  }
0x1d4: {  	v4 =	vld [tilespmem:s12+$0x14890]  }
0x1d5: {  	v6 =	vld [tilespmem:s12+$0x68A0];
	v0 =	vadd.f32 v0, v1  }
0x1d6: {  	v1 =	vld [tilespmem:s12+$0x148A0]  }
0x1d7: {  	s25 =	sadd.s32 $0x2, s25;
	v11 =	vld [tilespmem:s12+$0x68B0];
	(xrf2) =	vadd.scan.msk.f32 $0xffff, v0  }
0x1d8: {  	p0 =	slt.u32 s25, $0x3E;
	s14 =	sadd.s32 $0xC2, s5;
	s5 =	smov.u32 s26;
	v0 =	vld [tilespmem:s12+$0x148B0]  }
0x1d9: {  	v13 =	vmov s14;
	v12 =	vld [tilespmem:s12+$0x68D0]  }
0x1da: {  	v13 =	vand.u32 $0xFFFFFFFE, v13;
	v14 =	vld [tilespmem:s12+$0x148D0]  }
0x1db: {  	v13 =	vbroadcast v13, $0x0;
	v15 =	vld [tilespmem:s12+$0x68F0]  }
0x1dc: {  	v5 =	vmul.f32 v8, v5;
	v2 =	vmul.f32 v4, v2;
	v4 =	vld [tilespmem:s12+$0x148F0]  }
0x1dd: {  	v1 =	vmul.f32 v1, v6;
	v8 =	vld [tilespmem:s12+$0x6800];
	v0 =	vmul.f32 v0, v11  }
0x1de: {  	v11 =	vmul.f32 v3, v10;
	v6 =	vld [tilespmem:s12+$0x14800]  }
0x1df: {  	v1 =	vadd.f32 v1, v5;
	v10 =	vld [tilespmem:s12+$0x6810];
	v0 =	vadd.f32 v0, v2;
	v2 =	vmul.f32 v14, v12  }
0x1e0: {  	v7 =	vmul.f32 v7, v9;
	v5 =	vld [tilespmem:s12+$0x14810]  }
0x1e1: {  	v1 =	vadd.f32 v11, v1;
	v9 =	vld [tilespmem:s12+$0x6820];
	v0 =	vadd.f32 v2, v0;
	v2 =	vmul.f32 v4, v15;
	v3, _, _ =	vpop (xrf2)  }
0x1e2: {  	v4 =	vld [tilespmem:s12+$0x14820];
	[tilespmem:v13+s31+$0x0] =	vst.idx.msk vm0, v3  }
0x1e3: {  	v1 =	vadd.f32 v7, v1;
	v3 =	vmul.f32 v6, v8;
	v8 =	vld [tilespmem:s12+$0x6830];
	v0 =	vadd.f32 v2, v0  }
0x1e4: {  	v7 =	vld [tilespmem:s12+$0x14830]  }
0x1e5: {  	v5 =	vmul.f32 v5, v10;
	v10 =	vld [tilespmem:s12+$0x6840];
	v1 =	vadd.f32 v0, v1  }
0x1e6: {  	v11 =	vld [tilespmem:s12+$0x14840]  }
.Ltmp3:
0x1e7: {  	v4 =	vmul.f32 v4, v9;
	v0 =	vld [tilespmem:s12+$0x6850];
	(xrf2) =	vadd.scan.msk.f32 $0xffff, v1;
	(pc) =	sbr.rel @p0 .LBB2_8-.Ltmp3, $4  }
0x1e8: {  	v2 =	vld [tilespmem:s12+$0x14850]  }
0x1e9: {  	v6 =	vadd.f32 v4, v3;
	v4 =	vmul.f32 v7, v8;
	v1 =	vld [tilespmem:s12+$0x6860]  }
0x1ea: {  	v3 =	vld [tilespmem:s12+$0x14860]  }
0x1eb: {  	s13 =	sadd.s32 $0x400, s13;
	v5 =	vadd.f32 v4, v5;
	v7 =	vmul.f32 v11, v10;
	v4 =	vld [tilespmem:s12+$0x6870]  }
0x1ec: {  	v8 =	vld [tilespmem:s12+$0x14870];
	_ =	sdelay $0x2  }
0x1ed: {  	v0 =	vmul.f32 v2, v0  }
0x1ee: {  	v2 =	vadd.f32 v7, v6  }
0x1ef: {  	v0 =	vadd.f32 v0, v5;
	v1 =	vmul.f32 v3, v1;
	v3 =	vmul.f32 v8, v4;
	_ =	sdelay $0x1  }
0x1f0: {  	v1 =	vadd.f32 v1, v2;
	v0 =	vadd.f32 v3, v0;
	_ =	sdelay $0x1  }
0x1f1: {  	v0 =	vadd.f32 v0, v1;
	_ =	sdelay $0x1  }
0x1f2: {  	(xrf2) =	vadd.scan.msk.f32 $0xffff, v0;
	_ =	sdelay $0x1  }
0x1f3: {  	s25 =	sadd.s32 $0xC2, s5  }
0x1f4: {  	v0 =	vmov s25  }
0x1f5: {  	s26 =	sadd.s32 $0xC3, s5;
	v0 =	vand.u32 $0xFFFFFFFE, v0  }
0x1f6: {  	v1 =	vmov s26;
	v0 =	vbroadcast v0, $0x0;
	_ =	sdelay $0x3  }
0x1f7: {  	v2, _, _ =	vpop (xrf2)  }
0x1f8: {  	[tilespmem:v1+s31+$0x0] =	vst.idx.msk vm0, v2;
	v1, _, _ =	vpop (xrf2)  }
0x1f9: {  	[tilespmem:v0+s31+$0x0] =	vst.idx.msk vm0, v1  }
0x1fa: {  	_ =	swait.ge [sflag:s9], $0x2000  }
0x1fb: {  	[sflag:s9] =	ssyncset.done $0x0  }
0x1fc: {  	[sflag:s9] =	ssyncadd.s32 $0xFFFFE000  }
0x1fd: {  	_ =	swait.ge [sflag:s9], $0x2000  }
0x1fe: {  	[sflag:s9] =	ssyncset.done $0x0  }
0x1ff: {  	s12 =	simm.s32 $0x0;
	[sflag:s9] =	ssyncadd.s32 $0xFFFFE000  }
0x200: {  	v0 =	vld [tilespmem:s12+$0x88E0]  }
0x201: {  	v1 =	vld [tilespmem:s12+$0x168E0]  }
0x202: {  	v2 =	vld [tilespmem:s12+$0x88C0]  }
0x203: {  	v3 =	vld [tilespmem:s12+$0x168C0]  }
0x204: {  	v4 =	vld [tilespmem:s12+$0x8880]  }
0x205: {  	v5 =	vld [tilespmem:s12+$0x16880]  }
0x206: {  	v6 =	vld [tilespmem:s12+$0x8890]  }
0x207: {  	v7 =	vld [tilespmem:s12+$0x16890]  }
0x208: {  	v8 =	vld [tilespmem:s12+$0x88A0]  }
0x209: {  	v9 =	vld [tilespmem:s12+$0x168A0]  }
0x20a: {  	v10 =	vld [tilespmem:s12+$0x88B0]  }
0x20b: {  	v11 =	vld [tilespmem:s12+$0x168B0]  }
0x20c: {  	v12 =	vld [tilespmem:s12+$0x88D0]  }
0x20d: {  	v13 =	vld [tilespmem:s12+$0x168D0]  }
0x20e: {  	v14 =	vld [tilespmem:s12+$0x88F0]  }
0x20f: {  	v15 =	vld [tilespmem:s12+$0x168F0];
	v4 =	vmul.f32 v5, v4;
	v5 =	vmul.f32 v7, v6  }
0x210: {  	v16 =	vld [tilespmem:s12+$0x8800];
	v7 =	vmul.f32 v9, v8;
	v8 =	vmul.f32 v11, v10  }
0x211: {  	v17 =	vld [tilespmem:s12+$0x16800];
	v2 =	vmul.f32 v3, v2  }
0x212: {  	v18 =	vld [tilespmem:s12+$0x8810];
	v4 =	vadd.f32 v7, v4;
	v5 =	vadd.f32 v8, v5;
	v7 =	vmul.f32 v13, v12  }
0x213: {  	v60 =	vld [tilespmem:s12+$0x8820];
	v0 =	vmul.f32 v1, v0  }
0x214: {  	v6 =	vld [tilespmem:s12+$0x16810];
	v2 =	vadd.f32 v2, v4;
	v4 =	vadd.f32 v7, v5;
	v5 =	vmul.f32 v15, v14  }
0x215: {  	v3 =	vld [tilespmem:s12+$0x16820]  }
0x216: {  	v1 =	vld [tilespmem:s12+$0x16830];
	v62 =	vadd.f32 v0, v2;
	v4 =	vadd.f32 v5, v4  }
0x217: {  	v8 =	vld [tilespmem:s12+$0x8830]  }
0x218: {  	v61 =	vld [tilespmem:s12+$0x16840];
	v4 =	vadd.f32 v4, v62  }
0x219: {  	v7 =	vld [tilespmem:s12+$0x8840]  }
0x21a: {  	v0 =	vld [tilespmem:s12+$0x8850];
	(xrf2) =	vadd.scan.msk.f32 $0xffff, v4  }
0x21b: {  	v63 =	vmul.f32 v6, v18;
	v6 =	vmul.f32 v3, v60;
	v2 =	vld [tilespmem:s12+$0x16850]  }
0x21c: {  	v3 =	vld [tilespmem:s12+$0x16860];
	v5 =	vmul.f32 v17, v16;
	v8 =	vmul.f32 v1, v8  }
0x21d: {  	v1 =	vld [tilespmem:s12+$0x8860]  }
0x21e: {  	s5 =	simm.s32 $0xFFFFFFFE;
	s13 =	simm.s32 $0x400;
	s25 =	simm.s32 $0x0;
	v6 =	vadd.f32 v6, v5;
	v5 =	vadd.f32 v8, v63;
	v7 =	vmul.f32 v61, v7;
	v4 =	vld [tilespmem:s12+$0x8870]  }
.LBB2_10:
0x21f: {  	v8 =	vld [tilespmem:s12+$0x16870];
	s12 =	sshra.s32 s13, $0x2;
	s14 =	sadd.s32 $0x103, s5;
	s26 =	smov.u32 s25  }
0x220: {  	v9 =	vld [tilespmem:s12+$0x88E0];
	v6 =	vadd.f32 v7, v6;
	v0 =	vmul.f32 v2, v0;
	v2 =	vmov s14  }
0x221: {  	v7 =	vld [tilespmem:s12+$0x168E0]  }
0x222: {  	v10 =	vld [tilespmem:s12+$0x88C0];
	v0 =	vadd.f32 v0, v5;
	v1 =	vmul.f32 v3, v1  }
0x223: {  	v3 =	vld [tilespmem:s12+$0x168C0]  }
0x224: {  	v5 =	vld [tilespmem:s12+$0x8880];
	v1 =	vadd.f32 v1, v6;
	v4 =	vmul.f32 v8, v4;
	v6, _, _ =	vpop (xrf2)  }
0x225: {  	v8 =	vld [tilespmem:s12+$0x16880];
	[tilespmem:v2+s31+$0x0] =	vst.idx.msk vm0, v6  }
0x226: {  	v2 =	vld [tilespmem:s12+$0x8890];
	v0 =	vadd.f32 v4, v0  }
0x227: {  	v4 =	vld [tilespmem:s12+$0x16890]  }
0x228: {  	v6 =	vld [tilespmem:s12+$0x88A0];
	v0 =	vadd.f32 v0, v1  }
0x229: {  	v1 =	vld [tilespmem:s12+$0x168A0]  }
0x22a: {  	s25 =	sadd.s32 $0x2, s25;
	v11 =	vld [tilespmem:s12+$0x88B0];
	(xrf2) =	vadd.scan.msk.f32 $0xffff, v0  }
0x22b: {  	p0 =	slt.u32 s25, $0x3E;
	s14 =	sadd.s32 $0x102, s5;
	s5 =	smov.u32 s26;
	v0 =	vld [tilespmem:s12+$0x168B0]  }
0x22c: {  	v13 =	vmov s14;
	v12 =	vld [tilespmem:s12+$0x88D0]  }
0x22d: {  	v13 =	vand.u32 $0xFFFFFFFE, v13;
	v14 =	vld [tilespmem:s12+$0x168D0]  }
0x22e: {  	v13 =	vbroadcast v13, $0x0;
	v15 =	vld [tilespmem:s12+$0x88F0]  }
0x22f: {  	v5 =	vmul.f32 v8, v5;
	v2 =	vmul.f32 v4, v2;
	v4 =	vld [tilespmem:s12+$0x168F0]  }
0x230: {  	v1 =	vmul.f32 v1, v6;
	v8 =	vld [tilespmem:s12+$0x8800];
	v0 =	vmul.f32 v0, v11  }
0x231: {  	v11 =	vmul.f32 v3, v10;
	v6 =	vld [tilespmem:s12+$0x16800]  }
0x232: {  	v1 =	vadd.f32 v1, v5;
	v10 =	vld [tilespmem:s12+$0x8810];
	v0 =	vadd.f32 v0, v2;
	v2 =	vmul.f32 v14, v12  }
0x233: {  	v7 =	vmul.f32 v7, v9;
	v5 =	vld [tilespmem:s12+$0x16810]  }
0x234: {  	v1 =	vadd.f32 v11, v1;
	v9 =	vld [tilespmem:s12+$0x8820];
	v0 =	vadd.f32 v2, v0;
	v2 =	vmul.f32 v4, v15;
	v3, _, _ =	vpop (xrf2)  }
0x235: {  	v4 =	vld [tilespmem:s12+$0x16820];
	[tilespmem:v13+s31+$0x0] =	vst.idx.msk vm0, v3  }
0x236: {  	v1 =	vadd.f32 v7, v1;
	v3 =	vmul.f32 v6, v8;
	v8 =	vld [tilespmem:s12+$0x8830];
	v0 =	vadd.f32 v2, v0  }
0x237: {  	v7 =	vld [tilespmem:s12+$0x16830]  }
0x238: {  	v5 =	vmul.f32 v5, v10;
	v10 =	vld [tilespmem:s12+$0x8840];
	v1 =	vadd.f32 v0, v1  }
0x239: {  	v11 =	vld [tilespmem:s12+$0x16840]  }
.Ltmp4:
0x23a: {  	v4 =	vmul.f32 v4, v9;
	v0 =	vld [tilespmem:s12+$0x8850];
	(xrf2) =	vadd.scan.msk.f32 $0xffff, v1;
	(pc) =	sbr.rel @p0 .LBB2_10-.Ltmp4, $4  }
0x23b: {  	v2 =	vld [tilespmem:s12+$0x16850]  }
0x23c: {  	v6 =	vadd.f32 v4, v3;
	v4 =	vmul.f32 v7, v8;
	v1 =	vld [tilespmem:s12+$0x8860]  }
0x23d: {  	v3 =	vld [tilespmem:s12+$0x16860]  }
0x23e: {  	s13 =	sadd.s32 $0x400, s13;
	v5 =	vadd.f32 v4, v5;
	v7 =	vmul.f32 v11, v10;
	v4 =	vld [tilespmem:s12+$0x8870]  }
0x23f: {  	v8 =	vld [tilespmem:s12+$0x16870];
	_ =	sdelay $0x2  }
0x240: {  	v0 =	vmul.f32 v2, v0  }
0x241: {  	v2 =	vadd.f32 v7, v6  }
0x242: {  	v0 =	vadd.f32 v0, v5;
	v1 =	vmul.f32 v3, v1;
	v3 =	vmul.f32 v8, v4;
	_ =	sdelay $0x1  }
0x243: {  	v1 =	vadd.f32 v1, v2;
	v0 =	vadd.f32 v3, v0;
	_ =	sdelay $0x1  }
0x244: {  	v0 =	vadd.f32 v0, v1;
	_ =	sdelay $0x1  }
0x245: {  	(xrf2) =	vadd.scan.msk.f32 $0xffff, v0;
	_ =	sdelay $0x1  }
0x246: {  	s25 =	sadd.s32 $0x102, s5  }
0x247: {  	v0 =	vmov s25  }
0x248: {  	s26 =	sadd.s32 $0x103, s5;
	v0 =	vand.u32 $0xFFFFFFFE, v0  }
0x249: {  	v1 =	vmov s26;
	v0 =	vbroadcast v0, $0x0;
	_ =	sdelay $0x3  }
0x24a: {  	v2, _, _ =	vpop (xrf2)  }
0x24b: {  	[tilespmem:v1+s31+$0x0] =	vst.idx.msk vm0, v2;
	v1, _, _ =	vpop (xrf2)  }
0x24c: {  	[tilespmem:v0+s31+$0x0] =	vst.idx.msk vm0, v1  }
0x24d: {  	_ =	swait.ge [sflag:s10], $0x2000  }
0x24e: {  	[sflag:s10] =	ssyncset.done $0x0  }
0x24f: {  	[sflag:s10] =	ssyncadd.s32 $0xFFFFE000  }
0x250: {  	_ =	swait.ge [sflag:s10], $0x2000  }
0x251: {  	[sflag:s10] =	ssyncset.done $0x0  }
0x252: {  	s12 =	simm.s32 $0x0;
	[sflag:s10] =	ssyncadd.s32 $0xFFFFE000  }
0x253: {  	v0 =	vld [tilespmem:s12+$0xA8E0]  }
0x254: {  	v1 =	vld [tilespmem:s12+$0x188E0]  }
0x255: {  	v2 =	vld [tilespmem:s12+$0xA8C0]  }
0x256: {  	v3 =	vld [tilespmem:s12+$0x188C0]  }
0x257: {  	v4 =	vld [tilespmem:s12+$0xA880]  }
0x258: {  	v5 =	vld [tilespmem:s12+$0x18880]  }
0x259: {  	v6 =	vld [tilespmem:s12+$0xA890]  }
0x25a: {  	v7 =	vld [tilespmem:s12+$0x18890]  }
0x25b: {  	v8 =	vld [tilespmem:s12+$0xA8A0]  }
0x25c: {  	v9 =	vld [tilespmem:s12+$0x188A0]  }
0x25d: {  	v10 =	vld [tilespmem:s12+$0xA8B0]  }
0x25e: {  	v11 =	vld [tilespmem:s12+$0x188B0]  }
0x25f: {  	v12 =	vld [tilespmem:s12+$0xA8D0]  }
0x260: {  	v13 =	vld [tilespmem:s12+$0x188D0]  }
0x261: {  	v14 =	vld [tilespmem:s12+$0xA8F0]  }
0x262: {  	v15 =	vld [tilespmem:s12+$0x188F0];
	v4 =	vmul.f32 v5, v4;
	v5 =	vmul.f32 v7, v6  }
0x263: {  	v16 =	vld [tilespmem:s12+$0xA800];
	v7 =	vmul.f32 v9, v8;
	v8 =	vmul.f32 v11, v10  }
0x264: {  	v17 =	vld [tilespmem:s12+$0x18800];
	v2 =	vmul.f32 v3, v2  }
0x265: {  	v18 =	vld [tilespmem:s12+$0xA810];
	v4 =	vadd.f32 v7, v4;
	v5 =	vadd.f32 v8, v5;
	v7 =	vmul.f32 v13, v12  }
0x266: {  	v60 =	vld [tilespmem:s12+$0xA820];
	v0 =	vmul.f32 v1, v0  }
0x267: {  	v6 =	vld [tilespmem:s12+$0x18810];
	v2 =	vadd.f32 v2, v4;
	v4 =	vadd.f32 v7, v5;
	v5 =	vmul.f32 v15, v14  }
0x268: {  	v3 =	vld [tilespmem:s12+$0x18820]  }
0x269: {  	v1 =	vld [tilespmem:s12+$0x18830];
	v62 =	vadd.f32 v0, v2;
	v4 =	vadd.f32 v5, v4  }
0x26a: {  	v8 =	vld [tilespmem:s12+$0xA830]  }
0x26b: {  	v61 =	vld [tilespmem:s12+$0x18840];
	v4 =	vadd.f32 v4, v62  }
0x26c: {  	v7 =	vld [tilespmem:s12+$0xA840]  }
0x26d: {  	v0 =	vld [tilespmem:s12+$0xA850];
	(xrf2) =	vadd.scan.msk.f32 $0xffff, v4  }
0x26e: {  	v63 =	vmul.f32 v6, v18;
	v6 =	vmul.f32 v3, v60;
	v2 =	vld [tilespmem:s12+$0x18850]  }
0x26f: {  	v3 =	vld [tilespmem:s12+$0x18860];
	v5 =	vmul.f32 v17, v16;
	v8 =	vmul.f32 v1, v8  }
0x270: {  	v1 =	vld [tilespmem:s12+$0xA860]  }
0x271: {  	s5 =	simm.s32 $0xFFFFFFFE;
	s13 =	simm.s32 $0x400;
	s25 =	simm.s32 $0x0;
	v6 =	vadd.f32 v6, v5;
	v5 =	vadd.f32 v8, v63;
	v7 =	vmul.f32 v61, v7;
	v4 =	vld [tilespmem:s12+$0xA870]  }
.LBB2_12:
0x272: {  	v8 =	vld [tilespmem:s12+$0x18870];
	s12 =	sshra.s32 s13, $0x2;
	s14 =	sadd.s32 $0x143, s5;
	s26 =	smov.u32 s25  }
0x273: {  	v9 =	vld [tilespmem:s12+$0xA8E0];
	v6 =	vadd.f32 v7, v6;
	v0 =	vmul.f32 v2, v0;
	v2 =	vmov s14  }
0x274: {  	v7 =	vld [tilespmem:s12+$0x188E0]  }
0x275: {  	v10 =	vld [tilespmem:s12+$0xA8C0];
	v0 =	vadd.f32 v0, v5;
	v1 =	vmul.f32 v3, v1  }
0x276: {  	v3 =	vld [tilespmem:s12+$0x188C0]  }
0x277: {  	v5 =	vld [tilespmem:s12+$0xA880];
	v1 =	vadd.f32 v1, v6;
	v4 =	vmul.f32 v8, v4;
	v6, _, _ =	vpop (xrf2)  }
0x278: {  	v8 =	vld [tilespmem:s12+$0x18880];
	[tilespmem:v2+s31+$0x0] =	vst.idx.msk vm0, v6  }
0x279: {  	v2 =	vld [tilespmem:s12+$0xA890];
	v0 =	vadd.f32 v4, v0  }
0x27a: {  	v4 =	vld [tilespmem:s12+$0x18890]  }
0x27b: {  	v6 =	vld [tilespmem:s12+$0xA8A0];
	v0 =	vadd.f32 v0, v1  }
0x27c: {  	v1 =	vld [tilespmem:s12+$0x188A0]  }
0x27d: {  	s25 =	sadd.s32 $0x2, s25;
	v11 =	vld [tilespmem:s12+$0xA8B0];
	(xrf2) =	vadd.scan.msk.f32 $0xffff, v0  }
0x27e: {  	p0 =	slt.u32 s25, $0x3E;
	s14 =	sadd.s32 $0x142, s5;
	s5 =	smov.u32 s26;
	v0 =	vld [tilespmem:s12+$0x188B0]  }
0x27f: {  	v13 =	vmov s14;
	v12 =	vld [tilespmem:s12+$0xA8D0]  }
0x280: {  	v13 =	vand.u32 $0xFFFFFFFE, v13;
	v14 =	vld [tilespmem:s12+$0x188D0]  }
0x281: {  	v13 =	vbroadcast v13, $0x0;
	v15 =	vld [tilespmem:s12+$0xA8F0]  }
0x282: {  	v5 =	vmul.f32 v8, v5;
	v2 =	vmul.f32 v4, v2;
	v4 =	vld [tilespmem:s12+$0x188F0]  }
0x283: {  	v1 =	vmul.f32 v1, v6;
	v8 =	vld [tilespmem:s12+$0xA800];
	v0 =	vmul.f32 v0, v11  }
0x284: {  	v11 =	vmul.f32 v3, v10;
	v6 =	vld [tilespmem:s12+$0x18800]  }
0x285: {  	v1 =	vadd.f32 v1, v5;
	v10 =	vld [tilespmem:s12+$0xA810];
	v0 =	vadd.f32 v0, v2;
	v2 =	vmul.f32 v14, v12  }
0x286: {  	v7 =	vmul.f32 v7, v9;
	v5 =	vld [tilespmem:s12+$0x18810]  }
0x287: {  	v1 =	vadd.f32 v11, v1;
	v9 =	vld [tilespmem:s12+$0xA820];
	v0 =	vadd.f32 v2, v0;
	v2 =	vmul.f32 v4, v15;
	v3, _, _ =	vpop (xrf2)  }
0x288: {  	v4 =	vld [tilespmem:s12+$0x18820];
	[tilespmem:v13+s31+$0x0] =	vst.idx.msk vm0, v3  }
0x289: {  	v1 =	vadd.f32 v7, v1;
	v3 =	vmul.f32 v6, v8;
	v8 =	vld [tilespmem:s12+$0xA830];
	v0 =	vadd.f32 v2, v0  }
0x28a: {  	v7 =	vld [tilespmem:s12+$0x18830]  }
0x28b: {  	v5 =	vmul.f32 v5, v10;
	v10 =	vld [tilespmem:s12+$0xA840];
	v1 =	vadd.f32 v0, v1  }
0x28c: {  	v11 =	vld [tilespmem:s12+$0x18840]  }
.Ltmp5:
0x28d: {  	v4 =	vmul.f32 v4, v9;
	v0 =	vld [tilespmem:s12+$0xA850];
	(xrf2) =	vadd.scan.msk.f32 $0xffff, v1;
	(pc) =	sbr.rel @p0 .LBB2_12-.Ltmp5, $4  }
0x28e: {  	v2 =	vld [tilespmem:s12+$0x18850]  }
0x28f: {  	v6 =	vadd.f32 v4, v3;
	v4 =	vmul.f32 v7, v8;
	v1 =	vld [tilespmem:s12+$0xA860]  }
0x290: {  	v3 =	vld [tilespmem:s12+$0x18860]  }
0x291: {  	s13 =	sadd.s32 $0x400, s13;
	v5 =	vadd.f32 v4, v5;
	v7 =	vmul.f32 v11, v10;
	v4 =	vld [tilespmem:s12+$0xA870]  }
0x292: {  	v8 =	vld [tilespmem:s12+$0x18870];
	_ =	sdelay $0x2  }
0x293: {  	v0 =	vmul.f32 v2, v0  }
0x294: {  	v2 =	vadd.f32 v7, v6  }
0x295: {  	v0 =	vadd.f32 v0, v5;
	v1 =	vmul.f32 v3, v1;
	v3 =	vmul.f32 v8, v4;
	_ =	sdelay $0x1  }
0x296: {  	v1 =	vadd.f32 v1, v2;
	v0 =	vadd.f32 v3, v0;
	_ =	sdelay $0x1  }
0x297: {  	v0 =	vadd.f32 v0, v1;
	_ =	sdelay $0x1  }
0x298: {  	(xrf2) =	vadd.scan.msk.f32 $0xffff, v0;
	_ =	sdelay $0x1  }
0x299: {  	s25 =	sadd.s32 $0x142, s5  }
0x29a: {  	v0 =	vmov s25  }
0x29b: {  	s26 =	sadd.s32 $0x143, s5;
	v0 =	vand.u32 $0xFFFFFFFE, v0  }
0x29c: {  	v1 =	vmov s26;
	v0 =	vbroadcast v0, $0x0;
	_ =	sdelay $0x3  }
0x29d: {  	v2, _, _ =	vpop (xrf2)  }
0x29e: {  	[tilespmem:v1+s31+$0x0] =	vst.idx.msk vm0, v2;
	v1, _, _ =	vpop (xrf2)  }
0x29f: {  	[tilespmem:v0+s31+$0x0] =	vst.idx.msk vm0, v1  }
0x2a0: {  	_ =	swait.ge [sflag:s23], $0x2000  }
0x2a1: {  	[sflag:s23] =	ssyncset.done $0x0  }
0x2a2: {  	[sflag:s23] =	ssyncadd.s32 $0xFFFFE000  }
0x2a3: {  	_ =	swait.ge [sflag:s23], $0x2000  }
0x2a4: {  	[sflag:s23] =	ssyncset.done $0x0  }
0x2a5: {  	s12 =	simm.s32 $0x0;
	[sflag:s23] =	ssyncadd.s32 $0xFFFFE000  }
0x2a6: {  	v0 =	vld [tilespmem:s12+$0xC8E0]  }
0x2a7: {  	v1 =	vld [tilespmem:s12+$0x1A8E0]  }
0x2a8: {  	v2 =	vld [tilespmem:s12+$0xC8C0]  }
0x2a9: {  	v3 =	vld [tilespmem:s12+$0x1A8C0]  }
0x2aa: {  	v4 =	vld [tilespmem:s12+$0xC880]  }
0x2ab: {  	v5 =	vld [tilespmem:s12+$0x1A880]  }
0x2ac: {  	v6 =	vld [tilespmem:s12+$0xC890]  }
0x2ad: {  	v7 =	vld [tilespmem:s12+$0x1A890]  }
0x2ae: {  	v8 =	vld [tilespmem:s12+$0xC8A0]  }
0x2af: {  	v9 =	vld [tilespmem:s12+$0x1A8A0]  }
0x2b0: {  	v10 =	vld [tilespmem:s12+$0xC8B0]  }
0x2b1: {  	v11 =	vld [tilespmem:s12+$0x1A8B0]  }
0x2b2: {  	v12 =	vld [tilespmem:s12+$0xC8D0]  }
0x2b3: {  	v13 =	vld [tilespmem:s12+$0x1A8D0]  }
0x2b4: {  	v14 =	vld [tilespmem:s12+$0xC8F0]  }
0x2b5: {  	v15 =	vld [tilespmem:s12+$0x1A8F0];
	v4 =	vmul.f32 v5, v4;
	v5 =	vmul.f32 v7, v6  }
0x2b6: {  	v16 =	vld [tilespmem:s12+$0xC800];
	v7 =	vmul.f32 v9, v8;
	v8 =	vmul.f32 v11, v10  }
0x2b7: {  	v17 =	vld [tilespmem:s12+$0x1A800];
	v2 =	vmul.f32 v3, v2  }
0x2b8: {  	v18 =	vld [tilespmem:s12+$0xC810];
	v4 =	vadd.f32 v7, v4;
	v5 =	vadd.f32 v8, v5;
	v7 =	vmul.f32 v13, v12  }
0x2b9: {  	v60 =	vld [tilespmem:s12+$0xC820];
	v0 =	vmul.f32 v1, v0  }
0x2ba: {  	v6 =	vld [tilespmem:s12+$0x1A810];
	v2 =	vadd.f32 v2, v4;
	v4 =	vadd.f32 v7, v5;
	v5 =	vmul.f32 v15, v14  }
0x2bb: {  	v3 =	vld [tilespmem:s12+$0x1A820]  }
0x2bc: {  	v1 =	vld [tilespmem:s12+$0x1A830];
	v62 =	vadd.f32 v0, v2;
	v4 =	vadd.f32 v5, v4  }
0x2bd: {  	v8 =	vld [tilespmem:s12+$0xC830]  }
0x2be: {  	v61 =	vld [tilespmem:s12+$0x1A840];
	v4 =	vadd.f32 v4, v62  }
0x2bf: {  	v7 =	vld [tilespmem:s12+$0xC840]  }
0x2c0: {  	v0 =	vld [tilespmem:s12+$0xC850];
	(xrf2) =	vadd.scan.msk.f32 $0xffff, v4  }
0x2c1: {  	v63 =	vmul.f32 v6, v18;
	v6 =	vmul.f32 v3, v60;
	v2 =	vld [tilespmem:s12+$0x1A850]  }
0x2c2: {  	v3 =	vld [tilespmem:s12+$0x1A860];
	v5 =	vmul.f32 v17, v16;
	v8 =	vmul.f32 v1, v8  }
0x2c3: {  	v1 =	vld [tilespmem:s12+$0xC860]  }
0x2c4: {  	s5 =	simm.s32 $0xFFFFFFFE;
	s13 =	simm.s32 $0x400;
	s25 =	simm.s32 $0x0;
	v6 =	vadd.f32 v6, v5;
	v5 =	vadd.f32 v8, v63;
	v7 =	vmul.f32 v61, v7;
	v4 =	vld [tilespmem:s12+$0xC870]  }
.LBB2_14:
0x2c5: {  	v8 =	vld [tilespmem:s12+$0x1A870];
	s12 =	sshra.s32 s13, $0x2;
	s14 =	sadd.s32 $0x183, s5;
	s26 =	smov.u32 s25  }
0x2c6: {  	v9 =	vld [tilespmem:s12+$0xC8E0];
	v6 =	vadd.f32 v7, v6;
	v0 =	vmul.f32 v2, v0;
	v2 =	vmov s14  }
0x2c7: {  	v7 =	vld [tilespmem:s12+$0x1A8E0]  }
0x2c8: {  	v10 =	vld [tilespmem:s12+$0xC8C0];
	v0 =	vadd.f32 v0, v5;
	v1 =	vmul.f32 v3, v1  }
0x2c9: {  	v3 =	vld [tilespmem:s12+$0x1A8C0]  }
0x2ca: {  	v5 =	vld [tilespmem:s12+$0xC880];
	v1 =	vadd.f32 v1, v6;
	v4 =	vmul.f32 v8, v4;
	v6, _, _ =	vpop (xrf2)  }
0x2cb: {  	v8 =	vld [tilespmem:s12+$0x1A880];
	[tilespmem:v2+s31+$0x0] =	vst.idx.msk vm0, v6  }
0x2cc: {  	v2 =	vld [tilespmem:s12+$0xC890];
	v0 =	vadd.f32 v4, v0  }
0x2cd: {  	v4 =	vld [tilespmem:s12+$0x1A890]  }
0x2ce: {  	v6 =	vld [tilespmem:s12+$0xC8A0];
	v0 =	vadd.f32 v0, v1  }
0x2cf: {  	v1 =	vld [tilespmem:s12+$0x1A8A0]  }
0x2d0: {  	s25 =	sadd.s32 $0x2, s25;
	v11 =	vld [tilespmem:s12+$0xC8B0];
	(xrf2) =	vadd.scan.msk.f32 $0xffff, v0  }
0x2d1: {  	p0 =	slt.u32 s25, $0x3E;
	s14 =	sadd.s32 $0x182, s5;
	s5 =	smov.u32 s26;
	v0 =	vld [tilespmem:s12+$0x1A8B0]  }
0x2d2: {  	v13 =	vmov s14;
	v12 =	vld [tilespmem:s12+$0xC8D0]  }
0x2d3: {  	v13 =	vand.u32 $0xFFFFFFFE, v13;
	v14 =	vld [tilespmem:s12+$0x1A8D0]  }
0x2d4: {  	v13 =	vbroadcast v13, $0x0;
	v15 =	vld [tilespmem:s12+$0xC8F0]  }
0x2d5: {  	v5 =	vmul.f32 v8, v5;
	v2 =	vmul.f32 v4, v2;
	v4 =	vld [tilespmem:s12+$0x1A8F0]  }
0x2d6: {  	v1 =	vmul.f32 v1, v6;
	v8 =	vld [tilespmem:s12+$0xC800];
	v0 =	vmul.f32 v0, v11  }
0x2d7: {  	v11 =	vmul.f32 v3, v10;
	v6 =	vld [tilespmem:s12+$0x1A800]  }
0x2d8: {  	v1 =	vadd.f32 v1, v5;
	v10 =	vld [tilespmem:s12+$0xC810];
	v0 =	vadd.f32 v0, v2;
	v2 =	vmul.f32 v14, v12  }
0x2d9: {  	v7 =	vmul.f32 v7, v9;
	v5 =	vld [tilespmem:s12+$0x1A810]  }
0x2da: {  	v1 =	vadd.f32 v11, v1;
	v9 =	vld [tilespmem:s12+$0xC820];
	v0 =	vadd.f32 v2, v0;
	v2 =	vmul.f32 v4, v15;
	v3, _, _ =	vpop (xrf2)  }
0x2db: {  	v4 =	vld [tilespmem:s12+$0x1A820];
	[tilespmem:v13+s31+$0x0] =	vst.idx.msk vm0, v3  }
0x2dc: {  	v1 =	vadd.f32 v7, v1;
	v3 =	vmul.f32 v6, v8;
	v8 =	vld [tilespmem:s12+$0xC830];
	v0 =	vadd.f32 v2, v0  }
0x2dd: {  	v7 =	vld [tilespmem:s12+$0x1A830]  }
0x2de: {  	v5 =	vmul.f32 v5, v10;
	v10 =	vld [tilespmem:s12+$0xC840];
	v1 =	vadd.f32 v0, v1  }
0x2df: {  	v11 =	vld [tilespmem:s12+$0x1A840]  }
.Ltmp6:
0x2e0: {  	v4 =	vmul.f32 v4, v9;
	v0 =	vld [tilespmem:s12+$0xC850];
	(xrf2) =	vadd.scan.msk.f32 $0xffff, v1;
	(pc) =	sbr.rel @p0 .LBB2_14-.Ltmp6, $4  }
0x2e1: {  	v2 =	vld [tilespmem:s12+$0x1A850]  }
0x2e2: {  	v6 =	vadd.f32 v4, v3;
	v4 =	vmul.f32 v7, v8;
	v1 =	vld [tilespmem:s12+$0xC860]  }
0x2e3: {  	v3 =	vld [tilespmem:s12+$0x1A860]  }
0x2e4: {  	s13 =	sadd.s32 $0x400, s13;
	v5 =	vadd.f32 v4, v5;
	v7 =	vmul.f32 v11, v10;
	v4 =	vld [tilespmem:s12+$0xC870]  }
0x2e5: {  	v8 =	vld [tilespmem:s12+$0x1A870];
	_ =	sdelay $0x2  }
0x2e6: {  	v0 =	vmul.f32 v2, v0  }
0x2e7: {  	v2 =	vadd.f32 v7, v6  }
0x2e8: {  	v0 =	vadd.f32 v0, v5;
	v1 =	vmul.f32 v3, v1;
	v3 =	vmul.f32 v8, v4;
	_ =	sdelay $0x1  }
0x2e9: {  	v1 =	vadd.f32 v1, v2;
	v0 =	vadd.f32 v3, v0;
	_ =	sdelay $0x1  }
0x2ea: {  	v0 =	vadd.f32 v0, v1;
	_ =	sdelay $0x1  }
0x2eb: {  	(xrf2) =	vadd.scan.msk.f32 $0xffff, v0;
	_ =	sdelay $0x1  }
0x2ec: {  	s25 =	sadd.s32 $0x182, s5  }
0x2ed: {  	v0 =	vmov s25  }
0x2ee: {  	s26 =	sadd.s32 $0x183, s5;
	v0 =	vand.u32 $0xFFFFFFFE, v0  }
0x2ef: {  	v1 =	vmov s26;
	v0 =	vbroadcast v0, $0x0;
	_ =	sdelay $0x3  }
0x2f0: {  	v2, _, _ =	vpop (xrf2)  }
0x2f1: {  	[tilespmem:v1+s31+$0x0] =	vst.idx.msk vm0, v2;
	v1, _, _ =	vpop (xrf2)  }
0x2f2: {  	[tilespmem:v0+s31+$0x0] =	vst.idx.msk vm0, v1  }
0x2f3: {  	_ =	swait.ge [sflag:s7], $0x2000  }
0x2f4: {  	[sflag:s7] =	ssyncset.done $0x0  }
0x2f5: {  	[sflag:s7] =	ssyncadd.s32 $0xFFFFE000  }
0x2f6: {  	_ =	swait.ge [sflag:s7], $0x2000  }
0x2f7: {  	[sflag:s7] =	ssyncset.done $0x0  }
0x2f8: {  	s13 =	simm.s32 $0x880;
	[sflag:s7] =	ssyncadd.s32 $0xFFFFE000  }
0x2f9: {  	s12 =	simm.s32 $0xE880;
	v0 =	vld [tilespmem:s13+$0x60]  }
0x2fa: {  	v1 =	vld [tilespmem:s12+$0x60]  }
0x2fb: {  	v2 =	vld [tilespmem:s13+$0x40]  }
0x2fc: {  	v3 =	vld [tilespmem:s12+$0x40]  }
0x2fd: {  	v4 =	vld [tilespmem:s13+$0x0]  }
0x2fe: {  	v5 =	vld [tilespmem:s12+$0x0]  }
0x2ff: {  	v6 =	vld [tilespmem:s13+$0x10]  }
0x300: {  	v7 =	vld [tilespmem:s12+$0x10]  }
0x301: {  	v8 =	vld [tilespmem:s13+$0x20]  }
0x302: {  	v9 =	vld [tilespmem:s12+$0x20]  }
0x303: {  	v10 =	vld [tilespmem:s13+$0x30]  }
0x304: {  	v11 =	vld [tilespmem:s12+$0x30]  }
0x305: {  	v12 =	vld [tilespmem:s13+$0x50]  }
0x306: {  	v13 =	vld [tilespmem:s12+$0x50]  }
0x307: {  	v14 =	vld [tilespmem:s13+$0x70]  }
0x308: {  	v15 =	vld [tilespmem:s12+$0x70];
	v4 =	vmul.f32 v5, v4;
	v5 =	vmul.f32 v7, v6  }
0x309: {  	v16 =	vld [tilespmem:s12+$0xFFFFFF80];
	v7 =	vmul.f32 v9, v8;
	v8 =	vmul.f32 v11, v10  }
0x30a: {  	v17 =	vld [tilespmem:s13+$0xFFFFFF90];
	v2 =	vmul.f32 v3, v2  }
0x30b: {  	v18 =	vld [tilespmem:s12+$0xFFFFFF90];
	v4 =	vadd.f32 v7, v4;
	v5 =	vadd.f32 v8, v5;
	v7 =	vmul.f32 v13, v12  }
0x30c: {  	v19 =	vld [tilespmem:s13+$0xFFFFFFA0];
	v1 =	vmul.f32 v1, v0  }
0x30d: {  	v6 =	vld [tilespmem:s12+$0xFFFFFFA0];
	v2 =	vadd.f32 v2, v4;
	v4 =	vadd.f32 v7, v5;
	v5 =	vmul.f32 v15, v14  }
0x30e: {  	v9 =	vld [tilespmem:s13+$0xFFFFFFB0]  }
0x30f: {  	v3 =	vld [tilespmem:s12+$0xFFFFFFB0];
	v7 =	vadd.f32 v1, v2;
	v4 =	vadd.f32 v5, v4  }
0x310: {  	v8 =	vld [tilespmem:s13+$0xFFFFFF80]  }
0x311: {  	v10 =	vld [tilespmem:s13+$0xFFFFFFC0];
	v7 =	vadd.f32 v4, v7  }
0x312: {  	v11 =	vld [tilespmem:s12+$0xFFFFFFC0]  }
0x313: {  	v0 =	vld [tilespmem:s13+$0xFFFFFFD0];
	(xrf2) =	vadd.scan.msk.f32 $0xffff, v7  }
0x314: {  	v2 =	vld [tilespmem:s12+$0xFFFFFFD0]  }
0x315: {  	v6 =	vmul.f32 v6, v19;
	v1 =	vld [tilespmem:s13+$0xFFFFFFE0];
	v8 =	vmul.f32 v16, v8  }
0x316: {  	v9 =	vmul.f32 v3, v9;
	v5 =	vmul.f32 v18, v17;
	v4 =	vld [tilespmem:s12+$0xFFFFFFE0]  }
0x317: {  	s5 =	simm.s32 $0xFFFFFFFE;
	v3 =	vld [tilespmem:s13+$0xFFFFFFF0];
	v7 =	vadd.f32 v6, v8;
	v8 =	vmul.f32 v11, v10  }
0x318: {  	s26 =	simm.s32 $0x1C1;
	s25 =	simm.s32 $0x0;
	s13 =	simm.s32 $0x980;
	v5 =	vadd.f32 v9, v5;
	v6 =	vld [tilespmem:s12+$0xFFFFFFF0]  }
.LBB2_16:
0x319: {  	v9 =	vld [tilespmem:s13+$0x60];
	v7 =	vadd.f32 v8, v7;
	v0 =	vmul.f32 v2, v0;
	v2 =	vmov s26;
	s12 =	sadd.s32 $0x100, s12  }
0x31a: {  	v8 =	vld [tilespmem:s12+$0x60]  }
0x31b: {  	v10 =	vld [tilespmem:s13+$0x40];
	v0 =	vadd.f32 v0, v5;
	v1 =	vmul.f32 v4, v1  }
0x31c: {  	v4 =	vld [tilespmem:s12+$0x40]  }
0x31d: {  	v5 =	vld [tilespmem:s13+$0x0];
	v1 =	vadd.f32 v1, v7;
	v3 =	vmul.f32 v6, v3;
	v6, _, _ =	vpop (xrf2)  }
0x31e: {  	v7 =	vld [tilespmem:s12+$0x0];
	[tilespmem:v2+s31+$0x0] =	vst.idx.msk vm0, v6  }
0x31f: {  	v2 =	vld [tilespmem:s13+$0x10];
	v0 =	vadd.f32 v3, v0  }
0x320: {  	v3 =	vld [tilespmem:s12+$0x10]  }
0x321: {  	v6 =	vld [tilespmem:s13+$0x20];
	v0 =	vadd.f32 v0, v1  }
0x322: {  	v1 =	vld [tilespmem:s12+$0x20]  }
0x323: {  	v11 =	vld [tilespmem:s13+$0x30];
	(xrf2) =	vadd.scan.msk.f32 $0xffff, v0  }
0x324: {  	s14 =	sadd.s32 $0x1C2, s5;
	s5 =	smov.u32 s25;
	s25 =	sadd.s32 $0x2, s25;
	v0 =	vld [tilespmem:s12+$0x30]  }
0x325: {  	p0 =	slt.u32 s25, $0x3E;
	v13 =	vmov s14;
	v12 =	vld [tilespmem:s13+$0x50]  }
0x326: {  	v13 =	vand.u32 $0xFFFFFFFE, v13;
	v14 =	vld [tilespmem:s12+$0x50]  }
0x327: {  	v13 =	vbroadcast v13, $0x0;
	v15 =	vld [tilespmem:s13+$0x70]  }
0x328: {  	v5 =	vmul.f32 v7, v5;
	v2 =	vmul.f32 v3, v2;
	v3 =	vld [tilespmem:s12+$0x70]  }
0x329: {  	v1 =	vmul.f32 v1, v6;
	v7 =	vld [tilespmem:s12+$0xFFFFFF80];
	v0 =	vmul.f32 v0, v11  }
0x32a: {  	v4 =	vmul.f32 v4, v10;
	v6 =	vld [tilespmem:s13+$0xFFFFFF90]  }
0x32b: {  	v1 =	vadd.f32 v1, v5;
	v10 =	vld [tilespmem:s12+$0xFFFFFF90];
	v0 =	vadd.f32 v0, v2;
	v2 =	vmul.f32 v14, v12  }
0x32c: {  	v8 =	vmul.f32 v8, v9;
	v5 =	vld [tilespmem:s13+$0xFFFFFFA0]  }
0x32d: {  	v1 =	vadd.f32 v4, v1;
	v9 =	vld [tilespmem:s12+$0xFFFFFFA0];
	v0 =	vadd.f32 v2, v0;
	v2 =	vmul.f32 v3, v15;
	v3, _, _ =	vpop (xrf2)  }
0x32e: {  	v4 =	vld [tilespmem:s13+$0xFFFFFFB0];
	[tilespmem:v13+s31+$0x0] =	vst.idx.msk vm0, v3  }
0x32f: {  	v1 =	vadd.f32 v8, v1;
	v3 =	vld [tilespmem:s12+$0xFFFFFFB0];
	v0 =	vadd.f32 v2, v0  }
0x330: {  	v8 =	vld [tilespmem:s13+$0xFFFFFF80];
	v6 =	vmul.f32 v10, v6  }
0x331: {  	v10 =	vld [tilespmem:s13+$0xFFFFFFC0];
	v1 =	vadd.f32 v0, v1  }
0x332: {  	v9 =	vmul.f32 v9, v5;
	v11 =	vld [tilespmem:s12+$0xFFFFFFC0]  }
0x333: {  	v0 =	vld [tilespmem:s13+$0xFFFFFFD0];
	(xrf2) =	vadd.scan.msk.f32 $0xffff, v1  }
.Ltmp7:
0x334: {  	v3 =	vmul.f32 v3, v4;
	v2 =	vld [tilespmem:s12+$0xFFFFFFD0];
	(pc) =	sbr.rel @p0 .LBB2_16-.Ltmp7, $4  }
0x335: {  	v7 =	vmul.f32 v7, v8;
	v1 =	vld [tilespmem:s13+$0xFFFFFFE0]  }
0x336: {  	v5 =	vadd.f32 v3, v6;
	v4 =	vld [tilespmem:s12+$0xFFFFFFE0]  }
0x337: {  	v7 =	vadd.f32 v9, v7;
	v8 =	vmul.f32 v11, v10;
	v3 =	vld [tilespmem:s13+$0xFFFFFFF0]  }
0x338: {  	s26 =	sadd.s32 $0x1C3, s5;
	s13 =	sadd.s32 $0x100, s13;
	v6 =	vld [tilespmem:s12+$0xFFFFFFF0]  }
0x339: {  	_ =	sdelay $0x1  }
0x33a: {  	v0 =	vmul.f32 v2, v0  }
0x33b: {  	v59 =	vadd.f32 v8, v7  }
0x33c: {  	v0 =	vadd.f32 v0, v5;
	v1 =	vmul.f32 v4, v1;
	v3 =	vmul.f32 v6, v3;
	_ =	sdelay $0x1  }
0x33d: {  	v1 =	vadd.f32 v1, v59;
	v0 =	vadd.f32 v3, v0;
	_ =	sdelay $0x1  }
0x33e: {  	v0 =	vadd.f32 v0, v1;
	_ =	sdelay $0x1  }
0x33f: {  	(xrf2) =	vadd.scan.msk.f32 $0xffff, v0;
	_ =	sdelay $0x1  }
0x340: {  	s5 =	sadd.s32 $0x1C2, s5  }
0x341: {  	v60 =	vmov s5  }
0x342: {  	v0 =	vand.u32 $0xFFFFFFFE, v60  }
0x343: {  	v61 =	vmov s26;
	v0 =	vbroadcast v0, $0x0;
	_ =	sdelay $0x3  }
0x344: {  	v62, _, _ =	vpop (xrf2)  }
0x345: {  	s11 =	sadd.s32 $0x1, s11;
	[tilespmem:v61+s31+$0x0] =	vst.idx.msk vm0, v62;
	v63, _, _ =	vpop (xrf2)  }
0x346: {  	p0 =	sne.s32 s11, s22;
	[tilespmem:v0+s31+$0x0] =	vst.idx.msk vm0, v63  }
.Ltmp8:
0x347: {  	s26 =	rddreg [dreg:$0x16];
	(pc) =	sbr.rel @p0 .LBB2_1-.Ltmp8, $4  }
0x348: {  	[hbm4b:s26+s4] =	stream.linear.scatter [tilespmem:s31], [sflag:$0x9], $0x200, $0x38;
	[tilespmem:$0x1CA00] =	vst v63  }
0x349: {  	_ =	swait.ge [sflag:s24], $0x200  }
0x34a: {  	[sflag:s24] =	ssyncset.done $0x0  }
0x34b: {  	[sflag:s24] =	ssyncadd.s32 $0xFFFFFE00  }
0x34c: {  	_ =	sfence.sel $0x180000  }
0x34d: {  	[bflag:$0x0] =	sbarrier.arrive $0xFFFF  }
0x34e: {  	_ =	strace $0x90000047  }
0x34f: {  	s0 =	stileid.u32;
	[bflag:$0x2] =	sbarrier.arrive $0xFFFF  }
0x350: {  	p0 =	sne.s32 s0, $0x0;
	s0 =	rddreg [dreg:$0x5]  }
0x351: {  	s0 =	sadd.s32 @!p0 $0x100000, s0  }
0x352: {  	[sflag:s0] =	ssyncadd.tile.s32 @!p0 $0x1;
	_ =	shalt  }
.Lfunc_end2:
_tile_overlayer_lowered:
.L_overlay_start_2:
0x353: {  	(tag) =	ssettag $0x2  }
0x354: {  	s0 =	rddreg [dreg:$0x0];
	s2 =	stileid.u32  }
0x355: {  	s1 =	rddreg [dreg:$0x1];
	p0 =	sne.s32 s2, $0x0  }
0x356: {  	s3 =	rddreg [dreg:$0x2];
	[bflag:$0x3] =	sbarrier.arrive $0xFFFF;
	s2 =	simm.s32 @!p0 $0x1C09  }
0x357: {  	[timem:s3], [sflag:s2] =	dma.local @!p0 [hbm:s0], s1  }
0x358: {  	s0 =	simm.s32 @!p0 $0x9  }
0x359: {  	_ =	swait.ge @!p0 [sflag:s0], s1  }
0x35a: {  	s1 =	ssub.s32 @!p0 $0x0, s1;
	[sflag:s0] =	ssyncset.done @!p0 $0x0  }
0x35b: {  	[sflag:s0] =	ssyncadd.s32 @!p0 s1  }
0x35c: {  	[bflag:$0x3] =	sbarrier.arrive $0xFFFF  }
0x35d: {  	_ =	shalt  }

</sc_bundles>
